<compile_context>
chip_gen: v7x
topology: tpu7x:2x2x1
jax: 0.10.2.dev20260603
libtpu: 0.0.44.dev20260713+nightly
codegen_flags: <defaults>
</compile_context>

<pallas_src>
import functools

import jax
import jax.numpy as jnp
from jax import lax
from jax.experimental import pallas as pl
from jax.experimental.pallas import tpu as pltpu
from jax.experimental.pallas import tpu_sc as plsc

N = 10000
E = 320000
D = 128
NC = 2
NS = 16
C = 128
RPT = 624
TAIL0 = RPT * NS
TAIL = N - TAIL0
NBUF = 3
CHUNKS = 81
BODIES = CHUNKS // NBUF
EPW = CHUNKS * C
EPAD = NC * NS * EPW


def _sc_aggregate(h_pad, src, dst, zeros):
    mesh = plsc.VectorSubcoreMesh(core_axis_name="c", subcore_axis_name="s")

    @functools.partial(
        pl.kernel,
        mesh=mesh,
        out_type=jax.ShapeDtypeStruct((NC, N, D), jnp.float32),
        scratch_types=[
            [pltpu.VMEM((C,), jnp.int32) for _ in range(NBUF)],
            [pltpu.VMEM((C,), jnp.int32) for _ in range(NBUF)],
            [pltpu.VMEM((C, D), jnp.float32) for _ in range(NBUF)],
            pltpu.VMEM_SHARED((N, D), jnp.float32),
            [pltpu.SemaphoreType.DMA for _ in range(NBUF)],
            [pltpu.SemaphoreType.DMA for _ in range(NBUF)],
            [pltpu.SemaphoreType.DMA for _ in range(NBUF)],
            [pltpu.SemaphoreType.DMA for _ in range(NBUF)],
        ],
    )
    def agg_kernel(h_hbm, src_hbm, dst_hbm, zeros_hbm, out_hbm,
                   src_v, dst_v, rows_v, acc_sh,
                   sems_a, sems_d, sems_g, sems_s):
        c = lax.axis_index("c")
        s = lax.axis_index("s")
        w = c * NS + s
        row0 = s * RPT

        @pl.when(c == 0)
        def _():
            pltpu.sync_copy(h_hbm.at[pl.ds(row0, RPT)],
                            acc_sh.at[pl.ds(row0, RPT)])

            @pl.when(s == NS - 1)
            def _():
                pltpu.sync_copy(h_hbm.at[pl.ds(TAIL0, TAIL)],
                                acc_sh.at[pl.ds(TAIL0, TAIL)])

        @pl.when(c != 0)
        def _():
            pltpu.sync_copy(zeros_hbm.at[pl.ds(row0, RPT)],
                            acc_sh.at[pl.ds(row0, RPT)])

            @pl.when(s == NS - 1)
            def _():
                pltpu.sync_copy(zeros_hbm.at[pl.ds(TAIL0, TAIL)],
                                acc_sh.at[pl.ds(TAIL0, TAIL)])

        plsc.subcore_barrier()

        def fire_src(j, g):
            eb = pl.multiple_of(g * C, 8)
            pltpu.async_copy(src_hbm.at[pl.ds(eb, C)], src_v[j], sems_a[j])

        def fire_dst(j, g):
            eb = pl.multiple_of(g * C, 8)
            pltpu.async_copy(dst_hbm.at[pl.ds(eb, C)], dst_v[j], sems_d[j])

        def fire_gather(j):
            pltpu.async_copy(h_hbm.at[src_v[j]], rows_v[j], sems_g[j])

        def fire_scatter(j):
            pltpu.async_copy(rows_v[j], acc_sh.at[dst_v[j]], sems_s[j],
                             add=True)

        def wait_src(j):
            pltpu.make_async_copy(src_hbm.at[pl.ds(0, C)], src_v[j],
                                  sems_a[j]).wait()

        def wait_dst(j):
            pltpu.make_async_copy(dst_hbm.at[pl.ds(0, C)], dst_v[j],
                                  sems_d[j]).wait()

        def wait_gather(j):
            pltpu.make_async_copy(h_hbm.at[src_v[j]], rows_v[j],
                                  sems_g[j]).wait()

        def wait_scatter(j):
            pltpu.make_async_copy(rows_v[j], acc_sh.at[dst_v[j]],
                                  sems_s[j]).wait()

        base = w * CHUNKS
        for j in range(NBUF):
            fire_src(j, base + j)
            fire_dst(j, base + j)
        for j in range(NBUF):
            wait_src(j)
            fire_gather(j)

        def body(p, carry):
            g0 = base + p * NBUF
            for j in range(NBUF):
                wait_gather(j)
                wait_dst(j)
                fire_scatter(j)
                fire_src(j, g0 + NBUF + j)
            for j in range(NBUF):
                wait_scatter(j)
                fire_dst(j, g0 + NBUF + j)
                wait_src(j)
                fire_gather(j)
            return carry

        lax.fori_loop(0, BODIES, body, 0)
        for j in range(NBUF):
            wait_gather(j)
            wait_dst(j)

        plsc.subcore_barrier()
        pltpu.sync_copy(acc_sh.at[pl.ds(row0, RPT)],
                        out_hbm.at[c, pl.ds(row0, RPT)])

        @pl.when(s == NS - 1)
        def _():
            pltpu.sync_copy(acc_sh.at[pl.ds(TAIL0, TAIL)],
                            out_hbm.at[c, pl.ds(TAIL0, TAIL)])

    return agg_kernel(h_pad, src, dst, zeros)


def _tc_mlp(agg, W, b):
    d_out = W.shape[1]
    BR = 1000

    def mm_kernel(a_ref, w_ref, b_ref, o_ref):
        x = a_ref[0] + a_ref[1]
        o_ref[...] = jnp.dot(x, w_ref[...],
                             preferred_element_type=jnp.float32) + b_ref[...]

    return pl.pallas_call(
        mm_kernel,
        grid=(N // BR,),
        in_specs=[
            pl.BlockSpec((2, BR, D), lambda i: (0, i, 0)),
            pl.BlockSpec((D, d_out), lambda i: (0, 0)),
            pl.BlockSpec((1, d_out), lambda i: (0, 0)),
        ],
        out_specs=pl.BlockSpec((BR, d_out), lambda i: (i, 0)),
        out_shape=jax.ShapeDtypeStruct((N, d_out), jnp.float32),
    )(agg, W, b.reshape(1, d_out))


def kernel(features, edge_index, W_in, b_in, W_hid, b_hid, W_out, b_out):
    pad = EPAD + NBUF * C - E
    pad_iota = jnp.arange(pad, dtype=jnp.int32)
    src = jnp.concatenate([edge_index[0], N + (pad_iota % 8)])
    dst = jnp.concatenate([edge_index[1], pad_iota % N])
    zeros = jnp.zeros((N, D), jnp.float32)
    h = features
    for W, b in ((W_in, b_in), (W_hid, b_hid), (W_out, b_out)):
        h_pad = jnp.concatenate([h, jnp.zeros((8, D), jnp.float32)])
        agg = _sc_aggregate(h_pad, src, dst, zeros)
        h = _tc_mlp(agg, W, b)
    return h

# --- scband reference (transcript-rebuilt; emitter-appended) ---
"""Pipeline reference for scband-gin-40767829574578 (READ-ONLY COPY).

The authoritative reference and input builder live on the scoring server;
editing this copy changes nothing except your own understanding.
"""

import jax, jax.numpy as jnp
import numpy as np

N = 10000
E = 320000
D_IN = 128
D_HID = 128
N_CLASSES = 32


def setup_inputs(seed: int = 0) -> dict:
    key = jax.random.key(seed)
    ks = jax.random.split(key, 9)
    features = jax.random.normal(ks[0], (N, D_IN), dtype=jnp.float32)
    edge_index = jax.random.randint(ks[1], (2, E), 0, N, dtype=jnp.int32)
    W_in = jax.random.normal(ks[2], (D_IN, D_HID), dtype=jnp.float32) * 0.05
    b_in = jnp.zeros((D_HID,), dtype=jnp.float32)
    W_hid = jax.random.normal(ks[3], (D_HID, D_HID), dtype=jnp.float32) * 0.05
    b_hid = jnp.zeros((D_HID,), dtype=jnp.float32)
    W_out = jax.random.normal(ks[4], (D_HID, N_CLASSES), dtype=jnp.float32) * 0.05
    b_out = jnp.zeros((N_CLASSES,), dtype=jnp.float32)
    return {
        "features": features,
        "edge_index": edge_index,
        "W_in": W_in,
        "b_in": b_in,
        "W_hid": W_hid,
        "b_hid": b_hid,
        "W_out": W_out,
        "b_out": b_out,
    }


def reference(features, edge_index, W_in, b_in, W_hid, b_hid, W_out, b_out):
    # GINConv with aggregator_type='sum', eps=0 (default, not learned):
    #   h_out = apply_func((1 + eps) * h_dst + sum_{j in N(dst)} h_j)
    src = edge_index[0]
    dst = edge_index[1]

    def gin_conv(h, W, b):
        msgs = h[src]  # gather over source nodes
        agg = jnp.zeros((h.shape[0], h.shape[1]), dtype=h.dtype).at[dst].add(msgs)  # scatter-add
        return (h + agg) @ W + b

    # layer 0: input_MLP
    h = gin_conv(features, W_in, b_in)
    # n_hidden_layers - 1 = 1 hidden layer, shared hidden_MLP weights
    h = gin_conv(h, W_hid, b_hid)
    # output layer: output_MLP
    h = gin_conv(h, W_out, b_out)
    return h

if __name__ == "__main__":
    import jax
    _d = setup_inputs()
    print(jax.jit(kernel)(*tuple(_d.values())))

</pallas_src>

<mosaic_0001>
#map = affine_map<(d0, d1) -> (0, 0)>
#map1 = affine_map<(d0, d1) -> (0)>
#map2 = affine_map<(d0, d1) -> (0, 0, 0)>
module attributes {stable_mosaic.version = 14 : i64} {
  func.func @agg_kernel(%arg0: i32, %arg1: i32, %arg2: memref<10008x128xf32, #tpu.memory_space<hbm>>, %arg3: memref<332160xi32, #tpu.memory_space<hbm>>, %arg4: memref<332160xi32, #tpu.memory_space<hbm>>, %arg5: memref<10000x128xf32, #tpu.memory_space<hbm>>, %arg6: memref<2x10000x128xf32, #tpu.memory_space<hbm>>, %arg7: memref<128xi32, #tpu.memory_space<vmem>>, %arg8: memref<128xi32, #tpu.memory_space<vmem>>, %arg9: memref<128xi32, #tpu.memory_space<vmem>>, %arg10: memref<128xi32, #tpu.memory_space<vmem>>, %arg11: memref<128xi32, #tpu.memory_space<vmem>>, %arg12: memref<128xi32, #tpu.memory_space<vmem>>, %arg13: memref<128x128xf32, #tpu.memory_space<vmem>>, %arg14: memref<128x128xf32, #tpu.memory_space<vmem>>, %arg15: memref<128x128xf32, #tpu.memory_space<vmem>>, %arg16: memref<10000x128xf32, #tpu.memory_space<vmem_shared>>, %arg17: memref<!tpu.dma_semaphore, #tpu.memory_space<semaphore_mem>>, %arg18: memref<!tpu.dma_semaphore, #tpu.memory_space<semaphore_mem>>, %arg19: memref<!tpu.dma_semaphore, #tpu.memory_space<semaphore_mem>>, %arg20: memref<!tpu.dma_semaphore, #tpu.memory_space<semaphore_mem>>, %arg21: memref<!tpu.dma_semaphore, #tpu.memory_space<semaphore_mem>>, %arg22: memref<!tpu.dma_semaphore, #tpu.memory_space<semaphore_mem>>, %arg23: memref<!tpu.dma_semaphore, #tpu.memory_space<semaphore_mem>>, %arg24: memref<!tpu.dma_semaphore, #tpu.memory_space<semaphore_mem>>, %arg25: memref<!tpu.dma_semaphore, #tpu.memory_space<semaphore_mem>>, %arg26: memref<!tpu.dma_semaphore, #tpu.memory_space<semaphore_mem>>, %arg27: memref<!tpu.dma_semaphore, #tpu.memory_space<semaphore_mem>>, %arg28: memref<!tpu.dma_semaphore, #tpu.memory_space<semaphore_mem>>) attributes {dimension_semantics = [#tpu.dimension_semantics<core_parallel>, #tpu.dimension_semantics<subcore_parallel>], iteration_bounds = array<i64: 2, 16>, scalar_prefetch = 0 : i64, scratch_operands = 22 : i64, tpu.core_type = #tpu.core_type<sc_vector_subcore>, window_params = [{transform_indices = #map}, {transform_indices = #map1}, {transform_indices = #map1}, {transform_indices = #map}, {transform_indices = #map2}]} {
    %mul3A = arith.constant 16 : i32
    %mul3A_0 = arith.muli %arg0, %mul3A : i32
    %add3A = arith.addi %mul3A_0, %arg1 : i32
    %mul3A_1 = arith.constant 624 : i32
    %mul3A_2 = arith.muli %arg1, %mul3A_1 : i32
    %eq3A = arith.constant 0 : i32
    %eq3A_3 = arith.cmpi eq, %arg0, %eq3A : i32
    %convert_element_type3A = arith.extui %eq3A_3 : i1 to i32
    %cond3A = arith.constant 0 : i32
    %cond3A_4 = arith.cmpi ne, %convert_element_type3A, %cond3A : i32
    scf.if %cond3A_4 {
      "tpu.region"() ({
        %run_scoped3A = tpu.sem_alloc : memref<!tpu.dma_semaphore, #tpu.memory_space<semaphore_mem>>
        %dma_start3A_108 = arith.constant 0 : i32
        %dma_start3A_109 = tpu.memref_slice %arg16[%mul3A_2, %dma_start3A_108] : memref<10000x128xf32, #tpu.memory_space<vmem_shared>> -> memref<624x128xf32, #tpu.memory_space<vmem_shared>>
        %dma_start3A_110 = arith.constant 0 : i32
        %dma_start3A_111 = tpu.memref_slice %arg2[%mul3A_2, %dma_start3A_110] : memref<10008x128xf32, #tpu.memory_space<hbm>> -> memref<624x128xf32, #tpu.memory_space<hbm>>
        tpu.enqueue_dma source(%dma_start3A_111 : memref<624x128xf32, #tpu.memory_space<hbm>>) target(%dma_start3A_109 : memref<624x128xf32, #tpu.memory_space<vmem_shared>>) target_semaphore(%run_scoped3A : memref<!tpu.dma_semaphore, #tpu.memory_space<semaphore_mem>>)
        %dma_wait3A_112 = arith.constant 0 : i32
        %dma_wait3A_113 = tpu.memref_slice %arg16[%mul3A_2, %dma_wait3A_112] : memref<10000x128xf32, #tpu.memory_space<vmem_shared>> -> memref<624x128xf32, #tpu.memory_space<vmem_shared>>
        %dma_wait3A_114 = arith.constant 0 : i32
        %dma_wait3A_115 = tpu.memref_slice %arg2[%mul3A_2, %dma_wait3A_114] : memref<10008x128xf32, #tpu.memory_space<hbm>> -> memref<624x128xf32, #tpu.memory_space<hbm>>
        tpu.wait_dma2 semaphore(%run_scoped3A : memref<!tpu.dma_semaphore, #tpu.memory_space<semaphore_mem>>) src(%dma_wait3A_115 : memref<624x128xf32, #tpu.memory_space<hbm>>) dst(%dma_wait3A_113 : memref<624x128xf32, #tpu.memory_space<vmem_shared>>)
        tpu.yield
      }) : () -> ()
      %eq3A_103 = arith.constant 15 : i32
      %eq3A_104 = arith.cmpi eq, %arg1, %eq3A_103 : i32
      %convert_element_type3A_105 = arith.extui %eq3A_104 : i1 to i32
      %cond3A_106 = arith.constant 0 : i32
      %cond3A_107 = arith.cmpi ne, %convert_element_type3A_105, %cond3A_106 : i32
      scf.if %cond3A_107 {
        "tpu.region"() ({
          %run_scoped3A = tpu.sem_alloc : memref<!tpu.dma_semaphore, #tpu.memory_space<semaphore_mem>>
          %dma_start3A_108 = arith.constant 9984 : i32
          %dma_start3A_109 = arith.constant 0 : i32
          %dma_start3A_110 = tpu.memref_slice %arg16[%dma_start3A_108, %dma_start3A_109] : memref<10000x128xf32, #tpu.memory_space<vmem_shared>> -> memref<16x128xf32, #tpu.memory_space<vmem_shared>>
          %dma_start3A_111 = arith.constant 9984 : i32
          %dma_start3A_112 = arith.constant 0 : i32
          %dma_start3A_113 = tpu.memref_slice %arg2[%dma_start3A_111, %dma_start3A_112] : memref<10008x128xf32, #tpu.memory_space<hbm>> -> memref<16x128xf32, #tpu.memory_space<hbm>>
          tpu.enqueue_dma source(%dma_start3A_113 : memref<16x128xf32, #tpu.memory_space<hbm>>) target(%dma_start3A_110 : memref<16x128xf32, #tpu.memory_space<vmem_shared>>) target_semaphore(%run_scoped3A : memref<!tpu.dma_semaphore, #tpu.memory_space<semaphore_mem>>)
          %dma_wait3A_114 = arith.constant 9984 : i32
          %dma_wait3A_115 = arith.constant 0 : i32
          %dma_wait3A_116 = tpu.memref_slice %arg16[%dma_wait3A_114, %dma_wait3A_115] : memref<10000x128xf32, #tpu.memory_space<vmem_shared>> -> memref<16x128xf32, #tpu.memory_space<vmem_shared>>
          %dma_wait3A_117 = arith.constant 9984 : i32
          %dma_wait3A_118 = arith.constant 0 : i32
          %dma_wait3A_119 = tpu.memref_slice %arg2[%dma_wait3A_117, %dma_wait3A_118] : memref<10008x128xf32, #tpu.memory_space<hbm>> -> memref<16x128xf32, #tpu.memory_space<hbm>>
          tpu.wait_dma2 semaphore(%run_scoped3A : memref<!tpu.dma_semaphore, #tpu.memory_space<semaphore_mem>>) src(%dma_wait3A_119 : memref<16x128xf32, #tpu.memory_space<hbm>>) dst(%dma_wait3A_116 : memref<16x128xf32, #tpu.memory_space<vmem_shared>>)
          tpu.yield
        }) : () -> ()
      } else {
      }
    } else {
    }
    %ne3A = arith.constant 0 : i32
    %ne3A_5 = arith.cmpi ne, %arg0, %ne3A : i32
    %convert_element_type3A_6 = arith.extui %ne3A_5 : i1 to i32
    %cond3A_7 = arith.constant 0 : i32
    %cond3A_8 = arith.cmpi ne, %convert_element_type3A_6, %cond3A_7 : i32
    scf.if %cond3A_8 {
      "tpu.region"() ({
        %run_scoped3A = tpu.sem_alloc : memref<!tpu.dma_semaphore, #tpu.memory_space<semaphore_mem>>
        %dma_start3A_108 = arith.constant 0 : i32
        %dma_start3A_109 = tpu.memref_slice %arg16[%mul3A_2, %dma_start3A_108] : memref<10000x128xf32, #tpu.memory_space<vmem_shared>> -> memref<624x128xf32, #tpu.memory_space<vmem_shared>>
        %dma_start3A_110 = arith.constant 0 : i32
        %dma_start3A_111 = tpu.memref_slice %arg5[%mul3A_2, %dma_start3A_110] : memref<10000x128xf32, #tpu.memory_space<hbm>> -> memref<624x128xf32, #tpu.memory_space<hbm>>
        tpu.enqueue_dma source(%dma_start3A_111 : memref<624x128xf32, #tpu.memory_space<hbm>>) target(%dma_start3A_109 : memref<624x128xf32, #tpu.memory_space<vmem_shared>>) target_semaphore(%run_scoped3A : memref<!tpu.dma_semaphore, #tpu.memory_space<semaphore_mem>>)
        %dma_wait3A_112 = arith.constant 0 : i32
        %dma_wait3A_113 = tpu.memref_slice %arg16[%mul3A_2, %dma_wait3A_112] : memref<10000x128xf32, #tpu.memory_space<vmem_shared>> -> memref<624x128xf32, #tpu.memory_space<vmem_shared>>
        %dma_wait3A_114 = arith.constant 0 : i32
        %dma_wait3A_115 = tpu.memref_slice %arg5[%mul3A_2, %dma_wait3A_114] : memref<10000x128xf32, #tpu.memory_space<hbm>> -> memref<624x128xf32, #tpu.memory_space<hbm>>
        tpu.wait_dma2 semaphore(%run_scoped3A : memref<!tpu.dma_semaphore, #tpu.memory_space<semaphore_mem>>) src(%dma_wait3A_115 : memref<624x128xf32, #tpu.memory_space<hbm>>) dst(%dma_wait3A_113 : memref<624x128xf32, #tpu.memory_space<vmem_shared>>)
        tpu.yield
      }) : () -> ()
      %eq3A_103 = arith.constant 15 : i32
      %eq3A_104 = arith.cmpi eq, %arg1, %eq3A_103 : i32
      %convert_element_type3A_105 = arith.extui %eq3A_104 : i1 to i32
      %cond3A_106 = arith.constant 0 : i32
      %cond3A_107 = arith.cmpi ne, %convert_element_type3A_105, %cond3A_106 : i32
      scf.if %cond3A_107 {
        "tpu.region"() ({
          %run_scoped3A = tpu.sem_alloc : memref<!tpu.dma_semaphore, #tpu.memory_space<semaphore_mem>>
          %dma_start3A_108 = arith.constant 9984 : i32
          %dma_start3A_109 = arith.constant 0 : i32
          %dma_start3A_110 = tpu.memref_slice %arg16[%dma_start3A_108, %dma_start3A_109] : memref<10000x128xf32, #tpu.memory_space<vmem_shared>> -> memref<16x128xf32, #tpu.memory_space<vmem_shared>>
          %dma_start3A_111 = arith.constant 9984 : i32
          %dma_start3A_112 = arith.constant 0 : i32
          %dma_start3A_113 = tpu.memref_slice %arg5[%dma_start3A_111, %dma_start3A_112] : memref<10000x128xf32, #tpu.memory_space<hbm>> -> memref<16x128xf32, #tpu.memory_space<hbm>>
          tpu.enqueue_dma source(%dma_start3A_113 : memref<16x128xf32, #tpu.memory_space<hbm>>) target(%dma_start3A_110 : memref<16x128xf32, #tpu.memory_space<vmem_shared>>) target_semaphore(%run_scoped3A : memref<!tpu.dma_semaphore, #tpu.memory_space<semaphore_mem>>)
          %dma_wait3A_114 = arith.constant 9984 : i32
          %dma_wait3A_115 = arith.constant 0 : i32
          %dma_wait3A_116 = tpu.memref_slice %arg16[%dma_wait3A_114, %dma_wait3A_115] : memref<10000x128xf32, #tpu.memory_space<vmem_shared>> -> memref<16x128xf32, #tpu.memory_space<vmem_shared>>
          %dma_wait3A_117 = arith.constant 9984 : i32
          %dma_wait3A_118 = arith.constant 0 : i32
          %dma_wait3A_119 = tpu.memref_slice %arg5[%dma_wait3A_117, %dma_wait3A_118] : memref<10000x128xf32, #tpu.memory_space<hbm>> -> memref<16x128xf32, #tpu.memory_space<hbm>>
          tpu.wait_dma2 semaphore(%run_scoped3A : memref<!tpu.dma_semaphore, #tpu.memory_space<semaphore_mem>>) src(%dma_wait3A_119 : memref<16x128xf32, #tpu.memory_space<hbm>>) dst(%dma_wait3A_116 : memref<16x128xf32, #tpu.memory_space<vmem_shared>>)
          tpu.yield
        }) : () -> ()
      } else {
      }
    } else {
    }
    %barrier3A = arith.constant 0 : index
    tpu.barrier barrier_id(%barrier3A)
    %mul3A_9 = arith.constant 81 : i32
    %mul3A_10 = arith.muli %add3A, %mul3A_9 : i32
    %add3A_11 = arith.constant 0 : i32
    %add3A_12 = arith.addi %mul3A_10, %add3A_11 : i32
    %mul3A_13 = arith.constant 128 : i32
    %mul3A_14 = arith.muli %add3A_12, %mul3A_13 : i32
    %multiple_of3A = tpu.assume_multiple %mul3A_14, 8 : i32
    %dma_start3A = tpu.memref_slice %arg3[%multiple_of3A] : memref<332160xi32, #tpu.memory_space<hbm>> -> memref<128xi32, #tpu.memory_space<hbm>>
    %dma_start3A_15 = tpu.memref_slice %arg3[%multiple_of3A] : memref<332160xi32, #tpu.memory_space<hbm>> -> memref<128xi32, #tpu.memory_space<hbm>>
    tpu.enqueue_dma source(%dma_start3A_15 : memref<128xi32, #tpu.memory_space<hbm>>) target(%arg7 : memref<128xi32, #tpu.memory_space<vmem>>) target_semaphore(%arg17 : memref<!tpu.dma_semaphore, #tpu.memory_space<semaphore_mem>>)
    %add3A_16 = arith.constant 0 : i32
    %add3A_17 = arith.addi %mul3A_10, %add3A_16 : i32
    %mul3A_18 = arith.constant 128 : i32
    %mul3A_19 = arith.muli %add3A_17, %mul3A_18 : i32
    %multiple_of3A_20 = tpu.assume_multiple %mul3A_19, 8 : i32
    %dma_start3A_21 = tpu.memref_slice %arg4[%multiple_of3A_20] : memref<332160xi32, #tpu.memory_space<hbm>> -> memref<128xi32, #tpu.memory_space<hbm>>
    %dma_start3A_22 = tpu.memref_slice %arg4[%multiple_of3A_20] : memref<332160xi32, #tpu.memory_space<hbm>> -> memref<128xi32, #tpu.memory_space<hbm>>
    tpu.enqueue_dma source(%dma_start3A_22 : memref<128xi32, #tpu.memory_space<hbm>>) target(%arg10 : memref<128xi32, #tpu.memory_space<vmem>>) target_semaphore(%arg20 : memref<!tpu.dma_semaphore, #tpu.memory_space<semaphore_mem>>)
    %add3A_23 = arith.constant 1 : i32
    %add3A_24 = arith.addi %mul3A_10, %add3A_23 : i32
    %mul3A_25 = arith.constant 128 : i32
    %mul3A_26 = arith.muli %add3A_24, %mul3A_25 : i32
    %multiple_of3A_27 = tpu.assume_multiple %mul3A_26, 8 : i32
    %dma_start3A_28 = tpu.memref_slice %arg3[%multiple_of3A_27] : memref<332160xi32, #tpu.memory_space<hbm>> -> memref<128xi32, #tpu.memory_space<hbm>>
    %dma_start3A_29 = tpu.memref_slice %arg3[%multiple_of3A_27] : memref<332160xi32, #tpu.memory_space<hbm>> -> memref<128xi32, #tpu.memory_space<hbm>>
    tpu.enqueue_dma source(%dma_start3A_29 : memref<128xi32, #tpu.memory_space<hbm>>) target(%arg8 : memref<128xi32, #tpu.memory_space<vmem>>) target_semaphore(%arg18 : memref<!tpu.dma_semaphore, #tpu.memory_space<semaphore_mem>>)
    %add3A_30 = arith.constant 1 : i32
    %add3A_31 = arith.addi %mul3A_10, %add3A_30 : i32
    %mul3A_32 = arith.constant 128 : i32
    %mul3A_33 = arith.muli %add3A_31, %mul3A_32 : i32
    %multiple_of3A_34 = tpu.assume_multiple %mul3A_33, 8 : i32
    %dma_start3A_35 = tpu.memref_slice %arg4[%multiple_of3A_34] : memref<332160xi32, #tpu.memory_space<hbm>> -> memref<128xi32, #tpu.memory_space<hbm>>
    %dma_start3A_36 = tpu.memref_slice %arg4[%multiple_of3A_34] : memref<332160xi32, #tpu.memory_space<hbm>> -> memref<128xi32, #tpu.memory_space<hbm>>
    tpu.enqueue_dma source(%dma_start3A_36 : memref<128xi32, #tpu.memory_space<hbm>>) target(%arg11 : memref<128xi32, #tpu.memory_space<vmem>>) target_semaphore(%arg21 : memref<!tpu.dma_semaphore, #tpu.memory_space<semaphore_mem>>)
    %add3A_37 = arith.constant 2 : i32
    %add3A_38 = arith.addi %mul3A_10, %add3A_37 : i32
    %mul3A_39 = arith.constant 128 : i32
    %mul3A_40 = arith.muli %add3A_38, %mul3A_39 : i32
    %multiple_of3A_41 = tpu.assume_multiple %mul3A_40, 8 : i32
    %dma_start3A_42 = tpu.memref_slice %arg3[%multiple_of3A_41] : memref<332160xi32, #tpu.memory_space<hbm>> -> memref<128xi32, #tpu.memory_space<hbm>>
    %dma_start3A_43 = tpu.memref_slice %arg3[%multiple_of3A_41] : memref<332160xi32, #tpu.memory_space<hbm>> -> memref<128xi32, #tpu.memory_space<hbm>>
    tpu.enqueue_dma source(%dma_start3A_43 : memref<128xi32, #tpu.memory_space<hbm>>) target(%arg9 : memref<128xi32, #tpu.memory_space<vmem>>) target_semaphore(%arg19 : memref<!tpu.dma_semaphore, #tpu.memory_space<semaphore_mem>>)
    %add3A_44 = arith.constant 2 : i32
    %add3A_45 = arith.addi %mul3A_10, %add3A_44 : i32
    %mul3A_46 = arith.constant 128 : i32
    %mul3A_47 = arith.muli %add3A_45, %mul3A_46 : i32
    %multiple_of3A_48 = tpu.assume_multiple %mul3A_47, 8 : i32
    %dma_start3A_49 = tpu.memref_slice %arg4[%multiple_of3A_48] : memref<332160xi32, #tpu.memory_space<hbm>> -> memref<128xi32, #tpu.memory_space<hbm>>
    %dma_start3A_50 = tpu.memref_slice %arg4[%multiple_of3A_48] : memref<332160xi32, #tpu.memory_space<hbm>> -> memref<128xi32, #tpu.memory_space<hbm>>
    tpu.enqueue_dma source(%dma_start3A_50 : memref<128xi32, #tpu.memory_space<hbm>>) target(%arg12 : memref<128xi32, #tpu.memory_space<vmem>>) target_semaphore(%arg22 : memref<!tpu.dma_semaphore, #tpu.memory_space<semaphore_mem>>)
    %dma_wait3A = arith.constant 0 : i32
    %dma_wait3A_51 = tpu.memref_slice %arg3[%dma_wait3A] : memref<332160xi32, #tpu.memory_space<hbm>> -> memref<128xi32, #tpu.memory_space<hbm>>
    %dma_wait3A_52 = arith.constant 0 : i32
    %dma_wait3A_53 = tpu.memref_slice %arg3[%dma_wait3A_52] : memref<332160xi32, #tpu.memory_space<hbm>> -> memref<128xi32, #tpu.memory_space<hbm>>
    tpu.wait_dma2 semaphore(%arg17 : memref<!tpu.dma_semaphore, #tpu.memory_space<semaphore_mem>>) src(%dma_wait3A_53 : memref<128xi32, #tpu.memory_space<hbm>>) dst(%arg7 : memref<128xi32, #tpu.memory_space<vmem>>)
    %dma_start3A_54 = arith.constant 0 : i32
    %dma_start3A_55 = arith.constant 0 : i32
    %dma_start3A_56 = tpu.memref_slice %arg2[%dma_start3A_54, %dma_start3A_55] : memref<10008x128xf32, #tpu.memory_space<hbm>> -> memref<10008x128xf32, #tpu.memory_space<hbm>>
    tpu.enqueue_indirect_dma source(%dma_start3A_56 : memref<10008x128xf32, #tpu.memory_space<hbm>>) target(%arg13 : memref<128x128xf32, #tpu.memory_space<vmem>>) offsets(%arg7 : memref<128xi32, #tpu.memory_space<vmem>>) semaphore(%arg23 : memref<!tpu.dma_semaphore, #tpu.memory_space<semaphore_mem>>)
    %dma_wait3A_57 = arith.constant 0 : i32
    %dma_wait3A_58 = tpu.memref_slice %arg3[%dma_wait3A_57] : memref<332160xi32, #tpu.memory_space<hbm>> -> memref<128xi32, #tpu.memory_space<hbm>>
    %dma_wait3A_59 = arith.constant 0 : i32
    %dma_wait3A_60 = tpu.memref_slice %arg3[%dma_wait3A_59] : memref<332160xi32, #tpu.memory_space<hbm>> -> memref<128xi32, #tpu.memory_space<hbm>>
    tpu.wait_dma2 semaphore(%arg18 : memref<!tpu.dma_semaphore, #tpu.memory_space<semaphore_mem>>) src(%dma_wait3A_60 : memref<128xi32, #tpu.memory_space<hbm>>) dst(%arg8 : memref<128xi32, #tpu.memory_space<vmem>>)
    %dma_start3A_61 = arith.constant 0 : i32
    %dma_start3A_62 = arith.constant 0 : i32
    %dma_start3A_63 = tpu.memref_slice %arg2[%dma_start3A_61, %dma_start3A_62] : memref<10008x128xf32, #tpu.memory_space<hbm>> -> memref<10008x128xf32, #tpu.memory_space<hbm>>
    tpu.enqueue_indirect_dma source(%dma_start3A_63 : memref<10008x128xf32, #tpu.memory_space<hbm>>) target(%arg14 : memref<128x128xf32, #tpu.memory_space<vmem>>) offsets(%arg8 : memref<128xi32, #tpu.memory_space<vmem>>) semaphore(%arg24 : memref<!tpu.dma_semaphore, #tpu.memory_space<semaphore_mem>>)
    %dma_wait3A_64 = arith.constant 0 : i32
    %dma_wait3A_65 = tpu.memref_slice %arg3[%dma_wait3A_64] : memref<332160xi32, #tpu.memory_space<hbm>> -> memref<128xi32, #tpu.memory_space<hbm>>
    %dma_wait3A_66 = arith.constant 0 : i32
    %dma_wait3A_67 = tpu.memref_slice %arg3[%dma_wait3A_66] : memref<332160xi32, #tpu.memory_space<hbm>> -> memref<128xi32, #tpu.memory_space<hbm>>
    tpu.wait_dma2 semaphore(%arg19 : memref<!tpu.dma_semaphore, #tpu.memory_space<semaphore_mem>>) src(%dma_wait3A_67 : memref<128xi32, #tpu.memory_space<hbm>>) dst(%arg9 : memref<128xi32, #tpu.memory_space<vmem>>)
    %dma_start3A_68 = arith.constant 0 : i32
    %dma_start3A_69 = arith.constant 0 : i32
    %dma_start3A_70 = tpu.memref_slice %arg2[%dma_start3A_68, %dma_start3A_69] : memref<10008x128xf32, #tpu.memory_space<hbm>> -> memref<10008x128xf32, #tpu.memory_space<hbm>>
    tpu.enqueue_indirect_dma source(%dma_start3A_70 : memref<10008x128xf32, #tpu.memory_space<hbm>>) target(%arg15 : memref<128x128xf32, #tpu.memory_space<vmem>>) offsets(%arg9 : memref<128xi32, #tpu.memory_space<vmem>>) semaphore(%arg25 : memref<!tpu.dma_semaphore, #tpu.memory_space<semaphore_mem>>)
    %scan3A = arith.constant 0 : i32
    %scan3A_71 = arith.constant 0 : i32
    %scan3A_72 = arith.constant 27 : i32
    %scan3A_73 = arith.addi %scan3A_71, %scan3A_72 : i32
    %scan3A_74 = arith.constant 1 : i32
    scf.for %scan3A_103 = %scan3A_71 to %scan3A_73 step %scan3A_74  : i32 {
      %mul3A_104 = arith.constant 3 : i32
      %mul3A_105 = arith.muli %scan3A_103, %mul3A_104 : i32
      %add3A_106 = arith.addi %mul3A_10, %mul3A_105 : i32
      %dma_wait3A_107 = arith.constant 0 : i32
      %dma_wait3A_108 = arith.constant 0 : i32
      %dma_wait3A_109 = tpu.memref_slice %arg2[%dma_wait3A_107, %dma_wait3A_108] : memref<10008x128xf32, #tpu.memory_space<hbm>> -> memref<10008x128xf32, #tpu.memory_space<hbm>>
      tpu.wait_indirect_dma semaphore(%arg23 : memref<!tpu.dma_semaphore, #tpu.memory_space<semaphore_mem>>) src(%dma_wait3A_109 : memref<10008x128xf32, #tpu.memory_space<hbm>>) dst(%arg13 : memref<128x128xf32, #tpu.memory_space<vmem>>)
      %dma_wait3A_110 = arith.constant 0 : i32
      %dma_wait3A_111 = tpu.memref_slice %arg4[%dma_wait3A_110] : memref<332160xi32, #tpu.memory_space<hbm>> -> memref<128xi32, #tpu.memory_space<hbm>>
      %dma_wait3A_112 = arith.constant 0 : i32
      %dma_wait3A_113 = tpu.memref_slice %arg4[%dma_wait3A_112] : memref<332160xi32, #tpu.memory_space<hbm>> -> memref<128xi32, #tpu.memory_space<hbm>>
      tpu.wait_dma2 semaphore(%arg20 : memref<!tpu.dma_semaphore, #tpu.memory_space<semaphore_mem>>) src(%dma_wait3A_113 : memref<128xi32, #tpu.memory_space<hbm>>) dst(%arg10 : memref<128xi32, #tpu.memory_space<vmem>>)
      %dma_start3A_114 = arith.constant 0 : i32
      %dma_start3A_115 = arith.constant 0 : i32
      %dma_start3A_116 = tpu.memref_slice %arg16[%dma_start3A_114, %dma_start3A_115] : memref<10000x128xf32, #tpu.memory_space<vmem_shared>> -> memref<10000x128xf32, #tpu.memory_space<vmem_shared>>
      tpu.enqueue_indirect_dma source(%arg13 : memref<128x128xf32, #tpu.memory_space<vmem>>) target(%dma_start3A_116 : memref<10000x128xf32, #tpu.memory_space<vmem_shared>>) offsets(%arg10 : memref<128xi32, #tpu.memory_space<vmem>>) semaphore(%arg26 : memref<!tpu.dma_semaphore, #tpu.memory_space<semaphore_mem>>) {add = true}
      %add3A_117 = arith.constant 3 : i32
      %add3A_118 = arith.addi %add3A_106, %add3A_117 : i32
      %add3A_119 = arith.constant 0 : i32
      %add3A_120 = arith.addi %add3A_118, %add3A_119 : i32
      %mul3A_121 = arith.constant 128 : i32
      %mul3A_122 = arith.muli %add3A_120, %mul3A_121 : i32
      %multiple_of3A_123 = tpu.assume_multiple %mul3A_122, 8 : i32
      %dma_start3A_124 = tpu.memref_slice %arg3[%multiple_of3A_123] : memref<332160xi32, #tpu.memory_space<hbm>> -> memref<128xi32, #tpu.memory_space<hbm>>
      %dma_start3A_125 = tpu.memref_slice %arg3[%multiple_of3A_123] : memref<332160xi32, #tpu.memory_space<hbm>> -> memref<128xi32, #tpu.memory_space<hbm>>
      tpu.enqueue_dma source(%dma_start3A_125 : memref<128xi32, #tpu.memory_space<hbm>>) target(%arg7 : memref<128xi32, #tpu.memory_space<vmem>>) target_semaphore(%arg17 : memref<!tpu.dma_semaphore, #tpu.memory_space<semaphore_mem>>)
      %dma_wait3A_126 = arith.constant 0 : i32
      %dma_wait3A_127 = arith.constant 0 : i32
      %dma_wait3A_128 = tpu.memref_slice %arg2[%dma_wait3A_126, %dma_wait3A_127] : memref<10008x128xf32, #tpu.memory_space<hbm>> -> memref<10008x128xf32, #tpu.memory_space<hbm>>
      tpu.wait_indirect_dma semaphore(%arg24 : memref<!tpu.dma_semaphore, #tpu.memory_space<semaphore_mem>>) src(%dma_wait3A_128 : memref<10008x128xf32, #tpu.memory_space<hbm>>) dst(%arg14 : memref<128x128xf32, #tpu.memory_space<vmem>>)
      %dma_wait3A_129 = arith.constant 0 : i32
      %dma_wait3A_130 = tpu.memref_slice %arg4[%dma_wait3A_129] : memref<332160xi32, #tpu.memory_space<hbm>> -> memref<128xi32, #tpu.memory_space<hbm>>
      %dma_wait3A_131 = arith.constant 0 : i32
      %dma_wait3A_132 = tpu.memref_slice %arg4[%dma_wait3A_131] : memref<332160xi32, #tpu.memory_space<hbm>> -> memref<128xi32, #tpu.memory_space<hbm>>
      tpu.wait_dma2 semaphore(%arg21 : memref<!tpu.dma_semaphore, #tpu.memory_space<semaphore_mem>>) src(%dma_wait3A_132 : memref<128xi32, #tpu.memory_space<hbm>>) dst(%arg11 : memref<128xi32, #tpu.memory_space<vmem>>)
      %dma_start3A_133 = arith.constant 0 : i32
      %dma_start3A_134 = arith.constant 0 : i32
      %dma_start3A_135 = tpu.memref_slice %arg16[%dma_start3A_133, %dma_start3A_134] : memref<10000x128xf32, #tpu.memory_space<vmem_shared>> -> memref<10000x128xf32, #tpu.memory_space<vmem_shared>>
      tpu.enqueue_indirect_dma source(%arg14 : memref<128x128xf32, #tpu.memory_space<vmem>>) target(%dma_start3A_135 : memref<10000x128xf32, #tpu.memory_space<vmem_shared>>) offsets(%arg11 : memref<128xi32, #tpu.memory_space<vmem>>) semaphore(%arg27 : memref<!tpu.dma_semaphore, #tpu.memory_space<semaphore_mem>>) {add = true}
      %add3A_136 = arith.constant 3 : i32
      %add3A_137 = arith.addi %add3A_106, %add3A_136 : i32
      %add3A_138 = arith.constant 1 : i32
      %add3A_139 = arith.addi %add3A_137, %add3A_138 : i32
      %mul3A_140 = arith.constant 128 : i32
      %mul3A_141 = arith.muli %add3A_139, %mul3A_140 : i32
      %multiple_of3A_142 = tpu.assume_multiple %mul3A_141, 8 : i32
      %dma_start3A_143 = tpu.memref_slice %arg3[%multiple_of3A_142] : memref<332160xi32, #tpu.memory_space<hbm>> -> memref<128xi32, #tpu.memory_space<hbm>>
      %dma_start3A_144 = tpu.memref_slice %arg3[%multiple_of3A_142] : memref<332160xi32, #tpu.memory_space<hbm>> -> memref<128xi32, #tpu.memory_space<hbm>>
      tpu.enqueue_dma source(%dma_start3A_144 : memref<128xi32, #tpu.memory_space<hbm>>) target(%arg8 : memref<128xi32, #tpu.memory_space<vmem>>) target_semaphore(%arg18 : memref<!tpu.dma_semaphore, #tpu.memory_space<semaphore_mem>>)
      %dma_wait3A_145 = arith.constant 0 : i32
      %dma_wait3A_146 = arith.constant 0 : i32
      %dma_wait3A_147 = tpu.memref_slice %arg2[%dma_wait3A_145, %dma_wait3A_146] : memref<10008x128xf32, #tpu.memory_space<hbm>> -> memref<10008x128xf32, #tpu.memory_space<hbm>>
      tpu.wait_indirect_dma semaphore(%arg25 : memref<!tpu.dma_semaphore, #tpu.memory_space<semaphore_mem>>) src(%dma_wait3A_147 : memref<10008x128xf32, #tpu.memory_space<hbm>>) dst(%arg15 : memref<128x128xf32, #tpu.memory_space<vmem>>)
      %dma_wait3A_148 = arith.constant 0 : i32
      %dma_wait3A_149 = tpu.memref_slice %arg4[%dma_wait3A_148] : memref<332160xi32, #tpu.memory_space<hbm>> -> memref<128xi32, #tpu.memory_space<hbm>>
      %dma_wait3A_150 = arith.constant 0 : i32
      %dma_wait3A_151 = tpu.memref_slice %arg4[%dma_wait3A_150] : memref<332160xi32, #tpu.memory_space<hbm>> -> memref<128xi32, #tpu.memory_space<hbm>>
      tpu.wait_dma2 semaphore(%arg22 : memref<!tpu.dma_semaphore, #tpu.memory_space<semaphore_mem>>) src(%dma_wait3A_151 : memref<128xi32, #tpu.memory_space<hbm>>) dst(%arg12 : memref<128xi32, #tpu.memory_space<vmem>>)
      %dma_start3A_152 = arith.constant 0 : i32
      %dma_start3A_153 = arith.constant 0 : i32
      %dma_start3A_154 = tpu.memref_slice %arg16[%dma_start3A_152, %dma_start3A_153] : memref<10000x128xf32, #tpu.memory_space<vmem_shared>> -> memref<10000x128xf32, #tpu.memory_space<vmem_shared>>
      tpu.enqueue_indirect_dma source(%arg15 : memref<128x128xf32, #tpu.memory_space<vmem>>) target(%dma_start3A_154 : memref<10000x128xf32, #tpu.memory_space<vmem_shared>>) offsets(%arg12 : memref<128xi32, #tpu.memory_space<vmem>>) semaphore(%arg28 : memref<!tpu.dma_semaphore, #tpu.memory_space<semaphore_mem>>) {add = true}
      %add3A_155 = arith.constant 3 : i32
      %add3A_156 = arith.addi %add3A_106, %add3A_155 : i32
      %add3A_157 = arith.constant 2 : i32
      %add3A_158 = arith.addi %add3A_156, %add3A_157 : i32
      %mul3A_159 = arith.constant 128 : i32
      %mul3A_160 = arith.muli %add3A_158, %mul3A_159 : i32
      %multiple_of3A_161 = tpu.assume_multiple %mul3A_160, 8 : i32
      %dma_start3A_162 = tpu.memref_slice %arg3[%multiple_of3A_161] : memref<332160xi32, #tpu.memory_space<hbm>> -> memref<128xi32, #tpu.memory_space<hbm>>
      %dma_start3A_163 = tpu.memref_slice %arg3[%multiple_of3A_161] : memref<332160xi32, #tpu.memory_space<hbm>> -> memref<128xi32, #tpu.memory_space<hbm>>
      tpu.enqueue_dma source(%dma_start3A_163 : memref<128xi32, #tpu.memory_space<hbm>>) target(%arg9 : memref<128xi32, #tpu.memory_space<vmem>>) target_semaphore(%arg19 : memref<!tpu.dma_semaphore, #tpu.memory_space<semaphore_mem>>)
      %dma_wait3A_164 = arith.constant 0 : i32
      %dma_wait3A_165 = arith.constant 0 : i32
      %dma_wait3A_166 = tpu.memref_slice %arg16[%dma_wait3A_164, %dma_wait3A_165] : memref<10000x128xf32, #tpu.memory_space<vmem_shared>> -> memref<10000x128xf32, #tpu.memory_space<vmem_shared>>
      tpu.wait_indirect_dma semaphore(%arg26 : memref<!tpu.dma_semaphore, #tpu.memory_space<semaphore_mem>>) src(%arg13 : memref<128x128xf32, #tpu.memory_space<vmem>>) dst(%dma_wait3A_166 : memref<10000x128xf32, #tpu.memory_space<vmem_shared>>)
      %add3A_167 = arith.constant 3 : i32
      %add3A_168 = arith.addi %add3A_106, %add3A_167 : i32
      %add3A_169 = arith.constant 0 : i32
      %add3A_170 = arith.addi %add3A_168, %add3A_169 : i32
      %mul3A_171 = arith.constant 128 : i32
      %mul3A_172 = arith.muli %add3A_170, %mul3A_171 : i32
      %multiple_of3A_173 = tpu.assume_multiple %mul3A_172, 8 : i32
      %dma_start3A_174 = tpu.memref_slice %arg4[%multiple_of3A_173] : memref<332160xi32, #tpu.memory_space<hbm>> -> memref<128xi32, #tpu.memory_space<hbm>>
      %dma_start3A_175 = tpu.memref_slice %arg4[%multiple_of3A_173] : memref<332160xi32, #tpu.memory_space<hbm>> -> memref<128xi32, #tpu.memory_space<hbm>>
      tpu.enqueue_dma source(%dma_start3A_175 : memref<128xi32, #tpu.memory_space<hbm>>) target(%arg10 : memref<128xi32, #tpu.memory_space<vmem>>) target_semaphore(%arg20 : memref<!tpu.dma_semaphore, #tpu.memory_space<semaphore_mem>>)
      %dma_wait3A_176 = arith.constant 0 : i32
      %dma_wait3A_177 = tpu.memref_slice %arg3[%dma_wait3A_176] : memref<332160xi32, #tpu.memory_space<hbm>> -> memref<128xi32, #tpu.memory_space<hbm>>
      %dma_wait3A_178 = arith.constant 0 : i32
      %dma_wait3A_179 = tpu.memref_slice %arg3[%dma_wait3A_178] : memref<332160xi32, #tpu.memory_space<hbm>> -> memref<128xi32, #tpu.memory_space<hbm>>
      tpu.wait_dma2 semaphore(%arg17 : memref<!tpu.dma_semaphore, #tpu.memory_space<semaphore_mem>>) src(%dma_wait3A_179 : memref<128xi32, #tpu.memory_space<hbm>>) dst(%arg7 : memref<128xi32, #tpu.memory_space<vmem>>)
      %dma_start3A_180 = arith.constant 0 : i32
      %dma_start3A_181 = arith.constant 0 : i32
      %dma_start3A_182 = tpu.memref_slice %arg2[%dma_start3A_180, %dma_start3A_181] : memref<10008x128xf32, #tpu.memory_space<hbm>> -> memref<10008x128xf32, #tpu.memory_space<hbm>>
      tpu.enqueue_indirect_dma source(%dma_start3A_182 : memref<10008x128xf32, #tpu.memory_space<hbm>>) target(%arg13 : memref<128x128xf32, #tpu.memory_space<vmem>>) offsets(%arg7 : memref<128xi32, #tpu.memory_space<vmem>>) semaphore(%arg23 : memref<!tpu.dma_semaphore, #tpu.memory_space<semaphore_mem>>)
      %dma_wait3A_183 = arith.constant 0 : i32
      %dma_wait3A_184 = arith.constant 0 : i32
      %dma_wait3A_185 = tpu.memref_slice %arg16[%dma_wait3A_183, %dma_wait3A_184] : memref<10000x128xf32, #tpu.memory_space<vmem_shared>> -> memref<10000x128xf32, #tpu.memory_space<vmem_shared>>
      tpu.wait_indirect_dma semaphore(%arg27 : memref<!tpu.dma_semaphore, #tpu.memory_space<semaphore_mem>>) src(%arg14 : memref<128x128xf32, #tpu.memory_space<vmem>>) dst(%dma_wait3A_185 : memref<10000x128xf32, #tpu.memory_space<vmem_shared>>)
      %add3A_186 = arith.constant 3 : i32
      %add3A_187 = arith.addi %add3A_106, %add3A_186 : i32
      %add3A_188 = arith.constant 1 : i32
      %add3A_189 = arith.addi %add3A_187, %add3A_188 : i32
      %mul3A_190 = arith.constant 128 : i32
      %mul3A_191 = arith.muli %add3A_189, %mul3A_190 : i32
      %multiple_of3A_192 = tpu.assume_multiple %mul3A_191, 8 : i32
      %dma_start3A_193 = tpu.memref_slice %arg4[%multiple_of3A_192] : memref<332160xi32, #tpu.memory_space<hbm>> -> memref<128xi32, #tpu.memory_space<hbm>>
      %dma_start3A_194 = tpu.memref_slice %arg4[%multiple_of3A_192] : memref<332160xi32, #tpu.memory_space<hbm>> -> memref<128xi32, #tpu.memory_space<hbm>>
      tpu.enqueue_dma source(%dma_start3A_194 : memref<128xi32, #tpu.memory_space<hbm>>) target(%arg11 : memref<128xi32, #tpu.memory_space<vmem>>) target_semaphore(%arg21 : memref<!tpu.dma_semaphore, #tpu.memory_space<semaphore_mem>>)
      %dma_wait3A_195 = arith.constant 0 : i32
      %dma_wait3A_196 = tpu.memref_slice %arg3[%dma_wait3A_195] : memref<332160xi32, #tpu.memory_space<hbm>> -> memref<128xi32, #tpu.memory_space<hbm>>
      %dma_wait3A_197 = arith.constant 0 : i32
      %dma_wait3A_198 = tpu.memref_slice %arg3[%dma_wait3A_197] : memref<332160xi32, #tpu.memory_space<hbm>> -> memref<128xi32, #tpu.memory_space<hbm>>
      tpu.wait_dma2 semaphore(%arg18 : memref<!tpu.dma_semaphore, #tpu.memory_space<semaphore_mem>>) src(%dma_wait3A_198 : memref<128xi32, #tpu.memory_space<hbm>>) dst(%arg8 : memref<128xi32, #tpu.memory_space<vmem>>)
      %dma_start3A_199 = arith.constant 0 : i32
      %dma_start3A_200 = arith.constant 0 : i32
      %dma_start3A_201 = tpu.memref_slice %arg2[%dma_start3A_199, %dma_start3A_200] : memref<10008x128xf32, #tpu.memory_space<hbm>> -> memref<10008x128xf32, #tpu.memory_space<hbm>>
      tpu.enqueue_indirect_dma source(%dma_start3A_201 : memref<10008x128xf32, #tpu.memory_space<hbm>>) target(%arg14 : memref<128x128xf32, #tpu.memory_space<vmem>>) offsets(%arg8 : memref<128xi32, #tpu.memory_space<vmem>>) semaphore(%arg24 : memref<!tpu.dma_semaphore, #tpu.memory_space<semaphore_mem>>)
      %dma_wait3A_202 = arith.constant 0 : i32
      %dma_wait3A_203 = arith.constant 0 : i32
      %dma_wait3A_204 = tpu.memref_slice %arg16[%dma_wait3A_202, %dma_wait3A_203] : memref<10000x128xf32, #tpu.memory_space<vmem_shared>> -> memref<10000x128xf32, #tpu.memory_space<vmem_shared>>
      tpu.wait_indirect_dma semaphore(%arg28 : memref<!tpu.dma_semaphore, #tpu.memory_space<semaphore_mem>>) src(%arg15 : memref<128x128xf32, #tpu.memory_space<vmem>>) dst(%dma_wait3A_204 : memref<10000x128xf32, #tpu.memory_space<vmem_shared>>)
      %add3A_205 = arith.constant 3 : i32
      %add3A_206 = arith.addi %add3A_106, %add3A_205 : i32
      %add3A_207 = arith.constant 2 : i32
      %add3A_208 = arith.addi %add3A_206, %add3A_207 : i32
      %mul3A_209 = arith.constant 128 : i32
      %mul3A_210 = arith.muli %add3A_208, %mul3A_209 : i32
      %multiple_of3A_211 = tpu.assume_multiple %mul3A_210, 8 : i32
      %dma_start3A_212 = tpu.memref_slice %arg4[%multiple_of3A_211] : memref<332160xi32, #tpu.memory_space<hbm>> -> memref<128xi32, #tpu.memory_space<hbm>>
      %dma_start3A_213 = tpu.memref_slice %arg4[%multiple_of3A_211] : memref<332160xi32, #tpu.memory_space<hbm>> -> memref<128xi32, #tpu.memory_space<hbm>>
      tpu.enqueue_dma source(%dma_start3A_213 : memref<128xi32, #tpu.memory_space<hbm>>) target(%arg12 : memref<128xi32, #tpu.memory_space<vmem>>) target_semaphore(%arg22 : memref<!tpu.dma_semaphore, #tpu.memory_space<semaphore_mem>>)
      %dma_wait3A_214 = arith.constant 0 : i32
      %dma_wait3A_215 = tpu.memref_slice %arg3[%dma_wait3A_214] : memref<332160xi32, #tpu.memory_space<hbm>> -> memref<128xi32, #tpu.memory_space<hbm>>
      %dma_wait3A_216 = arith.constant 0 : i32
      %dma_wait3A_217 = tpu.memref_slice %arg3[%dma_wait3A_216] : memref<332160xi32, #tpu.memory_space<hbm>> -> memref<128xi32, #tpu.memory_space<hbm>>
      tpu.wait_dma2 semaphore(%arg19 : memref<!tpu.dma_semaphore, #tpu.memory_space<semaphore_mem>>) src(%dma_wait3A_217 : memref<128xi32, #tpu.memory_space<hbm>>) dst(%arg9 : memref<128xi32, #tpu.memory_space<vmem>>)
      %dma_start3A_218 = arith.constant 0 : i32
      %dma_start3A_219 = arith.constant 0 : i32
      %dma_start3A_220 = tpu.memref_slice %arg2[%dma_start3A_218, %dma_start3A_219] : memref<10008x128xf32, #tpu.memory_space<hbm>> -> memref<10008x128xf32, #tpu.memory_space<hbm>>
      tpu.enqueue_indirect_dma source(%dma_start3A_220 : memref<10008x128xf32, #tpu.memory_space<hbm>>) target(%arg15 : memref<128x128xf32, #tpu.memory_space<vmem>>) offsets(%arg9 : memref<128xi32, #tpu.memory_space<vmem>>) semaphore(%arg25 : memref<!tpu.dma_semaphore, #tpu.memory_space<semaphore_mem>>)
    }
    %scan3A_75 = arith.constant 27 : i32
    %dma_wait3A_76 = arith.constant 0 : i32
    %dma_wait3A_77 = arith.constant 0 : i32
    %dma_wait3A_78 = tpu.memref_slice %arg2[%dma_wait3A_76, %dma_wait3A_77] : memref<10008x128xf32, #tpu.memory_space<hbm>> -> memref<10008x128xf32, #tpu.memory_space<hbm>>
    tpu.wait_indirect_dma semaphore(%arg23 : memref<!tpu.dma_semaphore, #tpu.memory_space<semaphore_mem>>) src(%dma_wait3A_78 : memref<10008x128xf32, #tpu.memory_space<hbm>>) dst(%arg13 : memref<128x128xf32, #tpu.memory_space<vmem>>)
    %dma_wait3A_79 = arith.constant 0 : i32
    %dma_wait3A_80 = tpu.memref_slice %arg4[%dma_wait3A_79] : memref<332160xi32, #tpu.memory_space<hbm>> -> memref<128xi32, #tpu.memory_space<hbm>>
    %dma_wait3A_81 = arith.constant 0 : i32
    %dma_wait3A_82 = tpu.memref_slice %arg4[%dma_wait3A_81] : memref<332160xi32, #tpu.memory_space<hbm>> -> memref<128xi32, #tpu.memory_space<hbm>>
    tpu.wait_dma2 semaphore(%arg20 : memref<!tpu.dma_semaphore, #tpu.memory_space<semaphore_mem>>) src(%dma_wait3A_82 : memref<128xi32, #tpu.memory_space<hbm>>) dst(%arg10 : memref<128xi32, #tpu.memory_space<vmem>>)
    %dma_wait3A_83 = arith.constant 0 : i32
    %dma_wait3A_84 = arith.constant 0 : i32
    %dma_wait3A_85 = tpu.memref_slice %arg2[%dma_wait3A_83, %dma_wait3A_84] : memref<10008x128xf32, #tpu.memory_space<hbm>> -> memref<10008x128xf32, #tpu.memory_space<hbm>>
    tpu.wait_indirect_dma semaphore(%arg24 : memref<!tpu.dma_semaphore, #tpu.memory_space<semaphore_mem>>) src(%dma_wait3A_85 : memref<10008x128xf32, #tpu.memory_space<hbm>>) dst(%arg14 : memref<128x128xf32, #tpu.memory_space<vmem>>)
    %dma_wait3A_86 = arith.constant 0 : i32
    %dma_wait3A_87 = tpu.memref_slice %arg4[%dma_wait3A_86] : memref<332160xi32, #tpu.memory_space<hbm>> -> memref<128xi32, #tpu.memory_space<hbm>>
    %dma_wait3A_88 = arith.constant 0 : i32
    %dma_wait3A_89 = tpu.memref_slice %arg4[%dma_wait3A_88] : memref<332160xi32, #tpu.memory_space<hbm>> -> memref<128xi32, #tpu.memory_space<hbm>>
    tpu.wait_dma2 semaphore(%arg21 : memref<!tpu.dma_semaphore, #tpu.memory_space<semaphore_mem>>) src(%dma_wait3A_89 : memref<128xi32, #tpu.memory_space<hbm>>) dst(%arg11 : memref<128xi32, #tpu.memory_space<vmem>>)
    %dma_wait3A_90 = arith.constant 0 : i32
    %dma_wait3A_91 = arith.constant 0 : i32
    %dma_wait3A_92 = tpu.memref_slice %arg2[%dma_wait3A_90, %dma_wait3A_91] : memref<10008x128xf32, #tpu.memory_space<hbm>> -> memref<10008x128xf32, #tpu.memory_space<hbm>>
    tpu.wait_indirect_dma semaphore(%arg25 : memref<!tpu.dma_semaphore, #tpu.memory_space<semaphore_mem>>) src(%dma_wait3A_92 : memref<10008x128xf32, #tpu.memory_space<hbm>>) dst(%arg15 : memref<128x128xf32, #tpu.memory_space<vmem>>)
    %dma_wait3A_93 = arith.constant 0 : i32
    %dma_wait3A_94 = tpu.memref_slice %arg4[%dma_wait3A_93] : memref<332160xi32, #tpu.memory_space<hbm>> -> memref<128xi32, #tpu.memory_space<hbm>>
    %dma_wait3A_95 = arith.constant 0 : i32
    %dma_wait3A_96 = tpu.memref_slice %arg4[%dma_wait3A_95] : memref<332160xi32, #tpu.memory_space<hbm>> -> memref<128xi32, #tpu.memory_space<hbm>>
    tpu.wait_dma2 semaphore(%arg22 : memref<!tpu.dma_semaphore, #tpu.memory_space<semaphore_mem>>) src(%dma_wait3A_96 : memref<128xi32, #tpu.memory_space<hbm>>) dst(%arg12 : memref<128xi32, #tpu.memory_space<vmem>>)
    %barrier3A_97 = arith.constant 0 : index
    tpu.barrier barrier_id(%barrier3A_97)
    "tpu.region"() ({
      %run_scoped3A = tpu.sem_alloc : memref<!tpu.dma_semaphore, #tpu.memory_space<semaphore_mem>>
      %dma_start3A_103 = arith.constant 0 : i32
      %dma_start3A_104 = tpu.memref_slice %arg6[%arg0, %mul3A_2, %dma_start3A_103] : memref<2x10000x128xf32, #tpu.memory_space<hbm>> -> memref<1x624x128xf32, #tpu.memory_space<hbm>>
      %dma_start3A_105 = tpu.memref_squeeze %dma_start3A_104 : memref<1x624x128xf32, #tpu.memory_space<hbm>> -> memref<624x128xf32, #tpu.memory_space<hbm>>
      %dma_start3A_106 = arith.constant 0 : i32
      %dma_start3A_107 = tpu.memref_slice %arg16[%mul3A_2, %dma_start3A_106] : memref<10000x128xf32, #tpu.memory_space<vmem_shared>> -> memref<624x128xf32, #tpu.memory_space<vmem_shared>>
      tpu.enqueue_dma source(%dma_start3A_107 : memref<624x128xf32, #tpu.memory_space<vmem_shared>>) target(%dma_start3A_105 : memref<624x128xf32, #tpu.memory_space<hbm>>) target_semaphore(%run_scoped3A : memref<!tpu.dma_semaphore, #tpu.memory_space<semaphore_mem>>)
      %dma_wait3A_108 = arith.constant 0 : i32
      %dma_wait3A_109 = tpu.memref_slice %arg6[%arg0, %mul3A_2, %dma_wait3A_108] : memref<2x10000x128xf32, #tpu.memory_space<hbm>> -> memref<1x624x128xf32, #tpu.memory_space<hbm>>
      %dma_wait3A_110 = tpu.memref_squeeze %dma_wait3A_109 : memref<1x624x128xf32, #tpu.memory_space<hbm>> -> memref<624x128xf32, #tpu.memory_space<hbm>>
      %dma_wait3A_111 = arith.constant 0 : i32
      %dma_wait3A_112 = tpu.memref_slice %arg16[%mul3A_2, %dma_wait3A_111] : memref<10000x128xf32, #tpu.memory_space<vmem_shared>> -> memref<624x128xf32, #tpu.memory_space<vmem_shared>>
      tpu.wait_dma2 semaphore(%run_scoped3A : memref<!tpu.dma_semaphore, #tpu.memory_space<semaphore_mem>>) src(%dma_wait3A_112 : memref<624x128xf32, #tpu.memory_space<vmem_shared>>) dst(%dma_wait3A_110 : memref<624x128xf32, #tpu.memory_space<hbm>>)
      tpu.yield
    }) : () -> ()
    %eq3A_98 = arith.constant 15 : i32
    %eq3A_99 = arith.cmpi eq, %arg1, %eq3A_98 : i32
    %convert_element_type3A_100 = arith.extui %eq3A_99 : i1 to i32
    %cond3A_101 = arith.constant 0 : i32
    %cond3A_102 = arith.cmpi ne, %convert_element_type3A_100, %cond3A_101 : i32
    scf.if %cond3A_102 {
      "tpu.region"() ({
        %run_scoped3A = tpu.sem_alloc : memref<!tpu.dma_semaphore, #tpu.memory_space<semaphore_mem>>
        %dma_start3A_103 = arith.constant 9984 : i32
        %dma_start3A_104 = arith.constant 0 : i32
        %dma_start3A_105 = tpu.memref_slice %arg6[%arg0, %dma_start3A_103, %dma_start3A_104] : memref<2x10000x128xf32, #tpu.memory_space<hbm>> -> memref<1x16x128xf32, #tpu.memory_space<hbm>>
        %dma_start3A_106 = tpu.memref_squeeze %dma_start3A_105 : memref<1x16x128xf32, #tpu.memory_space<hbm>> -> memref<16x128xf32, #tpu.memory_space<hbm>>
        %dma_start3A_107 = arith.constant 9984 : i32
        %dma_start3A_108 = arith.constant 0 : i32
        %dma_start3A_109 = tpu.memref_slice %arg16[%dma_start3A_107, %dma_start3A_108] : memref<10000x128xf32, #tpu.memory_space<vmem_shared>> -> memref<16x128xf32, #tpu.memory_space<vmem_shared>>
        tpu.enqueue_dma source(%dma_start3A_109 : memref<16x128xf32, #tpu.memory_space<vmem_shared>>) target(%dma_start3A_106 : memref<16x128xf32, #tpu.memory_space<hbm>>) target_semaphore(%run_scoped3A : memref<!tpu.dma_semaphore, #tpu.memory_space<semaphore_mem>>)
        %dma_wait3A_110 = arith.constant 9984 : i32
        %dma_wait3A_111 = arith.constant 0 : i32
        %dma_wait3A_112 = tpu.memref_slice %arg6[%arg0, %dma_wait3A_110, %dma_wait3A_111] : memref<2x10000x128xf32, #tpu.memory_space<hbm>> -> memref<1x16x128xf32, #tpu.memory_space<hbm>>
        %dma_wait3A_113 = tpu.memref_squeeze %dma_wait3A_112 : memref<1x16x128xf32, #tpu.memory_space<hbm>> -> memref<16x128xf32, #tpu.memory_space<hbm>>
        %dma_wait3A_114 = arith.constant 9984 : i32
        %dma_wait3A_115 = arith.constant 0 : i32
        %dma_wait3A_116 = tpu.memref_slice %arg16[%dma_wait3A_114, %dma_wait3A_115] : memref<10000x128xf32, #tpu.memory_space<vmem_shared>> -> memref<16x128xf32, #tpu.memory_space<vmem_shared>>
        tpu.wait_dma2 semaphore(%run_scoped3A : memref<!tpu.dma_semaphore, #tpu.memory_space<semaphore_mem>>) src(%dma_wait3A_116 : memref<16x128xf32, #tpu.memory_space<vmem_shared>>) dst(%dma_wait3A_113 : memref<16x128xf32, #tpu.memory_space<hbm>>)
        tpu.yield
      }) : () -> ()
    } else {
    }
    return
  }
}

#map = affine_map<(d0, d1) -> (0, 0)>
#map1 = affine_map<(d0, d1) -> (0)>
#map2 = affine_map<(d0, d1) -> (0, 0, 0)>
module attributes {stable_mosaic.version = 14 : i64} {
  func.func @agg_kernel(%arg0: i32, %arg1: i32, %arg2: memref<10008x128xf32, #tpu.memory_space<hbm>>, %arg3: memref<332160xi32, #tpu.memory_space<hbm>>, %arg4: memref<332160xi32, #tpu.memory_space<hbm>>, %arg5: memref<10000x128xf32, #tpu.memory_space<hbm>>, %arg6: memref<2x10000x128xf32, #tpu.memory_space<hbm>>, %arg7: memref<128xi32, #tpu.memory_space<vmem>>, %arg8: memref<128xi32, #tpu.memory_space<vmem>>, %arg9: memref<128xi32, #tpu.memory_space<vmem>>, %arg10: memref<128xi32, #tpu.memory_space<vmem>>, %arg11: memref<128xi32, #tpu.memory_space<vmem>>, %arg12: memref<128xi32, #tpu.memory_space<vmem>>, %arg13: memref<128x128xf32, #tpu.memory_space<vmem>>, %arg14: memref<128x128xf32, #tpu.memory_space<vmem>>, %arg15: memref<128x128xf32, #tpu.memory_space<vmem>>, %arg16: memref<10000x128xf32, #tpu.memory_space<vmem_shared>>, %arg17: memref<!tpu.dma_semaphore, #tpu.memory_space<semaphore_mem>>, %arg18: memref<!tpu.dma_semaphore, #tpu.memory_space<semaphore_mem>>, %arg19: memref<!tpu.dma_semaphore, #tpu.memory_space<semaphore_mem>>, %arg20: memref<!tpu.dma_semaphore, #tpu.memory_space<semaphore_mem>>, %arg21: memref<!tpu.dma_semaphore, #tpu.memory_space<semaphore_mem>>, %arg22: memref<!tpu.dma_semaphore, #tpu.memory_space<semaphore_mem>>, %arg23: memref<!tpu.dma_semaphore, #tpu.memory_space<semaphore_mem>>, %arg24: memref<!tpu.dma_semaphore, #tpu.memory_space<semaphore_mem>>, %arg25: memref<!tpu.dma_semaphore, #tpu.memory_space<semaphore_mem>>, %arg26: memref<!tpu.dma_semaphore, #tpu.memory_space<semaphore_mem>>, %arg27: memref<!tpu.dma_semaphore, #tpu.memory_space<semaphore_mem>>, %arg28: memref<!tpu.dma_semaphore, #tpu.memory_space<semaphore_mem>>) attributes {dimension_semantics = [#tpu.dimension_semantics<core_parallel>, #tpu.dimension_semantics<subcore_parallel>], iteration_bounds = array<i64: 2, 16>, scalar_prefetch = 0 : i64, scratch_operands = 22 : i64, tpu.core_type = #tpu.core_type<sc_vector_subcore>, window_params = [{transform_indices = #map}, {transform_indices = #map1}, {transform_indices = #map1}, {transform_indices = #map}, {transform_indices = #map2}]} {
    %mul3A = arith.constant 16 : i32
    %mul3A_0 = arith.muli %arg0, %mul3A : i32
    %add3A = arith.addi %mul3A_0, %arg1 : i32
    %mul3A_1 = arith.constant 624 : i32
    %mul3A_2 = arith.muli %arg1, %mul3A_1 : i32
    %eq3A = arith.constant 0 : i32
    %eq3A_3 = arith.cmpi eq, %arg0, %eq3A : i32
    %convert_element_type3A = arith.extui %eq3A_3 : i1 to i32
    %cond3A = arith.constant 0 : i32
    %cond3A_4 = arith.cmpi ne, %convert_element_type3A, %cond3A : i32
    scf.if %cond3A_4 {
      "tpu.region"() ({
        %run_scoped3A = tpu.sem_alloc : memref<!tpu.dma_semaphore, #tpu.memory_space<semaphore_mem>>
        %dma_start3A_108 = arith.constant 0 : i32
        %dma_start3A_109 = tpu.memref_slice %arg16[%mul3A_2, %dma_start3A_108] : memref<10000x128xf32, #tpu.memory_space<vmem_shared>> -> memref<624x128xf32, #tpu.memory_space<vmem_shared>>
        %dma_start3A_110 = arith.constant 0 : i32
        %dma_start3A_111 = tpu.memref_slice %arg2[%mul3A_2, %dma_start3A_110] : memref<10008x128xf32, #tpu.memory_space<hbm>> -> memref<624x128xf32, #tpu.memory_space<hbm>>
        tpu.enqueue_dma source(%dma_start3A_111 : memref<624x128xf32, #tpu.memory_space<hbm>>) target(%dma_start3A_109 : memref<624x128xf32, #tpu.memory_space<vmem_shared>>) target_semaphore(%run_scoped3A : memref<!tpu.dma_semaphore, #tpu.memory_space<semaphore_mem>>)
        %dma_wait3A_112 = arith.constant 0 : i32
        %dma_wait3A_113 = tpu.memref_slice %arg16[%mul3A_2, %dma_wait3A_112] : memref<10000x128xf32, #tpu.memory_space<vmem_shared>> -> memref<624x128xf32, #tpu.memory_space<vmem_shared>>
        %dma_wait3A_114 = arith.constant 0 : i32
        %dma_wait3A_115 = tpu.memref_slice %arg2[%mul3A_2, %dma_wait3A_114] : memref<10008x128xf32, #tpu.memory_space<hbm>> -> memref<624x128xf32, #tpu.memory_space<hbm>>
        tpu.wait_dma2 semaphore(%run_scoped3A : memref<!tpu.dma_semaphore, #tpu.memory_space<semaphore_mem>>) src(%dma_wait3A_115 : memref<624x128xf32, #tpu.memory_space<hbm>>) dst(%dma_wait3A_113 : memref<624x128xf32, #tpu.memory_space<vmem_shared>>)
        tpu.yield
      }) : () -> ()
      %eq3A_103 = arith.constant 15 : i32
      %eq3A_104 = arith.cmpi eq, %arg1, %eq3A_103 : i32
      %convert_element_type3A_105 = arith.extui %eq3A_104 : i1 to i32
      %cond3A_106 = arith.constant 0 : i32
      %cond3A_107 = arith.cmpi ne, %convert_element_type3A_105, %cond3A_106 : i32
      scf.if %cond3A_107 {
        "tpu.region"() ({
          %run_scoped3A = tpu.sem_alloc : memref<!tpu.dma_semaphore, #tpu.memory_space<semaphore_mem>>
          %dma_start3A_108 = arith.constant 9984 : i32
          %dma_start3A_109 = arith.constant 0 : i32
          %dma_start3A_110 = tpu.memref_slice %arg16[%dma_start3A_108, %dma_start3A_109] : memref<10000x128xf32, #tpu.memory_space<vmem_shared>> -> memref<16x128xf32, #tpu.memory_space<vmem_shared>>
          %dma_start3A_111 = arith.constant 9984 : i32
          %dma_start3A_112 = arith.constant 0 : i32
          %dma_start3A_113 = tpu.memref_slice %arg2[%dma_start3A_111, %dma_start3A_112] : memref<10008x128xf32, #tpu.memory_space<hbm>> -> memref<16x128xf32, #tpu.memory_space<hbm>>
          tpu.enqueue_dma source(%dma_start3A_113 : memref<16x128xf32, #tpu.memory_space<hbm>>) target(%dma_start3A_110 : memref<16x128xf32, #tpu.memory_space<vmem_shared>>) target_semaphore(%run_scoped3A : memref<!tpu.dma_semaphore, #tpu.memory_space<semaphore_mem>>)
          %dma_wait3A_114 = arith.constant 9984 : i32
          %dma_wait3A_115 = arith.constant 0 : i32
          %dma_wait3A_116 = tpu.memref_slice %arg16[%dma_wait3A_114, %dma_wait3A_115] : memref<10000x128xf32, #tpu.memory_space<vmem_shared>> -> memref<16x128xf32, #tpu.memory_space<vmem_shared>>
          %dma_wait3A_117 = arith.constant 9984 : i32
          %dma_wait3A_118 = arith.constant 0 : i32
          %dma_wait3A_119 = tpu.memref_slice %arg2[%dma_wait3A_117, %dma_wait3A_118] : memref<10008x128xf32, #tpu.memory_space<hbm>> -> memref<16x128xf32, #tpu.memory_space<hbm>>
          tpu.wait_dma2 semaphore(%run_scoped3A : memref<!tpu.dma_semaphore, #tpu.memory_space<semaphore_mem>>) src(%dma_wait3A_119 : memref<16x128xf32, #tpu.memory_space<hbm>>) dst(%dma_wait3A_116 : memref<16x128xf32, #tpu.memory_space<vmem_shared>>)
          tpu.yield
        }) : () -> ()
      } else {
      }
    } else {
    }
    %ne3A = arith.constant 0 : i32
    %ne3A_5 = arith.cmpi ne, %arg0, %ne3A : i32
    %convert_element_type3A_6 = arith.extui %ne3A_5 : i1 to i32
    %cond3A_7 = arith.constant 0 : i32
    %cond3A_8 = arith.cmpi ne, %convert_element_type3A_6, %cond3A_7 : i32
    scf.if %cond3A_8 {
      "tpu.region"() ({
        %run_scoped3A = tpu.sem_alloc : memref<!tpu.dma_semaphore, #tpu.memory_space<semaphore_mem>>
        %dma_start3A_108 = arith.constant 0 : i32
        %dma_start3A_109 = tpu.memref_slice %arg16[%mul3A_2, %dma_start3A_108] : memref<10000x128xf32, #tpu.memory_space<vmem_shared>> -> memref<624x128xf32, #tpu.memory_space<vmem_shared>>
        %dma_start3A_110 = arith.constant 0 : i32
        %dma_start3A_111 = tpu.memref_slice %arg5[%mul3A_2, %dma_start3A_110] : memref<10000x128xf32, #tpu.memory_space<hbm>> -> memref<624x128xf32, #tpu.memory_space<hbm>>
        tpu.enqueue_dma source(%dma_start3A_111 : memref<624x128xf32, #tpu.memory_space<hbm>>) target(%dma_start3A_109 : memref<624x128xf32, #tpu.memory_space<vmem_shared>>) target_semaphore(%run_scoped3A : memref<!tpu.dma_semaphore, #tpu.memory_space<semaphore_mem>>)
        %dma_wait3A_112 = arith.constant 0 : i32
        %dma_wait3A_113 = tpu.memref_slice %arg16[%mul3A_2, %dma_wait3A_112] : memref<10000x128xf32, #tpu.memory_space<vmem_shared>> -> memref<624x128xf32, #tpu.memory_space<vmem_shared>>
        %dma_wait3A_114 = arith.constant 0 : i32
        %dma_wait3A_115 = tpu.memref_slice %arg5[%mul3A_2, %dma_wait3A_114] : memref<10000x128xf32, #tpu.memory_space<hbm>> -> memref<624x128xf32, #tpu.memory_space<hbm>>
        tpu.wait_dma2 semaphore(%run_scoped3A : memref<!tpu.dma_semaphore, #tpu.memory_space<semaphore_mem>>) src(%dma_wait3A_115 : memref<624x128xf32, #tpu.memory_space<hbm>>) dst(%dma_wait3A_113 : memref<624x128xf32, #tpu.memory_space<vmem_shared>>)
        tpu.yield
      }) : () -> ()
      %eq3A_103 = arith.constant 15 : i32
      %eq3A_104 = arith.cmpi eq, %arg1, %eq3A_103 : i32
      %convert_element_type3A_105 = arith.extui %eq3A_104 : i1 to i32
      %cond3A_106 = arith.constant 0 : i32
      %cond3A_107 = arith.cmpi ne, %convert_element_type3A_105, %cond3A_106 : i32
      scf.if %cond3A_107 {
        "tpu.region"() ({
          %run_scoped3A = tpu.sem_alloc : memref<!tpu.dma_semaphore, #tpu.memory_space<semaphore_mem>>
          %dma_start3A_108 = arith.constant 9984 : i32
          %dma_start3A_109 = arith.constant 0 : i32
          %dma_start3A_110 = tpu.memref_slice %arg16[%dma_start3A_108, %dma_start3A_109] : memref<10000x128xf32, #tpu.memory_space<vmem_shared>> -> memref<16x128xf32, #tpu.memory_space<vmem_shared>>
          %dma_start3A_111 = arith.constant 9984 : i32
          %dma_start3A_112 = arith.constant 0 : i32
          %dma_start3A_113 = tpu.memref_slice %arg5[%dma_start3A_111, %dma_start3A_112] : memref<10000x128xf32, #tpu.memory_space<hbm>> -> memref<16x128xf32, #tpu.memory_space<hbm>>
          tpu.enqueue_dma source(%dma_start3A_113 : memref<16x128xf32, #tpu.memory_space<hbm>>) target(%dma_start3A_110 : memref<16x128xf32, #tpu.memory_space<vmem_shared>>) target_semaphore(%run_scoped3A : memref<!tpu.dma_semaphore, #tpu.memory_space<semaphore_mem>>)
          %dma_wait3A_114 = arith.constant 9984 : i32
          %dma_wait3A_115 = arith.constant 0 : i32
          %dma_wait3A_116 = tpu.memref_slice %arg16[%dma_wait3A_114, %dma_wait3A_115] : memref<10000x128xf32, #tpu.memory_space<vmem_shared>> -> memref<16x128xf32, #tpu.memory_space<vmem_shared>>
          %dma_wait3A_117 = arith.constant 9984 : i32
          %dma_wait3A_118 = arith.constant 0 : i32
          %dma_wait3A_119 = tpu.memref_slice %arg5[%dma_wait3A_117, %dma_wait3A_118] : memref<10000x128xf32, #tpu.memory_space<hbm>> -> memref<16x128xf32, #tpu.memory_space<hbm>>
          tpu.wait_dma2 semaphore(%run_scoped3A : memref<!tpu.dma_semaphore, #tpu.memory_space<semaphore_mem>>) src(%dma_wait3A_119 : memref<16x128xf32, #tpu.memory_space<hbm>>) dst(%dma_wait3A_116 : memref<16x128xf32, #tpu.memory_space<vmem_shared>>)
          tpu.yield
        }) : () -> ()
      } else {
      }
    } else {
    }
    %barrier3A = arith.constant 0 : index
    tpu.barrier barrier_id(%barrier3A)
    %mul3A_9 = arith.constant 81 : i32
    %mul3A_10 = arith.muli %add3A, %mul3A_9 : i32
    %add3A_11 = arith.constant 0 : i32
    %add3A_12 = arith.addi %mul3A_10, %add3A_11 : i32
    %mul3A_13 = arith.constant 128 : i32
    %mul3A_14 = arith.muli %add3A_12, %mul3A_13 : i32
    %multiple_of3A = tpu.assume_multiple %mul3A_14, 8 : i32
    %dma_start3A = tpu.memref_slice %arg3[%multiple_of3A] : memref<332160xi32, #tpu.memory_space<hbm>> -> memref<128xi32, #tpu.memory_space<hbm>>
    %dma_start3A_15 = tpu.memref_slice %arg3[%multiple_of3A] : memref<332160xi32, #tpu.memory_space<hbm>> -> memref<128xi32, #tpu.memory_space<hbm>>
    tpu.enqueue_dma source(%dma_start3A_15 : memref<128xi32, #tpu.memory_space<hbm>>) target(%arg7 : memref<128xi32, #tpu.memory_space<vmem>>) target_semaphore(%arg17 : memref<!tpu.dma_semaphore, #tpu.memory_space<semaphore_mem>>)
    %add3A_16 = arith.constant 0 : i32
    %add3A_17 = arith.addi %mul3A_10, %add3A_16 : i32
    %mul3A_18 = arith.constant 128 : i32
    %mul3A_19 = arith.muli %add3A_17, %mul3A_18 : i32
    %multiple_of3A_20 = tpu.assume_multiple %mul3A_19, 8 : i32
    %dma_start3A_21 = tpu.memref_slice %arg4[%multiple_of3A_20] : memref<332160xi32, #tpu.memory_space<hbm>> -> memref<128xi32, #tpu.memory_space<hbm>>
    %dma_start3A_22 = tpu.memref_slice %arg4[%multiple_of3A_20] : memref<332160xi32, #tpu.memory_space<hbm>> -> memref<128xi32, #tpu.memory_space<hbm>>
    tpu.enqueue_dma source(%dma_start3A_22 : memref<128xi32, #tpu.memory_space<hbm>>) target(%arg10 : memref<128xi32, #tpu.memory_space<vmem>>) target_semaphore(%arg20 : memref<!tpu.dma_semaphore, #tpu.memory_space<semaphore_mem>>)
    %add3A_23 = arith.constant 1 : i32
    %add3A_24 = arith.addi %mul3A_10, %add3A_23 : i32
    %mul3A_25 = arith.constant 128 : i32
    %mul3A_26 = arith.muli %add3A_24, %mul3A_25 : i32
    %multiple_of3A_27 = tpu.assume_multiple %mul3A_26, 8 : i32
    %dma_start3A_28 = tpu.memref_slice %arg3[%multiple_of3A_27] : memref<332160xi32, #tpu.memory_space<hbm>> -> memref<128xi32, #tpu.memory_space<hbm>>
    %dma_start3A_29 = tpu.memref_slice %arg3[%multiple_of3A_27] : memref<332160xi32, #tpu.memory_space<hbm>> -> memref<128xi32, #tpu.memory_space<hbm>>
    tpu.enqueue_dma source(%dma_start3A_29 : memref<128xi32, #tpu.memory_space<hbm>>) target(%arg8 : memref<128xi32, #tpu.memory_space<vmem>>) target_semaphore(%arg18 : memref<!tpu.dma_semaphore, #tpu.memory_space<semaphore_mem>>)
    %add3A_30 = arith.constant 1 : i32
    %add3A_31 = arith.addi %mul3A_10, %add3A_30 : i32
    %mul3A_32 = arith.constant 128 : i32
    %mul3A_33 = arith.muli %add3A_31, %mul3A_32 : i32
    %multiple_of3A_34 = tpu.assume_multiple %mul3A_33, 8 : i32
    %dma_start3A_35 = tpu.memref_slice %arg4[%multiple_of3A_34] : memref<332160xi32, #tpu.memory_space<hbm>> -> memref<128xi32, #tpu.memory_space<hbm>>
    %dma_start3A_36 = tpu.memref_slice %arg4[%multiple_of3A_34] : memref<332160xi32, #tpu.memory_space<hbm>> -> memref<128xi32, #tpu.memory_space<hbm>>
    tpu.enqueue_dma source(%dma_start3A_36 : memref<128xi32, #tpu.memory_space<hbm>>) target(%arg11 : memref<128xi32, #tpu.memory_space<vmem>>) target_semaphore(%arg21 : memref<!tpu.dma_semaphore, #tpu.memory_space<semaphore_mem>>)
    %add3A_37 = arith.constant 2 : i32
    %add3A_38 = arith.addi %mul3A_10, %add3A_37 : i32
    %mul3A_39 = arith.constant 128 : i32
    %mul3A_40 = arith.muli %add3A_38, %mul3A_39 : i32
    %multiple_of3A_41 = tpu.assume_multiple %mul3A_40, 8 : i32
    %dma_start3A_42 = tpu.memref_slice %arg3[%multiple_of3A_41] : memref<332160xi32, #tpu.memory_space<hbm>> -> memref<128xi32, #tpu.memory_space<hbm>>
    %dma_start3A_43 = tpu.memref_slice %arg3[%multiple_of3A_41] : memref<332160xi32, #tpu.memory_space<hbm>> -> memref<128xi32, #tpu.memory_space<hbm>>
    tpu.enqueue_dma source(%dma_start3A_43 : memref<128xi32, #tpu.memory_space<hbm>>) target(%arg9 : memref<128xi32, #tpu.memory_space<vmem>>) target_semaphore(%arg19 : memref<!tpu.dma_semaphore, #tpu.memory_space<semaphore_mem>>)
    %add3A_44 = arith.constant 2 : i32
    %add3A_45 = arith.addi %mul3A_10, %add3A_44 : i32
    %mul3A_46 = arith.constant 128 : i32
    %mul3A_47 = arith.muli %add3A_45, %mul3A_46 : i32
    %multiple_of3A_48 = tpu.assume_multiple %mul3A_47, 8 : i32
    %dma_start3A_49 = tpu.memref_slice %arg4[%multiple_of3A_48] : memref<332160xi32, #tpu.memory_space<hbm>> -> memref<128xi32, #tpu.memory_space<hbm>>
    %dma_start3A_50 = tpu.memref_slice %arg4[%multiple_of3A_48] : memref<332160xi32, #tpu.memory_space<hbm>> -> memref<128xi32, #tpu.memory_space<hbm>>
    tpu.enqueue_dma source(%dma_start3A_50 : memref<128xi32, #tpu.memory_space<hbm>>) target(%arg12 : memref<128xi32, #tpu.memory_space<vmem>>) target_semaphore(%arg22 : memref<!tpu.dma_semaphore, #tpu.memory_space<semaphore_mem>>)
    %dma_wait3A = arith.constant 0 : i32
    %dma_wait3A_51 = tpu.memref_slice %arg3[%dma_wait3A] : memref<332160xi32, #tpu.memory_space<hbm>> -> memref<128xi32, #tpu.memory_space<hbm>>
    %dma_wait3A_52 = arith.constant 0 : i32
    %dma_wait3A_53 = tpu.memref_slice %arg3[%dma_wait3A_52] : memref<332160xi32, #tpu.memory_space<hbm>> -> memref<128xi32, #tpu.memory_space<hbm>>
    tpu.wait_dma2 semaphore(%arg17 : memref<!tpu.dma_semaphore, #tpu.memory_space<semaphore_mem>>) src(%dma_wait3A_53 : memref<128xi32, #tpu.memory_space<hbm>>) dst(%arg7 : memref<128xi32, #tpu.memory_space<vmem>>)
    %dma_start3A_54 = arith.constant 0 : i32
    %dma_start3A_55 = arith.constant 0 : i32
    %dma_start3A_56 = tpu.memref_slice %arg2[%dma_start3A_54, %dma_start3A_55] : memref<10008x128xf32, #tpu.memory_space<hbm>> -> memref<10008x128xf32, #tpu.memory_space<hbm>>
    tpu.enqueue_indirect_dma source(%dma_start3A_56 : memref<10008x128xf32, #tpu.memory_space<hbm>>) target(%arg13 : memref<128x128xf32, #tpu.memory_space<vmem>>) offsets(%arg7 : memref<128xi32, #tpu.memory_space<vmem>>) semaphore(%arg23 : memref<!tpu.dma_semaphore, #tpu.memory_space<semaphore_mem>>)
    %dma_wait3A_57 = arith.constant 0 : i32
    %dma_wait3A_58 = tpu.memref_slice %arg3[%dma_wait3A_57] : memref<332160xi32, #tpu.memory_space<hbm>> -> memref<128xi32, #tpu.memory_space<hbm>>
    %dma_wait3A_59 = arith.constant 0 : i32
    %dma_wait3A_60 = tpu.memref_slice %arg3[%dma_wait3A_59] : memref<332160xi32, #tpu.memory_space<hbm>> -> memref<128xi32, #tpu.memory_space<hbm>>
    tpu.wait_dma2 semaphore(%arg18 : memref<!tpu.dma_semaphore, #tpu.memory_space<semaphore_mem>>) src(%dma_wait3A_60 : memref<128xi32, #tpu.memory_space<hbm>>) dst(%arg8 : memref<128xi32, #tpu.memory_space<vmem>>)
    %dma_start3A_61 = arith.constant 0 : i32
    %dma_start3A_62 = arith.constant 0 : i32
    %dma_start3A_63 = tpu.memref_slice %arg2[%dma_start3A_61, %dma_start3A_62] : memref<10008x128xf32, #tpu.memory_space<hbm>> -> memref<10008x128xf32, #tpu.memory_space<hbm>>
    tpu.enqueue_indirect_dma source(%dma_start3A_63 : memref<10008x128xf32, #tpu.memory_space<hbm>>) target(%arg14 : memref<128x128xf32, #tpu.memory_space<vmem>>) offsets(%arg8 : memref<128xi32, #tpu.memory_space<vmem>>) semaphore(%arg24 : memref<!tpu.dma_semaphore, #tpu.memory_space<semaphore_mem>>)
    %dma_wait3A_64 = arith.constant 0 : i32
    %dma_wait3A_65 = tpu.memref_slice %arg3[%dma_wait3A_64] : memref<332160xi32, #tpu.memory_space<hbm>> -> memref<128xi32, #tpu.memory_space<hbm>>
    %dma_wait3A_66 = arith.constant 0 : i32
    %dma_wait3A_67 = tpu.memref_slice %arg3[%dma_wait3A_66] : memref<332160xi32, #tpu.memory_space<hbm>> -> memref<128xi32, #tpu.memory_space<hbm>>
    tpu.wait_dma2 semaphore(%arg19 : memref<!tpu.dma_semaphore, #tpu.memory_space<semaphore_mem>>) src(%dma_wait3A_67 : memref<128xi32, #tpu.memory_space<hbm>>) dst(%arg9 : memref<128xi32, #tpu.memory_space<vmem>>)
    %dma_start3A_68 = arith.constant 0 : i32
    %dma_start3A_69 = arith.constant 0 : i32
    %dma_start3A_70 = tpu.memref_slice %arg2[%dma_start3A_68, %dma_start3A_69] : memref<10008x128xf32, #tpu.memory_space<hbm>> -> memref<10008x128xf32, #tpu.memory_space<hbm>>
    tpu.enqueue_indirect_dma source(%dma_start3A_70 : memref<10008x128xf32, #tpu.memory_space<hbm>>) target(%arg15 : memref<128x128xf32, #tpu.memory_space<vmem>>) offsets(%arg9 : memref<128xi32, #tpu.memory_space<vmem>>) semaphore(%arg25 : memref<!tpu.dma_semaphore, #tpu.memory_space<semaphore_mem>>)
    %scan3A = arith.constant 0 : i32
    %scan3A_71 = arith.constant 0 : i32
    %scan3A_72 = arith.constant 27 : i32
    %scan3A_73 = arith.addi %scan3A_71, %scan3A_72 : i32
    %scan3A_74 = arith.constant 1 : i32
    scf.for %scan3A_103 = %scan3A_71 to %scan3A_73 step %scan3A_74  : i32 {
      %mul3A_104 = arith.constant 3 : i32
      %mul3A_105 = arith.muli %scan3A_103, %mul3A_104 : i32
      %add3A_106 = arith.addi %mul3A_10, %mul3A_105 : i32
      %dma_wait3A_107 = arith.constant 0 : i32
      %dma_wait3A_108 = arith.constant 0 : i32
      %dma_wait3A_109 = tpu.memref_slice %arg2[%dma_wait3A_107, %dma_wait3A_108] : memref<10008x128xf32, #tpu.memory_space<hbm>> -> memref<10008x128xf32, #tpu.memory_space<hbm>>
      tpu.wait_indirect_dma semaphore(%arg23 : memref<!tpu.dma_semaphore, #tpu.memory_space<semaphore_mem>>) src(%dma_wait3A_109 : memref<10008x128xf32, #tpu.memory_space<hbm>>) dst(%arg13 : memref<128x128xf32, #tpu.memory_space<vmem>>)
      %dma_wait3A_110 = arith.constant 0 : i32
      %dma_wait3A_111 = tpu.memref_slice %arg4[%dma_wait3A_110] : memref<332160xi32, #tpu.memory_space<hbm>> -> memref<128xi32, #tpu.memory_space<hbm>>
      %dma_wait3A_112 = arith.constant 0 : i32
      %dma_wait3A_113 = tpu.memref_slice %arg4[%dma_wait3A_112] : memref<332160xi32, #tpu.memory_space<hbm>> -> memref<128xi32, #tpu.memory_space<hbm>>
      tpu.wait_dma2 semaphore(%arg20 : memref<!tpu.dma_semaphore, #tpu.memory_space<semaphore_mem>>) src(%dma_wait3A_113 : memref<128xi32, #tpu.memory_space<hbm>>) dst(%arg10 : memref<128xi32, #tpu.memory_space<vmem>>)
      %dma_start3A_114 = arith.constant 0 : i32
      %dma_start3A_115 = arith.constant 0 : i32
      %dma_start3A_116 = tpu.memref_slice %arg16[%dma_start3A_114, %dma_start3A_115] : memref<10000x128xf32, #tpu.memory_space<vmem_shared>> -> memref<10000x128xf32, #tpu.memory_space<vmem_shared>>
      tpu.enqueue_indirect_dma source(%arg13 : memref<128x128xf32, #tpu.memory_space<vmem>>) target(%dma_start3A_116 : memref<10000x128xf32, #tpu.memory_space<vmem_shared>>) offsets(%arg10 : memref<128xi32, #tpu.memory_space<vmem>>) semaphore(%arg26 : memref<!tpu.dma_semaphore, #tpu.memory_space<semaphore_mem>>) {add = true}
      %add3A_117 = arith.constant 3 : i32
      %add3A_118 = arith.addi %add3A_106, %add3A_117 : i32
      %add3A_119 = arith.constant 0 : i32
      %add3A_120 = arith.addi %add3A_118, %add3A_119 : i32
      %mul3A_121 = arith.constant 128 : i32
      %mul3A_122 = arith.muli %add3A_120, %mul3A_121 : i32
      %multiple_of3A_123 = tpu.assume_multiple %mul3A_122, 8 : i32
      %dma_start3A_124 = tpu.memref_slice %arg3[%multiple_of3A_123] : memref<332160xi32, #tpu.memory_space<hbm>> -> memref<128xi32, #tpu.memory_space<hbm>>
      %dma_start3A_125 = tpu.memref_slice %arg3[%multiple_of3A_123] : memref<332160xi32, #tpu.memory_space<hbm>> -> memref<128xi32, #tpu.memory_space<hbm>>
      tpu.enqueue_dma source(%dma_start3A_125 : memref<128xi32, #tpu.memory_space<hbm>>) target(%arg7 : memref<128xi32, #tpu.memory_space<vmem>>) target_semaphore(%arg17 : memref<!tpu.dma_semaphore, #tpu.memory_space<semaphore_mem>>)
      %dma_wait3A_126 = arith.constant 0 : i32
      %dma_wait3A_127 = arith.constant 0 : i32
      %dma_wait3A_128 = tpu.memref_slice %arg2[%dma_wait3A_126, %dma_wait3A_127] : memref<10008x128xf32, #tpu.memory_space<hbm>> -> memref<10008x128xf32, #tpu.memory_space<hbm>>
      tpu.wait_indirect_dma semaphore(%arg24 : memref<!tpu.dma_semaphore, #tpu.memory_space<semaphore_mem>>) src(%dma_wait3A_128 : memref<10008x128xf32, #tpu.memory_space<hbm>>) dst(%arg14 : memref<128x128xf32, #tpu.memory_space<vmem>>)
      %dma_wait3A_129 = arith.constant 0 : i32
      %dma_wait3A_130 = tpu.memref_slice %arg4[%dma_wait3A_129] : memref<332160xi32, #tpu.memory_space<hbm>> -> memref<128xi32, #tpu.memory_space<hbm>>
      %dma_wait3A_131 = arith.constant 0 : i32
      %dma_wait3A_132 = tpu.memref_slice %arg4[%dma_wait3A_131] : memref<332160xi32, #tpu.memory_space<hbm>> -> memref<128xi32, #tpu.memory_space<hbm>>
      tpu.wait_dma2 semaphore(%arg21 : memref<!tpu.dma_semaphore, #tpu.memory_space<semaphore_mem>>) src(%dma_wait3A_132 : memref<128xi32, #tpu.memory_space<hbm>>) dst(%arg11 : memref<128xi32, #tpu.memory_space<vmem>>)
      %dma_start3A_133 = arith.constant 0 : i32
      %dma_start3A_134 = arith.constant 0 : i32
      %dma_start3A_135 = tpu.memref_slice %arg16[%dma_start3A_133, %dma_start3A_134] : memref<10000x128xf32, #tpu.memory_space<vmem_shared>> -> memref<10000x128xf32, #tpu.memory_space<vmem_shared>>
      tpu.enqueue_indirect_dma source(%arg14 : memref<128x128xf32, #tpu.memory_space<vmem>>) target(%dma_start3A_135 : memref<10000x128xf32, #tpu.memory_space<vmem_shared>>) offsets(%arg11 : memref<128xi32, #tpu.memory_space<vmem>>) semaphore(%arg27 : memref<!tpu.dma_semaphore, #tpu.memory_space<semaphore_mem>>) {add = true}
      %add3A_136 = arith.constant 3 : i32
      %add3A_137 = arith.addi %add3A_106, %add3A_136 : i32
      %add3A_138 = arith.constant 1 : i32
      %add3A_139 = arith.addi %add3A_137, %add3A_138 : i32
      %mul3A_140 = arith.constant 128 : i32
      %mul3A_141 = arith.muli %add3A_139, %mul3A_140 : i32
      %multiple_of3A_142 = tpu.assume_multiple %mul3A_141, 8 : i32
      %dma_start3A_143 = tpu.memref_slice %arg3[%multiple_of3A_142] : memref<332160xi32, #tpu.memory_space<hbm>> -> memref<128xi32, #tpu.memory_space<hbm>>
      %dma_start3A_144 = tpu.memref_slice %arg3[%multiple_of3A_142] : memref<332160xi32, #tpu.memory_space<hbm>> -> memref<128xi32, #tpu.memory_space<hbm>>
      tpu.enqueue_dma source(%dma_start3A_144 : memref<128xi32, #tpu.memory_space<hbm>>) target(%arg8 : memref<128xi32, #tpu.memory_space<vmem>>) target_semaphore(%arg18 : memref<!tpu.dma_semaphore, #tpu.memory_space<semaphore_mem>>)
      %dma_wait3A_145 = arith.constant 0 : i32
      %dma_wait3A_146 = arith.constant 0 : i32
      %dma_wait3A_147 = tpu.memref_slice %arg2[%dma_wait3A_145, %dma_wait3A_146] : memref<10008x128xf32, #tpu.memory_space<hbm>> -> memref<10008x128xf32, #tpu.memory_space<hbm>>
      tpu.wait_indirect_dma semaphore(%arg25 : memref<!tpu.dma_semaphore, #tpu.memory_space<semaphore_mem>>) src(%dma_wait3A_147 : memref<10008x128xf32, #tpu.memory_space<hbm>>) dst(%arg15 : memref<128x128xf32, #tpu.memory_space<vmem>>)
      %dma_wait3A_148 = arith.constant 0 : i32
      %dma_wait3A_149 = tpu.memref_slice %arg4[%dma_wait3A_148] : memref<332160xi32, #tpu.memory_space<hbm>> -> memref<128xi32, #tpu.memory_space<hbm>>
      %dma_wait3A_150 = arith.constant 0 : i32
      %dma_wait3A_151 = tpu.memref_slice %arg4[%dma_wait3A_150] : memref<332160xi32, #tpu.memory_space<hbm>> -> memref<128xi32, #tpu.memory_space<hbm>>
      tpu.wait_dma2 semaphore(%arg22 : memref<!tpu.dma_semaphore, #tpu.memory_space<semaphore_mem>>) src(%dma_wait3A_151 : memref<128xi32, #tpu.memory_space<hbm>>) dst(%arg12 : memref<128xi32, #tpu.memory_space<vmem>>)
      %dma_start3A_152 = arith.constant 0 : i32
      %dma_start3A_153 = arith.constant 0 : i32
      %dma_start3A_154 = tpu.memref_slice %arg16[%dma_start3A_152, %dma_start3A_153] : memref<10000x128xf32, #tpu.memory_space<vmem_shared>> -> memref<10000x128xf32, #tpu.memory_space<vmem_shared>>
      tpu.enqueue_indirect_dma source(%arg15 : memref<128x128xf32, #tpu.memory_space<vmem>>) target(%dma_start3A_154 : memref<10000x128xf32, #tpu.memory_space<vmem_shared>>) offsets(%arg12 : memref<128xi32, #tpu.memory_space<vmem>>) semaphore(%arg28 : memref<!tpu.dma_semaphore, #tpu.memory_space<semaphore_mem>>) {add = true}
      %add3A_155 = arith.constant 3 : i32
      %add3A_156 = arith.addi %add3A_106, %add3A_155 : i32
      %add3A_157 = arith.constant 2 : i32
      %add3A_158 = arith.addi %add3A_156, %add3A_157 : i32
      %mul3A_159 = arith.constant 128 : i32
      %mul3A_160 = arith.muli %add3A_158, %mul3A_159 : i32
      %multiple_of3A_161 = tpu.assume_multiple %mul3A_160, 8 : i32
      %dma_start3A_162 = tpu.memref_slice %arg3[%multiple_of3A_161] : memref<332160xi32, #tpu.memory_space<hbm>> -> memref<128xi32, #tpu.memory_space<hbm>>
      %dma_start3A_163 = tpu.memref_slice %arg3[%multiple_of3A_161] : memref<332160xi32, #tpu.memory_space<hbm>> -> memref<128xi32, #tpu.memory_space<hbm>>
      tpu.enqueue_dma source(%dma_start3A_163 : memref<128xi32, #tpu.memory_space<hbm>>) target(%arg9 : memref<128xi32, #tpu.memory_space<vmem>>) target_semaphore(%arg19 : memref<!tpu.dma_semaphore, #tpu.memory_space<semaphore_mem>>)
      %dma_wait3A_164 = arith.constant 0 : i32
      %dma_wait3A_165 = arith.constant 0 : i32
      %dma_wait3A_166 = tpu.memref_slice %arg16[%dma_wait3A_164, %dma_wait3A_165] : memref<10000x128xf32, #tpu.memory_space<vmem_shared>> -> memref<10000x128xf32, #tpu.memory_space<vmem_shared>>
      tpu.wait_indirect_dma semaphore(%arg26 : memref<!tpu.dma_semaphore, #tpu.memory_space<semaphore_mem>>) src(%arg13 : memref<128x128xf32, #tpu.memory_space<vmem>>) dst(%dma_wait3A_166 : memref<10000x128xf32, #tpu.memory_space<vmem_shared>>)
      %add3A_167 = arith.constant 3 : i32
      %add3A_168 = arith.addi %add3A_106, %add3A_167 : i32
      %add3A_169 = arith.constant 0 : i32
      %add3A_170 = arith.addi %add3A_168, %add3A_169 : i32
      %mul3A_171 = arith.constant 128 : i32
      %mul3A_172 = arith.muli %add3A_170, %mul3A_171 : i32
      %multiple_of3A_173 = tpu.assume_multiple %mul3A_172, 8 : i32
      %dma_start3A_174 = tpu.memref_slice %arg4[%multiple_of3A_173] : memref<332160xi32, #tpu.memory_space<hbm>> -> memref<128xi32, #tpu.memory_space<hbm>>
      %dma_start3A_175 = tpu.memref_slice %arg4[%multiple_of3A_173] : memref<332160xi32, #tpu.memory_space<hbm>> -> memref<128xi32, #tpu.memory_space<hbm>>
      tpu.enqueue_dma source(%dma_start3A_175 : memref<128xi32, #tpu.memory_space<hbm>>) target(%arg10 : memref<128xi32, #tpu.memory_space<vmem>>) target_semaphore(%arg20 : memref<!tpu.dma_semaphore, #tpu.memory_space<semaphore_mem>>)
      %dma_wait3A_176 = arith.constant 0 : i32
      %dma_wait3A_177 = tpu.memref_slice %arg3[%dma_wait3A_176] : memref<332160xi32, #tpu.memory_space<hbm>> -> memref<128xi32, #tpu.memory_space<hbm>>
      %dma_wait3A_178 = arith.constant 0 : i32
      %dma_wait3A_179 = tpu.memref_slice %arg3[%dma_wait3A_178] : memref<332160xi32, #tpu.memory_space<hbm>> -> memref<128xi32, #tpu.memory_space<hbm>>
      tpu.wait_dma2 semaphore(%arg17 : memref<!tpu.dma_semaphore, #tpu.memory_space<semaphore_mem>>) src(%dma_wait3A_179 : memref<128xi32, #tpu.memory_space<hbm>>) dst(%arg7 : memref<128xi32, #tpu.memory_space<vmem>>)
      %dma_start3A_180 = arith.constant 0 : i32
      %dma_start3A_181 = arith.constant 0 : i32
      %dma_start3A_182 = tpu.memref_slice %arg2[%dma_start3A_180, %dma_start3A_181] : memref<10008x128xf32, #tpu.memory_space<hbm>> -> memref<10008x128xf32, #tpu.memory_space<hbm>>
      tpu.enqueue_indirect_dma source(%dma_start3A_182 : memref<10008x128xf32, #tpu.memory_space<hbm>>) target(%arg13 : memref<128x128xf32, #tpu.memory_space<vmem>>) offsets(%arg7 : memref<128xi32, #tpu.memory_space<vmem>>) semaphore(%arg23 : memref<!tpu.dma_semaphore, #tpu.memory_space<semaphore_mem>>)
      %dma_wait3A_183 = arith.constant 0 : i32
      %dma_wait3A_184 = arith.constant 0 : i32
      %dma_wait3A_185 = tpu.memref_slice %arg16[%dma_wait3A_183, %dma_wait3A_184] : memref<10000x128xf32, #tpu.memory_space<vmem_shared>> -> memref<10000x128xf32, #tpu.memory_space<vmem_shared>>
      tpu.wait_indirect_dma semaphore(%arg27 : memref<!tpu.dma_semaphore, #tpu.memory_space<semaphore_mem>>) src(%arg14 : memref<128x128xf32, #tpu.memory_space<vmem>>) dst(%dma_wait3A_185 : memref<10000x128xf32, #tpu.memory_space<vmem_shared>>)
      %add3A_186 = arith.constant 3 : i32
      %add3A_187 = arith.addi %add3A_106, %add3A_186 : i32
      %add3A_188 = arith.constant 1 : i32
      %add3A_189 = arith.addi %add3A_187, %add3A_188 : i32
      %mul3A_190 = arith.constant 128 : i32
      %mul3A_191 = arith.muli %add3A_189, %mul3A_190 : i32
      %multiple_of3A_192 = tpu.assume_multiple %mul3A_191, 8 : i32
      %dma_start3A_193 = tpu.memref_slice %arg4[%multiple_of3A_192] : memref<332160xi32, #tpu.memory_space<hbm>> -> memref<128xi32, #tpu.memory_space<hbm>>
      %dma_start3A_194 = tpu.memref_slice %arg4[%multiple_of3A_192] : memref<332160xi32, #tpu.memory_space<hbm>> -> memref<128xi32, #tpu.memory_space<hbm>>
      tpu.enqueue_dma source(%dma_start3A_194 : memref<128xi32, #tpu.memory_space<hbm>>) target(%arg11 : memref<128xi32, #tpu.memory_space<vmem>>) target_semaphore(%arg21 : memref<!tpu.dma_semaphore, #tpu.memory_space<semaphore_mem>>)
      %dma_wait3A_195 = arith.constant 0 : i32
      %dma_wait3A_196 = tpu.memref_slice %arg3[%dma_wait3A_195] : memref<332160xi32, #tpu.memory_space<hbm>> -> memref<128xi32, #tpu.memory_space<hbm>>
      %dma_wait3A_197 = arith.constant 0 : i32
      %dma_wait3A_198 = tpu.memref_slice %arg3[%dma_wait3A_197] : memref<332160xi32, #tpu.memory_space<hbm>> -> memref<128xi32, #tpu.memory_space<hbm>>
      tpu.wait_dma2 semaphore(%arg18 : memref<!tpu.dma_semaphore, #tpu.memory_space<semaphore_mem>>) src(%dma_wait3A_198 : memref<128xi32, #tpu.memory_space<hbm>>) dst(%arg8 : memref<128xi32, #tpu.memory_space<vmem>>)
      %dma_start3A_199 = arith.constant 0 : i32
      %dma_start3A_200 = arith.constant 0 : i32
      %dma_start3A_201 = tpu.memref_slice %arg2[%dma_start3A_199, %dma_start3A_200] : memref<10008x128xf32, #tpu.memory_space<hbm>> -> memref<10008x128xf32, #tpu.memory_space<hbm>>
      tpu.enqueue_indirect_dma source(%dma_start3A_201 : memref<10008x128xf32, #tpu.memory_space<hbm>>) target(%arg14 : memref<128x128xf32, #tpu.memory_space<vmem>>) offsets(%arg8 : memref<128xi32, #tpu.memory_space<vmem>>) semaphore(%arg24 : memref<!tpu.dma_semaphore, #tpu.memory_space<semaphore_mem>>)
      %dma_wait3A_202 = arith.constant 0 : i32
      %dma_wait3A_203 = arith.constant 0 : i32
      %dma_wait3A_204 = tpu.memref_slice %arg16[%dma_wait3A_202, %dma_wait3A_203] : memref<10000x128xf32, #tpu.memory_space<vmem_shared>> -> memref<10000x128xf32, #tpu.memory_space<vmem_shared>>
      tpu.wait_indirect_dma semaphore(%arg28 : memref<!tpu.dma_semaphore, #tpu.memory_space<semaphore_mem>>) src(%arg15 : memref<128x128xf32, #tpu.memory_space<vmem>>) dst(%dma_wait3A_204 : memref<10000x128xf32, #tpu.memory_space<vmem_shared>>)
      %add3A_205 = arith.constant 3 : i32
      %add3A_206 = arith.addi %add3A_106, %add3A_205 : i32
      %add3A_207 = arith.constant 2 : i32
      %add3A_208 = arith.addi %add3A_206, %add3A_207 : i32
      %mul3A_209 = arith.constant 128 : i32
      %mul3A_210 = arith.muli %add3A_208, %mul3A_209 : i32
      %multiple_of3A_211 = tpu.assume_multiple %mul3A_210, 8 : i32
      %dma_start3A_212 = tpu.memref_slice %arg4[%multiple_of3A_211] : memref<332160xi32, #tpu.memory_space<hbm>> -> memref<128xi32, #tpu.memory_space<hbm>>
      %dma_start3A_213 = tpu.memref_slice %arg4[%multiple_of3A_211] : memref<332160xi32, #tpu.memory_space<hbm>> -> memref<128xi32, #tpu.memory_space<hbm>>
      tpu.enqueue_dma source(%dma_start3A_213 : memref<128xi32, #tpu.memory_space<hbm>>) target(%arg12 : memref<128xi32, #tpu.memory_space<vmem>>) target_semaphore(%arg22 : memref<!tpu.dma_semaphore, #tpu.memory_space<semaphore_mem>>)
      %dma_wait3A_214 = arith.constant 0 : i32
      %dma_wait3A_215 = tpu.memref_slice %arg3[%dma_wait3A_214] : memref<332160xi32, #tpu.memory_space<hbm>> -> memref<128xi32, #tpu.memory_space<hbm>>
      %dma_wait3A_216 = arith.constant 0 : i32
      %dma_wait3A_217 = tpu.memref_slice %arg3[%dma_wait3A_216] : memref<332160xi32, #tpu.memory_space<hbm>> -> memref<128xi32, #tpu.memory_space<hbm>>
      tpu.wait_dma2 semaphore(%arg19 : memref<!tpu.dma_semaphore, #tpu.memory_space<semaphore_mem>>) src(%dma_wait3A_217 : memref<128xi32, #tpu.memory_space<hbm>>) dst(%arg9 : memref<128xi32, #tpu.memory_space<vmem>>)
      %dma_start3A_218 = arith.constant 0 : i32
      %dma_start3A_219 = arith.constant 0 : i32
      %dma_start3A_220 = tpu.memref_slice %arg2[%dma_start3A_218, %dma_start3A_219] : memref<10008x128xf32, #tpu.memory_space<hbm>> -> memref<10008x128xf32, #tpu.memory_space<hbm>>
      tpu.enqueue_indirect_dma source(%dma_start3A_220 : memref<10008x128xf32, #tpu.memory_space<hbm>>) target(%arg15 : memref<128x128xf32, #tpu.memory_space<vmem>>) offsets(%arg9 : memref<128xi32, #tpu.memory_space<vmem>>) semaphore(%arg25 : memref<!tpu.dma_semaphore, #tpu.memory_space<semaphore_mem>>)
    }
    %scan3A_75 = arith.constant 27 : i32
    %dma_wait3A_76 = arith.constant 0 : i32
    %dma_wait3A_77 = arith.constant 0 : i32
    %dma_wait3A_78 = tpu.memref_slice %arg2[%dma_wait3A_76, %dma_wait3A_77] : memref<10008x128xf32, #tpu.memory_space<hbm>> -> memref<10008x128xf32, #tpu.memory_space<hbm>>
    tpu.wait_indirect_dma semaphore(%arg23 : memref<!tpu.dma_semaphore, #tpu.memory_space<semaphore_mem>>) src(%dma_wait3A_78 : memref<10008x128xf32, #tpu.memory_space<hbm>>) dst(%arg13 : memref<128x128xf32, #tpu.memory_space<vmem>>)
    %dma_wait3A_79 = arith.constant 0 : i32
    %dma_wait3A_80 = tpu.memref_slice %arg4[%dma_wait3A_79] : memref<332160xi32, #tpu.memory_space<hbm>> -> memref<128xi32, #tpu.memory_space<hbm>>
    %dma_wait3A_81 = arith.constant 0 : i32
    %dma_wait3A_82 = tpu.memref_slice %arg4[%dma_wait3A_81] : memref<332160xi32, #tpu.memory_space<hbm>> -> memref<128xi32, #tpu.memory_space<hbm>>
    tpu.wait_dma2 semaphore(%arg20 : memref<!tpu.dma_semaphore, #tpu.memory_space<semaphore_mem>>) src(%dma_wait3A_82 : memref<128xi32, #tpu.memory_space<hbm>>) dst(%arg10 : memref<128xi32, #tpu.memory_space<vmem>>)
    %dma_wait3A_83 = arith.constant 0 : i32
    %dma_wait3A_84 = arith.constant 0 : i32
    %dma_wait3A_85 = tpu.memref_slice %arg2[%dma_wait3A_83, %dma_wait3A_84] : memref<10008x128xf32, #tpu.memory_space<hbm>> -> memref<10008x128xf32, #tpu.memory_space<hbm>>
    tpu.wait_indirect_dma semaphore(%arg24 : memref<!tpu.dma_semaphore, #tpu.memory_space<semaphore_mem>>) src(%dma_wait3A_85 : memref<10008x128xf32, #tpu.memory_space<hbm>>) dst(%arg14 : memref<128x128xf32, #tpu.memory_space<vmem>>)
    %dma_wait3A_86 = arith.constant 0 : i32
    %dma_wait3A_87 = tpu.memref_slice %arg4[%dma_wait3A_86] : memref<332160xi32, #tpu.memory_space<hbm>> -> memref<128xi32, #tpu.memory_space<hbm>>
    %dma_wait3A_88 = arith.constant 0 : i32
    %dma_wait3A_89 = tpu.memref_slice %arg4[%dma_wait3A_88] : memref<332160xi32, #tpu.memory_space<hbm>> -> memref<128xi32, #tpu.memory_space<hbm>>
    tpu.wait_dma2 semaphore(%arg21 : memref<!tpu.dma_semaphore, #tpu.memory_space<semaphore_mem>>) src(%dma_wait3A_89 : memref<128xi32, #tpu.memory_space<hbm>>) dst(%arg11 : memref<128xi32, #tpu.memory_space<vmem>>)
    %dma_wait3A_90 = arith.constant 0 : i32
    %dma_wait3A_91 = arith.constant 0 : i32
    %dma_wait3A_92 = tpu.memref_slice %arg2[%dma_wait3A_90, %dma_wait3A_91] : memref<10008x128xf32, #tpu.memory_space<hbm>> -> memref<10008x128xf32, #tpu.memory_space<hbm>>
    tpu.wait_indirect_dma semaphore(%arg25 : memref<!tpu.dma_semaphore, #tpu.memory_space<semaphore_mem>>) src(%dma_wait3A_92 : memref<10008x128xf32, #tpu.memory_space<hbm>>) dst(%arg15 : memref<128x128xf32, #tpu.memory_space<vmem>>)
    %dma_wait3A_93 = arith.constant 0 : i32
    %dma_wait3A_94 = tpu.memref_slice %arg4[%dma_wait3A_93] : memref<332160xi32, #tpu.memory_space<hbm>> -> memref<128xi32, #tpu.memory_space<hbm>>
    %dma_wait3A_95 = arith.constant 0 : i32
    %dma_wait3A_96 = tpu.memref_slice %arg4[%dma_wait3A_95] : memref<332160xi32, #tpu.memory_space<hbm>> -> memref<128xi32, #tpu.memory_space<hbm>>
    tpu.wait_dma2 semaphore(%arg22 : memref<!tpu.dma_semaphore, #tpu.memory_space<semaphore_mem>>) src(%dma_wait3A_96 : memref<128xi32, #tpu.memory_space<hbm>>) dst(%arg12 : memref<128xi32, #tpu.memory_space<vmem>>)
    %barrier3A_97 = arith.constant 0 : index
    tpu.barrier barrier_id(%barrier3A_97)
    "tpu.region"() ({
      %run_scoped3A = tpu.sem_alloc : memref<!tpu.dma_semaphore, #tpu.memory_space<semaphore_mem>>
      %dma_start3A_103 = arith.constant 0 : i32
      %dma_start3A_104 = tpu.memref_slice %arg6[%arg0, %mul3A_2, %dma_start3A_103] : memref<2x10000x128xf32, #tpu.memory_space<hbm>> -> memref<1x624x128xf32, #tpu.memory_space<hbm>>
      %dma_start3A_105 = tpu.memref_squeeze %dma_start3A_104 : memref<1x624x128xf32, #tpu.memory_space<hbm>> -> memref<624x128xf32, #tpu.memory_space<hbm>>
      %dma_start3A_106 = arith.constant 0 : i32
      %dma_start3A_107 = tpu.memref_slice %arg16[%mul3A_2, %dma_start3A_106] : memref<10000x128xf32, #tpu.memory_space<vmem_shared>> -> memref<624x128xf32, #tpu.memory_space<vmem_shared>>
      tpu.enqueue_dma source(%dma_start3A_107 : memref<624x128xf32, #tpu.memory_space<vmem_shared>>) target(%dma_start3A_105 : memref<624x128xf32, #tpu.memory_space<hbm>>) target_semaphore(%run_scoped3A : memref<!tpu.dma_semaphore, #tpu.memory_space<semaphore_mem>>)
      %dma_wait3A_108 = arith.constant 0 : i32
      %dma_wait3A_109 = tpu.memref_slice %arg6[%arg0, %mul3A_2, %dma_wait3A_108] : memref<2x10000x128xf32, #tpu.memory_space<hbm>> -> memref<1x624x128xf32, #tpu.memory_space<hbm>>
      %dma_wait3A_110 = tpu.memref_squeeze %dma_wait3A_109 : memref<1x624x128xf32, #tpu.memory_space<hbm>> -> memref<624x128xf32, #tpu.memory_space<hbm>>
      %dma_wait3A_111 = arith.constant 0 : i32
      %dma_wait3A_112 = tpu.memref_slice %arg16[%mul3A_2, %dma_wait3A_111] : memref<10000x128xf32, #tpu.memory_space<vmem_shared>> -> memref<624x128xf32, #tpu.memory_space<vmem_shared>>
      tpu.wait_dma2 semaphore(%run_scoped3A : memref<!tpu.dma_semaphore, #tpu.memory_space<semaphore_mem>>) src(%dma_wait3A_112 : memref<624x128xf32, #tpu.memory_space<vmem_shared>>) dst(%dma_wait3A_110 : memref<624x128xf32, #tpu.memory_space<hbm>>)
      tpu.yield
    }) : () -> ()
    %eq3A_98 = arith.constant 15 : i32
    %eq3A_99 = arith.cmpi eq, %arg1, %eq3A_98 : i32
    %convert_element_type3A_100 = arith.extui %eq3A_99 : i1 to i32
    %cond3A_101 = arith.constant 0 : i32
    %cond3A_102 = arith.cmpi ne, %convert_element_type3A_100, %cond3A_101 : i32
    scf.if %cond3A_102 {
      "tpu.region"() ({
        %run_scoped3A = tpu.sem_alloc : memref<!tpu.dma_semaphore, #tpu.memory_space<semaphore_mem>>
        %dma_start3A_103 = arith.constant 9984 : i32
        %dma_start3A_104 = arith.constant 0 : i32
        %dma_start3A_105 = tpu.memref_slice %arg6[%arg0, %dma_start3A_103, %dma_start3A_104] : memref<2x10000x128xf32, #tpu.memory_space<hbm>> -> memref<1x16x128xf32, #tpu.memory_space<hbm>>
        %dma_start3A_106 = tpu.memref_squeeze %dma_start3A_105 : memref<1x16x128xf32, #tpu.memory_space<hbm>> -> memref<16x128xf32, #tpu.memory_space<hbm>>
        %dma_start3A_107 = arith.constant 9984 : i32
        %dma_start3A_108 = arith.constant 0 : i32
        %dma_start3A_109 = tpu.memref_slice %arg16[%dma_start3A_107, %dma_start3A_108] : memref<10000x128xf32, #tpu.memory_space<vmem_shared>> -> memref<16x128xf32, #tpu.memory_space<vmem_shared>>
        tpu.enqueue_dma source(%dma_start3A_109 : memref<16x128xf32, #tpu.memory_space<vmem_shared>>) target(%dma_start3A_106 : memref<16x128xf32, #tpu.memory_space<hbm>>) target_semaphore(%run_scoped3A : memref<!tpu.dma_semaphore, #tpu.memory_space<semaphore_mem>>)
        %dma_wait3A_110 = arith.constant 9984 : i32
        %dma_wait3A_111 = arith.constant 0 : i32
        %dma_wait3A_112 = tpu.memref_slice %arg6[%arg0, %dma_wait3A_110, %dma_wait3A_111] : memref<2x10000x128xf32, #tpu.memory_space<hbm>> -> memref<1x16x128xf32, #tpu.memory_space<hbm>>
        %dma_wait3A_113 = tpu.memref_squeeze %dma_wait3A_112 : memref<1x16x128xf32, #tpu.memory_space<hbm>> -> memref<16x128xf32, #tpu.memory_space<hbm>>
        %dma_wait3A_114 = arith.constant 9984 : i32
        %dma_wait3A_115 = arith.constant 0 : i32
        %dma_wait3A_116 = tpu.memref_slice %arg16[%dma_wait3A_114, %dma_wait3A_115] : memref<10000x128xf32, #tpu.memory_space<vmem_shared>> -> memref<16x128xf32, #tpu.memory_space<vmem_shared>>
        tpu.wait_dma2 semaphore(%run_scoped3A : memref<!tpu.dma_semaphore, #tpu.memory_space<semaphore_mem>>) src(%dma_wait3A_116 : memref<16x128xf32, #tpu.memory_space<vmem_shared>>) dst(%dma_wait3A_113 : memref<16x128xf32, #tpu.memory_space<hbm>>)
        tpu.yield
      }) : () -> ()
    } else {
    }
    return
  }
}

#map = affine_map<(d0, d1) -> (0, 0)>
#map1 = affine_map<(d0, d1) -> (0)>
#map2 = affine_map<(d0, d1) -> (0, 0, 0)>
module attributes {stable_mosaic.version = 14 : i64} {
  func.func @agg_kernel(%arg0: i32, %arg1: i32, %arg2: memref<10008x128xf32, #tpu.memory_space<hbm>>, %arg3: memref<332160xi32, #tpu.memory_space<hbm>>, %arg4: memref<332160xi32, #tpu.memory_space<hbm>>, %arg5: memref<10000x128xf32, #tpu.memory_space<hbm>>, %arg6: memref<2x10000x128xf32, #tpu.memory_space<hbm>>, %arg7: memref<128xi32, #tpu.memory_space<vmem>>, %arg8: memref<128xi32, #tpu.memory_space<vmem>>, %arg9: memref<128xi32, #tpu.memory_space<vmem>>, %arg10: memref<128xi32, #tpu.memory_space<vmem>>, %arg11: memref<128xi32, #tpu.memory_space<vmem>>, %arg12: memref<128xi32, #tpu.memory_space<vmem>>, %arg13: memref<128x128xf32, #tpu.memory_space<vmem>>, %arg14: memref<128x128xf32, #tpu.memory_space<vmem>>, %arg15: memref<128x128xf32, #tpu.memory_space<vmem>>, %arg16: memref<10000x128xf32, #tpu.memory_space<vmem_shared>>, %arg17: memref<!tpu.dma_semaphore, #tpu.memory_space<semaphore_mem>>, %arg18: memref<!tpu.dma_semaphore, #tpu.memory_space<semaphore_mem>>, %arg19: memref<!tpu.dma_semaphore, #tpu.memory_space<semaphore_mem>>, %arg20: memref<!tpu.dma_semaphore, #tpu.memory_space<semaphore_mem>>, %arg21: memref<!tpu.dma_semaphore, #tpu.memory_space<semaphore_mem>>, %arg22: memref<!tpu.dma_semaphore, #tpu.memory_space<semaphore_mem>>, %arg23: memref<!tpu.dma_semaphore, #tpu.memory_space<semaphore_mem>>, %arg24: memref<!tpu.dma_semaphore, #tpu.memory_space<semaphore_mem>>, %arg25: memref<!tpu.dma_semaphore, #tpu.memory_space<semaphore_mem>>, %arg26: memref<!tpu.dma_semaphore, #tpu.memory_space<semaphore_mem>>, %arg27: memref<!tpu.dma_semaphore, #tpu.memory_space<semaphore_mem>>, %arg28: memref<!tpu.dma_semaphore, #tpu.memory_space<semaphore_mem>>) attributes {dimension_semantics = [#tpu.dimension_semantics<core_parallel>, #tpu.dimension_semantics<subcore_parallel>], iteration_bounds = array<i64: 2, 16>, scalar_prefetch = 0 : i64, scratch_operands = 22 : i64, tpu.core_type = #tpu.core_type<sc_vector_subcore>, window_params = [{transform_indices = #map}, {transform_indices = #map1}, {transform_indices = #map1}, {transform_indices = #map}, {transform_indices = #map2}]} {
    %mul3A = arith.constant 16 : i32
    %mul3A_0 = arith.muli %arg0, %mul3A : i32
    %add3A = arith.addi %mul3A_0, %arg1 : i32
    %mul3A_1 = arith.constant 624 : i32
    %mul3A_2 = arith.muli %arg1, %mul3A_1 : i32
    %eq3A = arith.constant 0 : i32
    %eq3A_3 = arith.cmpi eq, %arg0, %eq3A : i32
    %convert_element_type3A = arith.extui %eq3A_3 : i1 to i32
    %cond3A = arith.constant 0 : i32
    %cond3A_4 = arith.cmpi ne, %convert_element_type3A, %cond3A : i32
    scf.if %cond3A_4 {
      "tpu.region"() ({
        %run_scoped3A = tpu.sem_alloc : memref<!tpu.dma_semaphore, #tpu.memory_space<semaphore_mem>>
        %dma_start3A_108 = arith.constant 0 : i32
        %dma_start3A_109 = tpu.memref_slice %arg16[%mul3A_2, %dma_start3A_108] : memref<10000x128xf32, #tpu.memory_space<vmem_shared>> -> memref<624x128xf32, #tpu.memory_space<vmem_shared>>
        %dma_start3A_110 = arith.constant 0 : i32
        %dma_start3A_111 = tpu.memref_slice %arg2[%mul3A_2, %dma_start3A_110] : memref<10008x128xf32, #tpu.memory_space<hbm>> -> memref<624x128xf32, #tpu.memory_space<hbm>>
        tpu.enqueue_dma source(%dma_start3A_111 : memref<624x128xf32, #tpu.memory_space<hbm>>) target(%dma_start3A_109 : memref<624x128xf32, #tpu.memory_space<vmem_shared>>) target_semaphore(%run_scoped3A : memref<!tpu.dma_semaphore, #tpu.memory_space<semaphore_mem>>)
        %dma_wait3A_112 = arith.constant 0 : i32
        %dma_wait3A_113 = tpu.memref_slice %arg16[%mul3A_2, %dma_wait3A_112] : memref<10000x128xf32, #tpu.memory_space<vmem_shared>> -> memref<624x128xf32, #tpu.memory_space<vmem_shared>>
        %dma_wait3A_114 = arith.constant 0 : i32
        %dma_wait3A_115 = tpu.memref_slice %arg2[%mul3A_2, %dma_wait3A_114] : memref<10008x128xf32, #tpu.memory_space<hbm>> -> memref<624x128xf32, #tpu.memory_space<hbm>>
        tpu.wait_dma2 semaphore(%run_scoped3A : memref<!tpu.dma_semaphore, #tpu.memory_space<semaphore_mem>>) src(%dma_wait3A_115 : memref<624x128xf32, #tpu.memory_space<hbm>>) dst(%dma_wait3A_113 : memref<624x128xf32, #tpu.memory_space<vmem_shared>>)
        tpu.yield
      }) : () -> ()
      %eq3A_103 = arith.constant 15 : i32
      %eq3A_104 = arith.cmpi eq, %arg1, %eq3A_103 : i32
      %convert_element_type3A_105 = arith.extui %eq3A_104 : i1 to i32
      %cond3A_106 = arith.constant 0 : i32
      %cond3A_107 = arith.cmpi ne, %convert_element_type3A_105, %cond3A_106 : i32
      scf.if %cond3A_107 {
        "tpu.region"() ({
          %run_scoped3A = tpu.sem_alloc : memref<!tpu.dma_semaphore, #tpu.memory_space<semaphore_mem>>
          %dma_start3A_108 = arith.constant 9984 : i32
          %dma_start3A_109 = arith.constant 0 : i32
          %dma_start3A_110 = tpu.memref_slice %arg16[%dma_start3A_108, %dma_start3A_109] : memref<10000x128xf32, #tpu.memory_space<vmem_shared>> -> memref<16x128xf32, #tpu.memory_space<vmem_shared>>
          %dma_start3A_111 = arith.constant 9984 : i32
          %dma_start3A_112 = arith.constant 0 : i32
          %dma_start3A_113 = tpu.memref_slice %arg2[%dma_start3A_111, %dma_start3A_112] : memref<10008x128xf32, #tpu.memory_space<hbm>> -> memref<16x128xf32, #tpu.memory_space<hbm>>
          tpu.enqueue_dma source(%dma_start3A_113 : memref<16x128xf32, #tpu.memory_space<hbm>>) target(%dma_start3A_110 : memref<16x128xf32, #tpu.memory_space<vmem_shared>>) target_semaphore(%run_scoped3A : memref<!tpu.dma_semaphore, #tpu.memory_space<semaphore_mem>>)
          %dma_wait3A_114 = arith.constant 9984 : i32
          %dma_wait3A_115 = arith.constant 0 : i32
          %dma_wait3A_116 = tpu.memref_slice %arg16[%dma_wait3A_114, %dma_wait3A_115] : memref<10000x128xf32, #tpu.memory_space<vmem_shared>> -> memref<16x128xf32, #tpu.memory_space<vmem_shared>>
          %dma_wait3A_117 = arith.constant 9984 : i32
          %dma_wait3A_118 = arith.constant 0 : i32
          %dma_wait3A_119 = tpu.memref_slice %arg2[%dma_wait3A_117, %dma_wait3A_118] : memref<10008x128xf32, #tpu.memory_space<hbm>> -> memref<16x128xf32, #tpu.memory_space<hbm>>
          tpu.wait_dma2 semaphore(%run_scoped3A : memref<!tpu.dma_semaphore, #tpu.memory_space<semaphore_mem>>) src(%dma_wait3A_119 : memref<16x128xf32, #tpu.memory_space<hbm>>) dst(%dma_wait3A_116 : memref<16x128xf32, #tpu.memory_space<vmem_shared>>)
          tpu.yield
        }) : () -> ()
      } else {
      }
    } else {
    }
    %ne3A = arith.constant 0 : i32
    %ne3A_5 = arith.cmpi ne, %arg0, %ne3A : i32
    %convert_element_type3A_6 = arith.extui %ne3A_5 : i1 to i32
    %cond3A_7 = arith.constant 0 : i32
    %cond3A_8 = arith.cmpi ne, %convert_element_type3A_6, %cond3A_7 : i32
    scf.if %cond3A_8 {
      "tpu.region"() ({
        %run_scoped3A = tpu.sem_alloc : memref<!tpu.dma_semaphore, #tpu.memory_space<semaphore_mem>>
        %dma_start3A_108 = arith.constant 0 : i32
        %dma_start3A_109 = tpu.memref_slice %arg16[%mul3A_2, %dma_start3A_108] : memref<10000x128xf32, #tpu.memory_space<vmem_shared>> -> memref<624x128xf32, #tpu.memory_space<vmem_shared>>
        %dma_start3A_110 = arith.constant 0 : i32
        %dma_start3A_111 = tpu.memref_slice %arg5[%mul3A_2, %dma_start3A_110] : memref<10000x128xf32, #tpu.memory_space<hbm>> -> memref<624x128xf32, #tpu.memory_space<hbm>>
        tpu.enqueue_dma source(%dma_start3A_111 : memref<624x128xf32, #tpu.memory_space<hbm>>) target(%dma_start3A_109 : memref<624x128xf32, #tpu.memory_space<vmem_shared>>) target_semaphore(%run_scoped3A : memref<!tpu.dma_semaphore, #tpu.memory_space<semaphore_mem>>)
        %dma_wait3A_112 = arith.constant 0 : i32
        %dma_wait3A_113 = tpu.memref_slice %arg16[%mul3A_2, %dma_wait3A_112] : memref<10000x128xf32, #tpu.memory_space<vmem_shared>> -> memref<624x128xf32, #tpu.memory_space<vmem_shared>>
        %dma_wait3A_114 = arith.constant 0 : i32
        %dma_wait3A_115 = tpu.memref_slice %arg5[%mul3A_2, %dma_wait3A_114] : memref<10000x128xf32, #tpu.memory_space<hbm>> -> memref<624x128xf32, #tpu.memory_space<hbm>>
        tpu.wait_dma2 semaphore(%run_scoped3A : memref<!tpu.dma_semaphore, #tpu.memory_space<semaphore_mem>>) src(%dma_wait3A_115 : memref<624x128xf32, #tpu.memory_space<hbm>>) dst(%dma_wait3A_113 : memref<624x128xf32, #tpu.memory_space<vmem_shared>>)
        tpu.yield
      }) : () -> ()
      %eq3A_103 = arith.constant 15 : i32
      %eq3A_104 = arith.cmpi eq, %arg1, %eq3A_103 : i32
      %convert_element_type3A_105 = arith.extui %eq3A_104 : i1 to i32
      %cond3A_106 = arith.constant 0 : i32
      %cond3A_107 = arith.cmpi ne, %convert_element_type3A_105, %cond3A_106 : i32
      scf.if %cond3A_107 {
        "tpu.region"() ({
          %run_scoped3A = tpu.sem_alloc : memref<!tpu.dma_semaphore, #tpu.memory_space<semaphore_mem>>
          %dma_start3A_108 = arith.constant 9984 : i32
          %dma_start3A_109 = arith.constant 0 : i32
          %dma_start3A_110 = tpu.memref_slice %arg16[%dma_start3A_108, %dma_start3A_109] : memref<10000x128xf32, #tpu.memory_space<vmem_shared>> -> memref<16x128xf32, #tpu.memory_space<vmem_shared>>
          %dma_start3A_111 = arith.constant 9984 : i32
          %dma_start3A_112 = arith.constant 0 : i32
          %dma_start3A_113 = tpu.memref_slice %arg5[%dma_start3A_111, %dma_start3A_112] : memref<10000x128xf32, #tpu.memory_space<hbm>> -> memref<16x128xf32, #tpu.memory_space<hbm>>
          tpu.enqueue_dma source(%dma_start3A_113 : memref<16x128xf32, #tpu.memory_space<hbm>>) target(%dma_start3A_110 : memref<16x128xf32, #tpu.memory_space<vmem_shared>>) target_semaphore(%run_scoped3A : memref<!tpu.dma_semaphore, #tpu.memory_space<semaphore_mem>>)
          %dma_wait3A_114 = arith.constant 9984 : i32
          %dma_wait3A_115 = arith.constant 0 : i32
          %dma_wait3A_116 = tpu.memref_slice %arg16[%dma_wait3A_114, %dma_wait3A_115] : memref<10000x128xf32, #tpu.memory_space<vmem_shared>> -> memref<16x128xf32, #tpu.memory_space<vmem_shared>>
          %dma_wait3A_117 = arith.constant 9984 : i32
          %dma_wait3A_118 = arith.constant 0 : i32
          %dma_wait3A_119 = tpu.memref_slice %arg5[%dma_wait3A_117, %dma_wait3A_118] : memref<10000x128xf32, #tpu.memory_space<hbm>> -> memref<16x128xf32, #tpu.memory_space<hbm>>
          tpu.wait_dma2 semaphore(%run_scoped3A : memref<!tpu.dma_semaphore, #tpu.memory_space<semaphore_mem>>) src(%dma_wait3A_119 : memref<16x128xf32, #tpu.memory_space<hbm>>) dst(%dma_wait3A_116 : memref<16x128xf32, #tpu.memory_space<vmem_shared>>)
          tpu.yield
        }) : () -> ()
      } else {
      }
    } else {
    }
    %barrier3A = arith.constant 0 : index
    tpu.barrier barrier_id(%barrier3A)
    %mul3A_9 = arith.constant 81 : i32
    %mul3A_10 = arith.muli %add3A, %mul3A_9 : i32
    %add3A_11 = arith.constant 0 : i32
    %add3A_12 = arith.addi %mul3A_10, %add3A_11 : i32
    %mul3A_13 = arith.constant 128 : i32
    %mul3A_14 = arith.muli %add3A_12, %mul3A_13 : i32
    %multiple_of3A = tpu.assume_multiple %mul3A_14, 8 : i32
    %dma_start3A = tpu.memref_slice %arg3[%multiple_of3A] : memref<332160xi32, #tpu.memory_space<hbm>> -> memref<128xi32, #tpu.memory_space<hbm>>
    %dma_start3A_15 = tpu.memref_slice %arg3[%multiple_of3A] : memref<332160xi32, #tpu.memory_space<hbm>> -> memref<128xi32, #tpu.memory_space<hbm>>
    tpu.enqueue_dma source(%dma_start3A_15 : memref<128xi32, #tpu.memory_space<hbm>>) target(%arg7 : memref<128xi32, #tpu.memory_space<vmem>>) target_semaphore(%arg17 : memref<!tpu.dma_semaphore, #tpu.memory_space<semaphore_mem>>)
    %add3A_16 = arith.constant 0 : i32
    %add3A_17 = arith.addi %mul3A_10, %add3A_16 : i32
    %mul3A_18 = arith.constant 128 : i32
    %mul3A_19 = arith.muli %add3A_17, %mul3A_18 : i32
    %multiple_of3A_20 = tpu.assume_multiple %mul3A_19, 8 : i32
    %dma_start3A_21 = tpu.memref_slice %arg4[%multiple_of3A_20] : memref<332160xi32, #tpu.memory_space<hbm>> -> memref<128xi32, #tpu.memory_space<hbm>>
    %dma_start3A_22 = tpu.memref_slice %arg4[%multiple_of3A_20] : memref<332160xi32, #tpu.memory_space<hbm>> -> memref<128xi32, #tpu.memory_space<hbm>>
    tpu.enqueue_dma source(%dma_start3A_22 : memref<128xi32, #tpu.memory_space<hbm>>) target(%arg10 : memref<128xi32, #tpu.memory_space<vmem>>) target_semaphore(%arg20 : memref<!tpu.dma_semaphore, #tpu.memory_space<semaphore_mem>>)
    %add3A_23 = arith.constant 1 : i32
    %add3A_24 = arith.addi %mul3A_10, %add3A_23 : i32
    %mul3A_25 = arith.constant 128 : i32
    %mul3A_26 = arith.muli %add3A_24, %mul3A_25 : i32
    %multiple_of3A_27 = tpu.assume_multiple %mul3A_26, 8 : i32
    %dma_start3A_28 = tpu.memref_slice %arg3[%multiple_of3A_27] : memref<332160xi32, #tpu.memory_space<hbm>> -> memref<128xi32, #tpu.memory_space<hbm>>
    %dma_start3A_29 = tpu.memref_slice %arg3[%multiple_of3A_27] : memref<332160xi32, #tpu.memory_space<hbm>> -> memref<128xi32, #tpu.memory_space<hbm>>
    tpu.enqueue_dma source(%dma_start3A_29 : memref<128xi32, #tpu.memory_space<hbm>>) target(%arg8 : memref<128xi32, #tpu.memory_space<vmem>>) target_semaphore(%arg18 : memref<!tpu.dma_semaphore, #tpu.memory_space<semaphore_mem>>)
    %add3A_30 = arith.constant 1 : i32
    %add3A_31 = arith.addi %mul3A_10, %add3A_30 : i32
    %mul3A_32 = arith.constant 128 : i32
    %mul3A_33 = arith.muli %add3A_31, %mul3A_32 : i32
    %multiple_of3A_34 = tpu.assume_multiple %mul3A_33, 8 : i32
    %dma_start3A_35 = tpu.memref_slice %arg4[%multiple_of3A_34] : memref<332160xi32, #tpu.memory_space<hbm>> -> memref<128xi32, #tpu.memory_space<hbm>>
    %dma_start3A_36 = tpu.memref_slice %arg4[%multiple_of3A_34] : memref<332160xi32, #tpu.memory_space<hbm>> -> memref<128xi32, #tpu.memory_space<hbm>>
    tpu.enqueue_dma source(%dma_start3A_36 : memref<128xi32, #tpu.memory_space<hbm>>) target(%arg11 : memref<128xi32, #tpu.memory_space<vmem>>) target_semaphore(%arg21 : memref<!tpu.dma_semaphore, #tpu.memory_space<semaphore_mem>>)
    %add3A_37 = arith.constant 2 : i32
    %add3A_38 = arith.addi %mul3A_10, %add3A_37 : i32
    %mul3A_39 = arith.constant 128 : i32
    %mul3A_40 = arith.muli %add3A_38, %mul3A_39 : i32
    %multiple_of3A_41 = tpu.assume_multiple %mul3A_40, 8 : i32
    %dma_start3A_42 = tpu.memref_slice %arg3[%multiple_of3A_41] : memref<332160xi32, #tpu.memory_space<hbm>> -> memref<128xi32, #tpu.memory_space<hbm>>
    %dma_start3A_43 = tpu.memref_slice %arg3[%multiple_of3A_41] : memref<332160xi32, #tpu.memory_space<hbm>> -> memref<128xi32, #tpu.memory_space<hbm>>
    tpu.enqueue_dma source(%dma_start3A_43 : memref<128xi32, #tpu.memory_space<hbm>>) target(%arg9 : memref<128xi32, #tpu.memory_space<vmem>>) target_semaphore(%arg19 : memref<!tpu.dma_semaphore, #tpu.memory_space<semaphore_mem>>)
    %add3A_44 = arith.constant 2 : i32
    %add3A_45 = arith.addi %mul3A_10, %add3A_44 : i32
    %mul3A_46 = arith.constant 128 : i32
    %mul3A_47 = arith.muli %add3A_45, %mul3A_46 : i32
    %multiple_of3A_48 = tpu.assume_multiple %mul3A_47, 8 : i32
    %dma_start3A_49 = tpu.memref_slice %arg4[%multiple_of3A_48] : memref<332160xi32, #tpu.memory_space<hbm>> -> memref<128xi32, #tpu.memory_space<hbm>>
    %dma_start3A_50 = tpu.memref_slice %arg4[%multiple_of3A_48] : memref<332160xi32, #tpu.memory_space<hbm>> -> memref<128xi32, #tpu.memory_space<hbm>>
    tpu.enqueue_dma source(%dma_start3A_50 : memref<128xi32, #tpu.memory_space<hbm>>) target(%arg12 : memref<128xi32, #tpu.memory_space<vmem>>) target_semaphore(%arg22 : memref<!tpu.dma_semaphore, #tpu.memory_space<semaphore_mem>>)
    %dma_wait3A = arith.constant 0 : i32
    %dma_wait3A_51 = tpu.memref_slice %arg3[%dma_wait3A] : memref<332160xi32, #tpu.memory_space<hbm>> -> memref<128xi32, #tpu.memory_space<hbm>>
    %dma_wait3A_52 = arith.constant 0 : i32
    %dma_wait3A_53 = tpu.memref_slice %arg3[%dma_wait3A_52] : memref<332160xi32, #tpu.memory_space<hbm>> -> memref<128xi32, #tpu.memory_space<hbm>>
    tpu.wait_dma2 semaphore(%arg17 : memref<!tpu.dma_semaphore, #tpu.memory_space<semaphore_mem>>) src(%dma_wait3A_53 : memref<128xi32, #tpu.memory_space<hbm>>) dst(%arg7 : memref<128xi32, #tpu.memory_space<vmem>>)
    %dma_start3A_54 = arith.constant 0 : i32
    %dma_start3A_55 = arith.constant 0 : i32
    %dma_start3A_56 = tpu.memref_slice %arg2[%dma_start3A_54, %dma_start3A_55] : memref<10008x128xf32, #tpu.memory_space<hbm>> -> memref<10008x128xf32, #tpu.memory_space<hbm>>
    tpu.enqueue_indirect_dma source(%dma_start3A_56 : memref<10008x128xf32, #tpu.memory_space<hbm>>) target(%arg13 : memref<128x128xf32, #tpu.memory_space<vmem>>) offsets(%arg7 : memref<128xi32, #tpu.memory_space<vmem>>) semaphore(%arg23 : memref<!tpu.dma_semaphore, #tpu.memory_space<semaphore_mem>>)
    %dma_wait3A_57 = arith.constant 0 : i32
    %dma_wait3A_58 = tpu.memref_slice %arg3[%dma_wait3A_57] : memref<332160xi32, #tpu.memory_space<hbm>> -> memref<128xi32, #tpu.memory_space<hbm>>
    %dma_wait3A_59 = arith.constant 0 : i32
    %dma_wait3A_60 = tpu.memref_slice %arg3[%dma_wait3A_59] : memref<332160xi32, #tpu.memory_space<hbm>> -> memref<128xi32, #tpu.memory_space<hbm>>
    tpu.wait_dma2 semaphore(%arg18 : memref<!tpu.dma_semaphore, #tpu.memory_space<semaphore_mem>>) src(%dma_wait3A_60 : memref<128xi32, #tpu.memory_space<hbm>>) dst(%arg8 : memref<128xi32, #tpu.memory_space<vmem>>)
    %dma_start3A_61 = arith.constant 0 : i32
    %dma_start3A_62 = arith.constant 0 : i32
    %dma_start3A_63 = tpu.memref_slice %arg2[%dma_start3A_61, %dma_start3A_62] : memref<10008x128xf32, #tpu.memory_space<hbm>> -> memref<10008x128xf32, #tpu.memory_space<hbm>>
    tpu.enqueue_indirect_dma source(%dma_start3A_63 : memref<10008x128xf32, #tpu.memory_space<hbm>>) target(%arg14 : memref<128x128xf32, #tpu.memory_space<vmem>>) offsets(%arg8 : memref<128xi32, #tpu.memory_space<vmem>>) semaphore(%arg24 : memref<!tpu.dma_semaphore, #tpu.memory_space<semaphore_mem>>)
    %dma_wait3A_64 = arith.constant 0 : i32
    %dma_wait3A_65 = tpu.memref_slice %arg3[%dma_wait3A_64] : memref<332160xi32, #tpu.memory_space<hbm>> -> memref<128xi32, #tpu.memory_space<hbm>>
    %dma_wait3A_66 = arith.constant 0 : i32
    %dma_wait3A_67 = tpu.memref_slice %arg3[%dma_wait3A_66] : memref<332160xi32, #tpu.memory_space<hbm>> -> memref<128xi32, #tpu.memory_space<hbm>>
    tpu.wait_dma2 semaphore(%arg19 : memref<!tpu.dma_semaphore, #tpu.memory_space<semaphore_mem>>) src(%dma_wait3A_67 : memref<128xi32, #tpu.memory_space<hbm>>) dst(%arg9 : memref<128xi32, #tpu.memory_space<vmem>>)
    %dma_start3A_68 = arith.constant 0 : i32
    %dma_start3A_69 = arith.constant 0 : i32
    %dma_start3A_70 = tpu.memref_slice %arg2[%dma_start3A_68, %dma_start3A_69] : memref<10008x128xf32, #tpu.memory_space<hbm>> -> memref<10008x128xf32, #tpu.memory_space<hbm>>
    tpu.enqueue_indirect_dma source(%dma_start3A_70 : memref<10008x128xf32, #tpu.memory_space<hbm>>) target(%arg15 : memref<128x128xf32, #tpu.memory_space<vmem>>) offsets(%arg9 : memref<128xi32, #tpu.memory_space<vmem>>) semaphore(%arg25 : memref<!tpu.dma_semaphore, #tpu.memory_space<semaphore_mem>>)
    %scan3A = arith.constant 0 : i32
    %scan3A_71 = arith.constant 0 : i32
    %scan3A_72 = arith.constant 27 : i32
    %scan3A_73 = arith.addi %scan3A_71, %scan3A_72 : i32
    %scan3A_74 = arith.constant 1 : i32
    scf.for %scan3A_103 = %scan3A_71 to %scan3A_73 step %scan3A_74  : i32 {
      %mul3A_104 = arith.constant 3 : i32
      %mul3A_105 = arith.muli %scan3A_103, %mul3A_104 : i32
      %add3A_106 = arith.addi %mul3A_10, %mul3A_105 : i32
      %dma_wait3A_107 = arith.constant 0 : i32
      %dma_wait3A_108 = arith.constant 0 : i32
      %dma_wait3A_109 = tpu.memref_slice %arg2[%dma_wait3A_107, %dma_wait3A_108] : memref<10008x128xf32, #tpu.memory_space<hbm>> -> memref<10008x128xf32, #tpu.memory_space<hbm>>
      tpu.wait_indirect_dma semaphore(%arg23 : memref<!tpu.dma_semaphore, #tpu.memory_space<semaphore_mem>>) src(%dma_wait3A_109 : memref<10008x128xf32, #tpu.memory_space<hbm>>) dst(%arg13 : memref<128x128xf32, #tpu.memory_space<vmem>>)
      %dma_wait3A_110 = arith.constant 0 : i32
      %dma_wait3A_111 = tpu.memref_slice %arg4[%dma_wait3A_110] : memref<332160xi32, #tpu.memory_space<hbm>> -> memref<128xi32, #tpu.memory_space<hbm>>
      %dma_wait3A_112 = arith.constant 0 : i32
      %dma_wait3A_113 = tpu.memref_slice %arg4[%dma_wait3A_112] : memref<332160xi32, #tpu.memory_space<hbm>> -> memref<128xi32, #tpu.memory_space<hbm>>
      tpu.wait_dma2 semaphore(%arg20 : memref<!tpu.dma_semaphore, #tpu.memory_space<semaphore_mem>>) src(%dma_wait3A_113 : memref<128xi32, #tpu.memory_space<hbm>>) dst(%arg10 : memref<128xi32, #tpu.memory_space<vmem>>)
      %dma_start3A_114 = arith.constant 0 : i32
      %dma_start3A_115 = arith.constant 0 : i32
      %dma_start3A_116 = tpu.memref_slice %arg16[%dma_start3A_114, %dma_start3A_115] : memref<10000x128xf32, #tpu.memory_space<vmem_shared>> -> memref<10000x128xf32, #tpu.memory_space<vmem_shared>>
      tpu.enqueue_indirect_dma source(%arg13 : memref<128x128xf32, #tpu.memory_space<vmem>>) target(%dma_start3A_116 : memref<10000x128xf32, #tpu.memory_space<vmem_shared>>) offsets(%arg10 : memref<128xi32, #tpu.memory_space<vmem>>) semaphore(%arg26 : memref<!tpu.dma_semaphore, #tpu.memory_space<semaphore_mem>>) {add = true}
      %add3A_117 = arith.constant 3 : i32
      %add3A_118 = arith.addi %add3A_106, %add3A_117 : i32
      %add3A_119 = arith.constant 0 : i32
      %add3A_120 = arith.addi %add3A_118, %add3A_119 : i32
      %mul3A_121 = arith.constant 128 : i32
      %mul3A_122 = arith.muli %add3A_120, %mul3A_121 : i32
      %multiple_of3A_123 = tpu.assume_multiple %mul3A_122, 8 : i32
      %dma_start3A_124 = tpu.memref_slice %arg3[%multiple_of3A_123] : memref<332160xi32, #tpu.memory_space<hbm>> -> memref<128xi32, #tpu.memory_space<hbm>>
      %dma_start3A_125 = tpu.memref_slice %arg3[%multiple_of3A_123] : memref<332160xi32, #tpu.memory_space<hbm>> -> memref<128xi32, #tpu.memory_space<hbm>>
      tpu.enqueue_dma source(%dma_start3A_125 : memref<128xi32, #tpu.memory_space<hbm>>) target(%arg7 : memref<128xi32, #tpu.memory_space<vmem>>) target_semaphore(%arg17 : memref<!tpu.dma_semaphore, #tpu.memory_space<semaphore_mem>>)
      %dma_wait3A_126 = arith.constant 0 : i32
      %dma_wait3A_127 = arith.constant 0 : i32
      %dma_wait3A_128 = tpu.memref_slice %arg2[%dma_wait3A_126, %dma_wait3A_127] : memref<10008x128xf32, #tpu.memory_space<hbm>> -> memref<10008x128xf32, #tpu.memory_space<hbm>>
      tpu.wait_indirect_dma semaphore(%arg24 : memref<!tpu.dma_semaphore, #tpu.memory_space<semaphore_mem>>) src(%dma_wait3A_128 : memref<10008x128xf32, #tpu.memory_space<hbm>>) dst(%arg14 : memref<128x128xf32, #tpu.memory_space<vmem>>)
      %dma_wait3A_129 = arith.constant 0 : i32
      %dma_wait3A_130 = tpu.memref_slice %arg4[%dma_wait3A_129] : memref<332160xi32, #tpu.memory_space<hbm>> -> memref<128xi32, #tpu.memory_space<hbm>>
      %dma_wait3A_131 = arith.constant 0 : i32
      %dma_wait3A_132 = tpu.memref_slice %arg4[%dma_wait3A_131] : memref<332160xi32, #tpu.memory_space<hbm>> -> memref<128xi32, #tpu.memory_space<hbm>>
      tpu.wait_dma2 semaphore(%arg21 : memref<!tpu.dma_semaphore, #tpu.memory_space<semaphore_mem>>) src(%dma_wait3A_132 : memref<128xi32, #tpu.memory_space<hbm>>) dst(%arg11 : memref<128xi32, #tpu.memory_space<vmem>>)
      %dma_start3A_133 = arith.constant 0 : i32
      %dma_start3A_134 = arith.constant 0 : i32
      %dma_start3A_135 = tpu.memref_slice %arg16[%dma_start3A_133, %dma_start3A_134] : memref<10000x128xf32, #tpu.memory_space<vmem_shared>> -> memref<10000x128xf32, #tpu.memory_space<vmem_shared>>
      tpu.enqueue_indirect_dma source(%arg14 : memref<128x128xf32, #tpu.memory_space<vmem>>) target(%dma_start3A_135 : memref<10000x128xf32, #tpu.memory_space<vmem_shared>>) offsets(%arg11 : memref<128xi32, #tpu.memory_space<vmem>>) semaphore(%arg27 : memref<!tpu.dma_semaphore, #tpu.memory_space<semaphore_mem>>) {add = true}
      %add3A_136 = arith.constant 3 : i32
      %add3A_137 = arith.addi %add3A_106, %add3A_136 : i32
      %add3A_138 = arith.constant 1 : i32
      %add3A_139 = arith.addi %add3A_137, %add3A_138 : i32
      %mul3A_140 = arith.constant 128 : i32
      %mul3A_141 = arith.muli %add3A_139, %mul3A_140 : i32
      %multiple_of3A_142 = tpu.assume_multiple %mul3A_141, 8 : i32
      %dma_start3A_143 = tpu.memref_slice %arg3[%multiple_of3A_142] : memref<332160xi32, #tpu.memory_space<hbm>> -> memref<128xi32, #tpu.memory_space<hbm>>
      %dma_start3A_144 = tpu.memref_slice %arg3[%multiple_of3A_142] : memref<332160xi32, #tpu.memory_space<hbm>> -> memref<128xi32, #tpu.memory_space<hbm>>
      tpu.enqueue_dma source(%dma_start3A_144 : memref<128xi32, #tpu.memory_space<hbm>>) target(%arg8 : memref<128xi32, #tpu.memory_space<vmem>>) target_semaphore(%arg18 : memref<!tpu.dma_semaphore, #tpu.memory_space<semaphore_mem>>)
      %dma_wait3A_145 = arith.constant 0 : i32
      %dma_wait3A_146 = arith.constant 0 : i32
      %dma_wait3A_147 = tpu.memref_slice %arg2[%dma_wait3A_145, %dma_wait3A_146] : memref<10008x128xf32, #tpu.memory_space<hbm>> -> memref<10008x128xf32, #tpu.memory_space<hbm>>
      tpu.wait_indirect_dma semaphore(%arg25 : memref<!tpu.dma_semaphore, #tpu.memory_space<semaphore_mem>>) src(%dma_wait3A_147 : memref<10008x128xf32, #tpu.memory_space<hbm>>) dst(%arg15 : memref<128x128xf32, #tpu.memory_space<vmem>>)
      %dma_wait3A_148 = arith.constant 0 : i32
      %dma_wait3A_149 = tpu.memref_slice %arg4[%dma_wait3A_148] : memref<332160xi32, #tpu.memory_space<hbm>> -> memref<128xi32, #tpu.memory_space<hbm>>
      %dma_wait3A_150 = arith.constant 0 : i32
      %dma_wait3A_151 = tpu.memref_slice %arg4[%dma_wait3A_150] : memref<332160xi32, #tpu.memory_space<hbm>> -> memref<128xi32, #tpu.memory_space<hbm>>
      tpu.wait_dma2 semaphore(%arg22 : memref<!tpu.dma_semaphore, #tpu.memory_space<semaphore_mem>>) src(%dma_wait3A_151 : memref<128xi32, #tpu.memory_space<hbm>>) dst(%arg12 : memref<128xi32, #tpu.memory_space<vmem>>)
      %dma_start3A_152 = arith.constant 0 : i32
      %dma_start3A_153 = arith.constant 0 : i32
      %dma_start3A_154 = tpu.memref_slice %arg16[%dma_start3A_152, %dma_start3A_153] : memref<10000x128xf32, #tpu.memory_space<vmem_shared>> -> memref<10000x128xf32, #tpu.memory_space<vmem_shared>>
      tpu.enqueue_indirect_dma source(%arg15 : memref<128x128xf32, #tpu.memory_space<vmem>>) target(%dma_start3A_154 : memref<10000x128xf32, #tpu.memory_space<vmem_shared>>) offsets(%arg12 : memref<128xi32, #tpu.memory_space<vmem>>) semaphore(%arg28 : memref<!tpu.dma_semaphore, #tpu.memory_space<semaphore_mem>>) {add = true}
      %add3A_155 = arith.constant 3 : i32
      %add3A_156 = arith.addi %add3A_106, %add3A_155 : i32
      %add3A_157 = arith.constant 2 : i32
      %add3A_158 = arith.addi %add3A_156, %add3A_157 : i32
      %mul3A_159 = arith.constant 128 : i32
      %mul3A_160 = arith.muli %add3A_158, %mul3A_159 : i32
      %multiple_of3A_161 = tpu.assume_multiple %mul3A_160, 8 : i32
      %dma_start3A_162 = tpu.memref_slice %arg3[%multiple_of3A_161] : memref<332160xi32, #tpu.memory_space<hbm>> -> memref<128xi32, #tpu.memory_space<hbm>>
      %dma_start3A_163 = tpu.memref_slice %arg3[%multiple_of3A_161] : memref<332160xi32, #tpu.memory_space<hbm>> -> memref<128xi32, #tpu.memory_space<hbm>>
      tpu.enqueue_dma source(%dma_start3A_163 : memref<128xi32, #tpu.memory_space<hbm>>) target(%arg9 : memref<128xi32, #tpu.memory_space<vmem>>) target_semaphore(%arg19 : memref<!tpu.dma_semaphore, #tpu.memory_space<semaphore_mem>>)
      %dma_wait3A_164 = arith.constant 0 : i32
      %dma_wait3A_165 = arith.constant 0 : i32
      %dma_wait3A_166 = tpu.memref_slice %arg16[%dma_wait3A_164, %dma_wait3A_165] : memref<10000x128xf32, #tpu.memory_space<vmem_shared>> -> memref<10000x128xf32, #tpu.memory_space<vmem_shared>>
      tpu.wait_indirect_dma semaphore(%arg26 : memref<!tpu.dma_semaphore, #tpu.memory_space<semaphore_mem>>) src(%arg13 : memref<128x128xf32, #tpu.memory_space<vmem>>) dst(%dma_wait3A_166 : memref<10000x128xf32, #tpu.memory_space<vmem_shared>>)
      %add3A_167 = arith.constant 3 : i32
      %add3A_168 = arith.addi %add3A_106, %add3A_167 : i32
      %add3A_169 = arith.constant 0 : i32
      %add3A_170 = arith.addi %add3A_168, %add3A_169 : i32
      %mul3A_171 = arith.constant 128 : i32
      %mul3A_172 = arith.muli %add3A_170, %mul3A_171 : i32
      %multiple_of3A_173 = tpu.assume_multiple %mul3A_172, 8 : i32
      %dma_start3A_174 = tpu.memref_slice %arg4[%multiple_of3A_173] : memref<332160xi32, #tpu.memory_space<hbm>> -> memref<128xi32, #tpu.memory_space<hbm>>
      %dma_start3A_175 = tpu.memref_slice %arg4[%multiple_of3A_173] : memref<332160xi32, #tpu.memory_space<hbm>> -> memref<128xi32, #tpu.memory_space<hbm>>
      tpu.enqueue_dma source(%dma_start3A_175 : memref<128xi32, #tpu.memory_space<hbm>>) target(%arg10 : memref<128xi32, #tpu.memory_space<vmem>>) target_semaphore(%arg20 : memref<!tpu.dma_semaphore, #tpu.memory_space<semaphore_mem>>)
      %dma_wait3A_176 = arith.constant 0 : i32
      %dma_wait3A_177 = tpu.memref_slice %arg3[%dma_wait3A_176] : memref<332160xi32, #tpu.memory_space<hbm>> -> memref<128xi32, #tpu.memory_space<hbm>>
      %dma_wait3A_178 = arith.constant 0 : i32
      %dma_wait3A_179 = tpu.memref_slice %arg3[%dma_wait3A_178] : memref<332160xi32, #tpu.memory_space<hbm>> -> memref<128xi32, #tpu.memory_space<hbm>>
      tpu.wait_dma2 semaphore(%arg17 : memref<!tpu.dma_semaphore, #tpu.memory_space<semaphore_mem>>) src(%dma_wait3A_179 : memref<128xi32, #tpu.memory_space<hbm>>) dst(%arg7 : memref<128xi32, #tpu.memory_space<vmem>>)
      %dma_start3A_180 = arith.constant 0 : i32
      %dma_start3A_181 = arith.constant 0 : i32
      %dma_start3A_182 = tpu.memref_slice %arg2[%dma_start3A_180, %dma_start3A_181] : memref<10008x128xf32, #tpu.memory_space<hbm>> -> memref<10008x128xf32, #tpu.memory_space<hbm>>
      tpu.enqueue_indirect_dma source(%dma_start3A_182 : memref<10008x128xf32, #tpu.memory_space<hbm>>) target(%arg13 : memref<128x128xf32, #tpu.memory_space<vmem>>) offsets(%arg7 : memref<128xi32, #tpu.memory_space<vmem>>) semaphore(%arg23 : memref<!tpu.dma_semaphore, #tpu.memory_space<semaphore_mem>>)
      %dma_wait3A_183 = arith.constant 0 : i32
      %dma_wait3A_184 = arith.constant 0 : i32
      %dma_wait3A_185 = tpu.memref_slice %arg16[%dma_wait3A_183, %dma_wait3A_184] : memref<10000x128xf32, #tpu.memory_space<vmem_shared>> -> memref<10000x128xf32, #tpu.memory_space<vmem_shared>>
      tpu.wait_indirect_dma semaphore(%arg27 : memref<!tpu.dma_semaphore, #tpu.memory_space<semaphore_mem>>) src(%arg14 : memref<128x128xf32, #tpu.memory_space<vmem>>) dst(%dma_wait3A_185 : memref<10000x128xf32, #tpu.memory_space<vmem_shared>>)
      %add3A_186 = arith.constant 3 : i32
      %add3A_187 = arith.addi %add3A_106, %add3A_186 : i32
      %add3A_188 = arith.constant 1 : i32
      %add3A_189 = arith.addi %add3A_187, %add3A_188 : i32
      %mul3A_190 = arith.constant 128 : i32
      %mul3A_191 = arith.muli %add3A_189, %mul3A_190 : i32
      %multiple_of3A_192 = tpu.assume_multiple %mul3A_191, 8 : i32
      %dma_start3A_193 = tpu.memref_slice %arg4[%multiple_of3A_192] : memref<332160xi32, #tpu.memory_space<hbm>> -> memref<128xi32, #tpu.memory_space<hbm>>
      %dma_start3A_194 = tpu.memref_slice %arg4[%multiple_of3A_192] : memref<332160xi32, #tpu.memory_space<hbm>> -> memref<128xi32, #tpu.memory_space<hbm>>
      tpu.enqueue_dma source(%dma_start3A_194 : memref<128xi32, #tpu.memory_space<hbm>>) target(%arg11 : memref<128xi32, #tpu.memory_space<vmem>>) target_semaphore(%arg21 : memref<!tpu.dma_semaphore, #tpu.memory_space<semaphore_mem>>)
      %dma_wait3A_195 = arith.constant 0 : i32
      %dma_wait3A_196 = tpu.memref_slice %arg3[%dma_wait3A_195] : memref<332160xi32, #tpu.memory_space<hbm>> -> memref<128xi32, #tpu.memory_space<hbm>>
      %dma_wait3A_197 = arith.constant 0 : i32
      %dma_wait3A_198 = tpu.memref_slice %arg3[%dma_wait3A_197] : memref<332160xi32, #tpu.memory_space<hbm>> -> memref<128xi32, #tpu.memory_space<hbm>>
      tpu.wait_dma2 semaphore(%arg18 : memref<!tpu.dma_semaphore, #tpu.memory_space<semaphore_mem>>) src(%dma_wait3A_198 : memref<128xi32, #tpu.memory_space<hbm>>) dst(%arg8 : memref<128xi32, #tpu.memory_space<vmem>>)
      %dma_start3A_199 = arith.constant 0 : i32
      %dma_start3A_200 = arith.constant 0 : i32
      %dma_start3A_201 = tpu.memref_slice %arg2[%dma_start3A_199, %dma_start3A_200] : memref<10008x128xf32, #tpu.memory_space<hbm>> -> memref<10008x128xf32, #tpu.memory_space<hbm>>
      tpu.enqueue_indirect_dma source(%dma_start3A_201 : memref<10008x128xf32, #tpu.memory_space<hbm>>) target(%arg14 : memref<128x128xf32, #tpu.memory_space<vmem>>) offsets(%arg8 : memref<128xi32, #tpu.memory_space<vmem>>) semaphore(%arg24 : memref<!tpu.dma_semaphore, #tpu.memory_space<semaphore_mem>>)
      %dma_wait3A_202 = arith.constant 0 : i32
      %dma_wait3A_203 = arith.constant 0 : i32
      %dma_wait3A_204 = tpu.memref_slice %arg16[%dma_wait3A_202, %dma_wait3A_203] : memref<10000x128xf32, #tpu.memory_space<vmem_shared>> -> memref<10000x128xf32, #tpu.memory_space<vmem_shared>>
      tpu.wait_indirect_dma semaphore(%arg28 : memref<!tpu.dma_semaphore, #tpu.memory_space<semaphore_mem>>) src(%arg15 : memref<128x128xf32, #tpu.memory_space<vmem>>) dst(%dma_wait3A_204 : memref<10000x128xf32, #tpu.memory_space<vmem_shared>>)
      %add3A_205 = arith.constant 3 : i32
      %add3A_206 = arith.addi %add3A_106, %add3A_205 : i32
      %add3A_207 = arith.constant 2 : i32
      %add3A_208 = arith.addi %add3A_206, %add3A_207 : i32
      %mul3A_209 = arith.constant 128 : i32
      %mul3A_210 = arith.muli %add3A_208, %mul3A_209 : i32
      %multiple_of3A_211 = tpu.assume_multiple %mul3A_210, 8 : i32
      %dma_start3A_212 = tpu.memref_slice %arg4[%multiple_of3A_211] : memref<332160xi32, #tpu.memory_space<hbm>> -> memref<128xi32, #tpu.memory_space<hbm>>
      %dma_start3A_213 = tpu.memref_slice %arg4[%multiple_of3A_211] : memref<332160xi32, #tpu.memory_space<hbm>> -> memref<128xi32, #tpu.memory_space<hbm>>
      tpu.enqueue_dma source(%dma_start3A_213 : memref<128xi32, #tpu.memory_space<hbm>>) target(%arg12 : memref<128xi32, #tpu.memory_space<vmem>>) target_semaphore(%arg22 : memref<!tpu.dma_semaphore, #tpu.memory_space<semaphore_mem>>)
      %dma_wait3A_214 = arith.constant 0 : i32
      %dma_wait3A_215 = tpu.memref_slice %arg3[%dma_wait3A_214] : memref<332160xi32, #tpu.memory_space<hbm>> -> memref<128xi32, #tpu.memory_space<hbm>>
      %dma_wait3A_216 = arith.constant 0 : i32
      %dma_wait3A_217 = tpu.memref_slice %arg3[%dma_wait3A_216] : memref<332160xi32, #tpu.memory_space<hbm>> -> memref<128xi32, #tpu.memory_space<hbm>>
      tpu.wait_dma2 semaphore(%arg19 : memref<!tpu.dma_semaphore, #tpu.memory_space<semaphore_mem>>) src(%dma_wait3A_217 : memref<128xi32, #tpu.memory_space<hbm>>) dst(%arg9 : memref<128xi32, #tpu.memory_space<vmem>>)
      %dma_start3A_218 = arith.constant 0 : i32
      %dma_start3A_219 = arith.constant 0 : i32
      %dma_start3A_220 = tpu.memref_slice %arg2[%dma_start3A_218, %dma_start3A_219] : memref<10008x128xf32, #tpu.memory_space<hbm>> -> memref<10008x128xf32, #tpu.memory_space<hbm>>
      tpu.enqueue_indirect_dma source(%dma_start3A_220 : memref<10008x128xf32, #tpu.memory_space<hbm>>) target(%arg15 : memref<128x128xf32, #tpu.memory_space<vmem>>) offsets(%arg9 : memref<128xi32, #tpu.memory_space<vmem>>) semaphore(%arg25 : memref<!tpu.dma_semaphore, #tpu.memory_space<semaphore_mem>>)
    }
    %scan3A_75 = arith.constant 27 : i32
    %dma_wait3A_76 = arith.constant 0 : i32
    %dma_wait3A_77 = arith.constant 0 : i32
    %dma_wait3A_78 = tpu.memref_slice %arg2[%dma_wait3A_76, %dma_wait3A_77] : memref<10008x128xf32, #tpu.memory_space<hbm>> -> memref<10008x128xf32, #tpu.memory_space<hbm>>
    tpu.wait_indirect_dma semaphore(%arg23 : memref<!tpu.dma_semaphore, #tpu.memory_space<semaphore_mem>>) src(%dma_wait3A_78 : memref<10008x128xf32, #tpu.memory_space<hbm>>) dst(%arg13 : memref<128x128xf32, #tpu.memory_space<vmem>>)
    %dma_wait3A_79 = arith.constant 0 : i32
    %dma_wait3A_80 = tpu.memref_slice %arg4[%dma_wait3A_79] : memref<332160xi32, #tpu.memory_space<hbm>> -> memref<128xi32, #tpu.memory_space<hbm>>
    %dma_wait3A_81 = arith.constant 0 : i32
    %dma_wait3A_82 = tpu.memref_slice %arg4[%dma_wait3A_81] : memref<332160xi32, #tpu.memory_space<hbm>> -> memref<128xi32, #tpu.memory_space<hbm>>
    tpu.wait_dma2 semaphore(%arg20 : memref<!tpu.dma_semaphore, #tpu.memory_space<semaphore_mem>>) src(%dma_wait3A_82 : memref<128xi32, #tpu.memory_space<hbm>>) dst(%arg10 : memref<128xi32, #tpu.memory_space<vmem>>)
    %dma_wait3A_83 = arith.constant 0 : i32
    %dma_wait3A_84 = arith.constant 0 : i32
    %dma_wait3A_85 = tpu.memref_slice %arg2[%dma_wait3A_83, %dma_wait3A_84] : memref<10008x128xf32, #tpu.memory_space<hbm>> -> memref<10008x128xf32, #tpu.memory_space<hbm>>
    tpu.wait_indirect_dma semaphore(%arg24 : memref<!tpu.dma_semaphore, #tpu.memory_space<semaphore_mem>>) src(%dma_wait3A_85 : memref<10008x128xf32, #tpu.memory_space<hbm>>) dst(%arg14 : memref<128x128xf32, #tpu.memory_space<vmem>>)
    %dma_wait3A_86 = arith.constant 0 : i32
    %dma_wait3A_87 = tpu.memref_slice %arg4[%dma_wait3A_86] : memref<332160xi32, #tpu.memory_space<hbm>> -> memref<128xi32, #tpu.memory_space<hbm>>
    %dma_wait3A_88 = arith.constant 0 : i32
    %dma_wait3A_89 = tpu.memref_slice %arg4[%dma_wait3A_88] : memref<332160xi32, #tpu.memory_space<hbm>> -> memref<128xi32, #tpu.memory_space<hbm>>
    tpu.wait_dma2 semaphore(%arg21 : memref<!tpu.dma_semaphore, #tpu.memory_space<semaphore_mem>>) src(%dma_wait3A_89 : memref<128xi32, #tpu.memory_space<hbm>>) dst(%arg11 : memref<128xi32, #tpu.memory_space<vmem>>)
    %dma_wait3A_90 = arith.constant 0 : i32
    %dma_wait3A_91 = arith.constant 0 : i32
    %dma_wait3A_92 = tpu.memref_slice %arg2[%dma_wait3A_90, %dma_wait3A_91] : memref<10008x128xf32, #tpu.memory_space<hbm>> -> memref<10008x128xf32, #tpu.memory_space<hbm>>
    tpu.wait_indirect_dma semaphore(%arg25 : memref<!tpu.dma_semaphore, #tpu.memory_space<semaphore_mem>>) src(%dma_wait3A_92 : memref<10008x128xf32, #tpu.memory_space<hbm>>) dst(%arg15 : memref<128x128xf32, #tpu.memory_space<vmem>>)
    %dma_wait3A_93 = arith.constant 0 : i32
    %dma_wait3A_94 = tpu.memref_slice %arg4[%dma_wait3A_93] : memref<332160xi32, #tpu.memory_space<hbm>> -> memref<128xi32, #tpu.memory_space<hbm>>
    %dma_wait3A_95 = arith.constant 0 : i32
    %dma_wait3A_96 = tpu.memref_slice %arg4[%dma_wait3A_95] : memref<332160xi32, #tpu.memory_space<hbm>> -> memref<128xi32, #tpu.memory_space<hbm>>
    tpu.wait_dma2 semaphore(%arg22 : memref<!tpu.dma_semaphore, #tpu.memory_space<semaphore_mem>>) src(%dma_wait3A_96 : memref<128xi32, #tpu.memory_space<hbm>>) dst(%arg12 : memref<128xi32, #tpu.memory_space<vmem>>)
    %barrier3A_97 = arith.constant 0 : index
    tpu.barrier barrier_id(%barrier3A_97)
    "tpu.region"() ({
      %run_scoped3A = tpu.sem_alloc : memref<!tpu.dma_semaphore, #tpu.memory_space<semaphore_mem>>
      %dma_start3A_103 = arith.constant 0 : i32
      %dma_start3A_104 = tpu.memref_slice %arg6[%arg0, %mul3A_2, %dma_start3A_103] : memref<2x10000x128xf32, #tpu.memory_space<hbm>> -> memref<1x624x128xf32, #tpu.memory_space<hbm>>
      %dma_start3A_105 = tpu.memref_squeeze %dma_start3A_104 : memref<1x624x128xf32, #tpu.memory_space<hbm>> -> memref<624x128xf32, #tpu.memory_space<hbm>>
      %dma_start3A_106 = arith.constant 0 : i32
      %dma_start3A_107 = tpu.memref_slice %arg16[%mul3A_2, %dma_start3A_106] : memref<10000x128xf32, #tpu.memory_space<vmem_shared>> -> memref<624x128xf32, #tpu.memory_space<vmem_shared>>
      tpu.enqueue_dma source(%dma_start3A_107 : memref<624x128xf32, #tpu.memory_space<vmem_shared>>) target(%dma_start3A_105 : memref<624x128xf32, #tpu.memory_space<hbm>>) target_semaphore(%run_scoped3A : memref<!tpu.dma_semaphore, #tpu.memory_space<semaphore_mem>>)
      %dma_wait3A_108 = arith.constant 0 : i32
      %dma_wait3A_109 = tpu.memref_slice %arg6[%arg0, %mul3A_2, %dma_wait3A_108] : memref<2x10000x128xf32, #tpu.memory_space<hbm>> -> memref<1x624x128xf32, #tpu.memory_space<hbm>>
      %dma_wait3A_110 = tpu.memref_squeeze %dma_wait3A_109 : memref<1x624x128xf32, #tpu.memory_space<hbm>> -> memref<624x128xf32, #tpu.memory_space<hbm>>
      %dma_wait3A_111 = arith.constant 0 : i32
      %dma_wait3A_112 = tpu.memref_slice %arg16[%mul3A_2, %dma_wait3A_111] : memref<10000x128xf32, #tpu.memory_space<vmem_shared>> -> memref<624x128xf32, #tpu.memory_space<vmem_shared>>
      tpu.wait_dma2 semaphore(%run_scoped3A : memref<!tpu.dma_semaphore, #tpu.memory_space<semaphore_mem>>) src(%dma_wait3A_112 : memref<624x128xf32, #tpu.memory_space<vmem_shared>>) dst(%dma_wait3A_110 : memref<624x128xf32, #tpu.memory_space<hbm>>)
      tpu.yield
    }) : () -> ()
    %eq3A_98 = arith.constant 15 : i32
    %eq3A_99 = arith.cmpi eq, %arg1, %eq3A_98 : i32
    %convert_element_type3A_100 = arith.extui %eq3A_99 : i1 to i32
    %cond3A_101 = arith.constant 0 : i32
    %cond3A_102 = arith.cmpi ne, %convert_element_type3A_100, %cond3A_101 : i32
    scf.if %cond3A_102 {
      "tpu.region"() ({
        %run_scoped3A = tpu.sem_alloc : memref<!tpu.dma_semaphore, #tpu.memory_space<semaphore_mem>>
        %dma_start3A_103 = arith.constant 9984 : i32
        %dma_start3A_104 = arith.constant 0 : i32
        %dma_start3A_105 = tpu.memref_slice %arg6[%arg0, %dma_start3A_103, %dma_start3A_104] : memref<2x10000x128xf32, #tpu.memory_space<hbm>> -> memref<1x16x128xf32, #tpu.memory_space<hbm>>
        %dma_start3A_106 = tpu.memref_squeeze %dma_start3A_105 : memref<1x16x128xf32, #tpu.memory_space<hbm>> -> memref<16x128xf32, #tpu.memory_space<hbm>>
        %dma_start3A_107 = arith.constant 9984 : i32
        %dma_start3A_108 = arith.constant 0 : i32
        %dma_start3A_109 = tpu.memref_slice %arg16[%dma_start3A_107, %dma_start3A_108] : memref<10000x128xf32, #tpu.memory_space<vmem_shared>> -> memref<16x128xf32, #tpu.memory_space<vmem_shared>>
        tpu.enqueue_dma source(%dma_start3A_109 : memref<16x128xf32, #tpu.memory_space<vmem_shared>>) target(%dma_start3A_106 : memref<16x128xf32, #tpu.memory_space<hbm>>) target_semaphore(%run_scoped3A : memref<!tpu.dma_semaphore, #tpu.memory_space<semaphore_mem>>)
        %dma_wait3A_110 = arith.constant 9984 : i32
        %dma_wait3A_111 = arith.constant 0 : i32
        %dma_wait3A_112 = tpu.memref_slice %arg6[%arg0, %dma_wait3A_110, %dma_wait3A_111] : memref<2x10000x128xf32, #tpu.memory_space<hbm>> -> memref<1x16x128xf32, #tpu.memory_space<hbm>>
        %dma_wait3A_113 = tpu.memref_squeeze %dma_wait3A_112 : memref<1x16x128xf32, #tpu.memory_space<hbm>> -> memref<16x128xf32, #tpu.memory_space<hbm>>
        %dma_wait3A_114 = arith.constant 9984 : i32
        %dma_wait3A_115 = arith.constant 0 : i32
        %dma_wait3A_116 = tpu.memref_slice %arg16[%dma_wait3A_114, %dma_wait3A_115] : memref<10000x128xf32, #tpu.memory_space<vmem_shared>> -> memref<16x128xf32, #tpu.memory_space<vmem_shared>>
        tpu.wait_dma2 semaphore(%run_scoped3A : memref<!tpu.dma_semaphore, #tpu.memory_space<semaphore_mem>>) src(%dma_wait3A_116 : memref<16x128xf32, #tpu.memory_space<vmem_shared>>) dst(%dma_wait3A_113 : memref<16x128xf32, #tpu.memory_space<hbm>>)
        tpu.yield
      }) : () -> ()
    } else {
    }
    return
  }
}

module attributes {stable_mosaic.version = 14 : i64} {
  func.func @mm_kernel(%arg0: i32, %arg1: memref<2x1000x128xf32, #tpu.memory_space<vmem>>, %arg2: memref<128x32xf32, #tpu.memory_space<vmem>>, %arg3: memref<1x32xf32, #tpu.memory_space<vmem>>, %arg4: memref<1000x32xf32, #tpu.memory_space<vmem>>) attributes {dimension_semantics = [#tpu.dimension_semantics<arbitrary>], iteration_bounds = array<i64: 10>, scalar_prefetch = 0 : i64, scratch_operands = 0 : i64, tpu.core_type = #tpu.core_type<tc>, window_params = [{transform_indices = @transform_0, window_bounds = array<i64: 2, 1000, 128>}, {pipeline_mode = #tpu.pipeline_mode<synchronous>, transform_indices = @transform_1, window_bounds = array<i64: 128, 32>}, {pipeline_mode = #tpu.pipeline_mode<synchronous>, transform_indices = @transform_2, window_bounds = array<i64: 1, 32>}, {transform_indices = @transform_3, window_bounds = array<i64: 1000, 32>}]} {
    %get3A = arith.constant 0 : index
    %get3A_0 = arith.constant 0 : index
    %get3A_1 = arith.constant 0 : index
    %get3A_2 = vector.load %arg1[%get3A, %get3A_0, %get3A_1] : memref<2x1000x128xf32, #tpu.memory_space<vmem>>, vector<1x1000x128xf32>
    %get3A_3 = vector.shape_cast %get3A_2 : vector<1x1000x128xf32> to vector<1000x128xf32>
    %get3A_4 = arith.constant 1 : index
    %get3A_5 = arith.constant 0 : index
    %get3A_6 = arith.constant 0 : index
    %get3A_7 = vector.load %arg1[%get3A_4, %get3A_5, %get3A_6] : memref<2x1000x128xf32, #tpu.memory_space<vmem>>, vector<1x1000x128xf32>
    %get3A_8 = vector.shape_cast %get3A_7 : vector<1x1000x128xf32> to vector<1000x128xf32>
    %add3A = arith.addf %get3A_3, %get3A_8 : vector<1000x128xf32>
    %get3A_9 = arith.constant 0 : index
    %get3A_10 = arith.constant 0 : index
    %get3A_11 = vector.load %arg2[%get3A_9, %get3A_10] : memref<128x32xf32, #tpu.memory_space<vmem>>, vector<128x32xf32>
    %dot_general3A = arith.constant dense<0.000000e+00> : vector<1000x32xf32>
    %dot_general3A_12 = tpu.matmul %add3A, %get3A_11, %dot_general3A {dimension_numbers = #tpu.dot_dimension_numbers<[1], [0], [0], [1], [0, 0, 1, 1], [], []>, transpose_lhs_hint = false} : vector<1000x128xf32>, vector<128x32xf32>, vector<1000x32xf32> -> vector<1000x32xf32>
    %get3A_13 = arith.constant 0 : index
    %get3A_14 = arith.constant 0 : index
    %get3A_15 = vector.load %arg3[%get3A_13, %get3A_14] : memref<1x32xf32, #tpu.memory_space<vmem>>, vector<1x32xf32>
    %add3A_16 = vector.broadcast %get3A_15 : vector<1x32xf32> to vector<1000x32xf32>
    %add3A_17 = arith.addf %dot_general3A_12, %add3A_16 : vector<1000x32xf32>
    %swap3A = arith.constant 0 : index
    %swap3A_18 = arith.constant 0 : index
    %swap3A_19 = vector.load %arg4[%swap3A, %swap3A_18] : memref<1000x32xf32, #tpu.memory_space<vmem>>, vector<1000x32xf32>
    tpu.vector_store %arg4[%swap3A, %swap3A_18], %add3A_17 {strides = array<i32>} : memref<1000x32xf32, #tpu.memory_space<vmem>>, vector<1000x32xf32>,
    return
  }
  func.func @transform_0(%arg0: i32) -> (i32, i32, i32) {
    %c0_i32 = arith.constant 0 : i32
    %c0_i32_0 = arith.constant 0 : i32
    %c0_i32_1 = arith.constant 0 : i32
    return %c0_i32, %arg0, %c0_i32_0 : i32, i32, i32
  }
  func.func @transform_1(%arg0: i32) -> (i32, i32) {
    %c0_i32 = arith.constant 0 : i32
    %c0_i32_0 = arith.constant 0 : i32
    %c0_i32_1 = arith.constant 0 : i32
    return %c0_i32, %c0_i32_0 : i32, i32
  }
  func.func @transform_2(%arg0: i32) -> (i32, i32) {
    %c0_i32 = arith.constant 0 : i32
    %c0_i32_0 = arith.constant 0 : i32
    %c0_i32_1 = arith.constant 0 : i32
    return %c0_i32, %c0_i32_0 : i32, i32
  }
  func.func @transform_3(%arg0: i32) -> (i32, i32) {
    %c0_i32 = arith.constant 0 : i32
    %c0_i32_0 = arith.constant 0 : i32
    return %arg0, %c0_i32 : i32, i32
  }
}

module attributes {stable_mosaic.version = 14 : i64} {
  func.func @mm_kernel(%arg0: i32, %arg1: memref<2x1000x128xf32, #tpu.memory_space<vmem>>, %arg2: memref<128x128xf32, #tpu.memory_space<vmem>>, %arg3: memref<1x128xf32, #tpu.memory_space<vmem>>, %arg4: memref<1000x128xf32, #tpu.memory_space<vmem>>) attributes {dimension_semantics = [#tpu.dimension_semantics<arbitrary>], iteration_bounds = array<i64: 10>, scalar_prefetch = 0 : i64, scratch_operands = 0 : i64, tpu.core_type = #tpu.core_type<tc>, window_params = [{transform_indices = @transform_0, window_bounds = array<i64: 2, 1000, 128>}, {pipeline_mode = #tpu.pipeline_mode<synchronous>, transform_indices = @transform_1, window_bounds = array<i64: 128, 128>}, {pipeline_mode = #tpu.pipeline_mode<synchronous>, transform_indices = @transform_2, window_bounds = array<i64: 1, 128>}, {transform_indices = @transform_3, window_bounds = array<i64: 1000, 128>}]} {
    %get3A = arith.constant 0 : index
    %get3A_0 = arith.constant 0 : index
    %get3A_1 = arith.constant 0 : index
    %get3A_2 = vector.load %arg1[%get3A, %get3A_0, %get3A_1] : memref<2x1000x128xf32, #tpu.memory_space<vmem>>, vector<1x1000x128xf32>
    %get3A_3 = vector.shape_cast %get3A_2 : vector<1x1000x128xf32> to vector<1000x128xf32>
    %get3A_4 = arith.constant 1 : index
    %get3A_5 = arith.constant 0 : index
    %get3A_6 = arith.constant 0 : index
    %get3A_7 = vector.load %arg1[%get3A_4, %get3A_5, %get3A_6] : memref<2x1000x128xf32, #tpu.memory_space<vmem>>, vector<1x1000x128xf32>
    %get3A_8 = vector.shape_cast %get3A_7 : vector<1x1000x128xf32> to vector<1000x128xf32>
    %add3A = arith.addf %get3A_3, %get3A_8 : vector<1000x128xf32>
    %get3A_9 = arith.constant 0 : index
    %get3A_10 = arith.constant 0 : index
    %get3A_11 = vector.load %arg2[%get3A_9, %get3A_10] : memref<128x128xf32, #tpu.memory_space<vmem>>, vector<128x128xf32>
    %dot_general3A = arith.constant dense<0.000000e+00> : vector<1000x128xf32>
    %dot_general3A_12 = tpu.matmul %add3A, %get3A_11, %dot_general3A {dimension_numbers = #tpu.dot_dimension_numbers<[1], [0], [0], [1], [0, 0, 1, 1], [], []>, transpose_lhs_hint = false} : vector<1000x128xf32>, vector<128x128xf32>, vector<1000x128xf32> -> vector<1000x128xf32>
    %get3A_13 = arith.constant 0 : index
    %get3A_14 = arith.constant 0 : index
    %get3A_15 = vector.load %arg3[%get3A_13, %get3A_14] : memref<1x128xf32, #tpu.memory_space<vmem>>, vector<1x128xf32>
    %add3A_16 = vector.broadcast %get3A_15 : vector<1x128xf32> to vector<1000x128xf32>
    %add3A_17 = arith.addf %dot_general3A_12, %add3A_16 : vector<1000x128xf32>
    %swap3A = arith.constant 0 : index
    %swap3A_18 = arith.constant 0 : index
    %swap3A_19 = vector.load %arg4[%swap3A, %swap3A_18] : memref<1000x128xf32, #tpu.memory_space<vmem>>, vector<1000x128xf32>
    tpu.vector_store %arg4[%swap3A, %swap3A_18], %add3A_17 {strides = array<i32>} : memref<1000x128xf32, #tpu.memory_space<vmem>>, vector<1000x128xf32>,
    return
  }
  func.func @transform_0(%arg0: i32) -> (i32, i32, i32) {
    %c0_i32 = arith.constant 0 : i32
    %c0_i32_0 = arith.constant 0 : i32
    %c0_i32_1 = arith.constant 0 : i32
    return %c0_i32, %arg0, %c0_i32_0 : i32, i32, i32
  }
  func.func @transform_1(%arg0: i32) -> (i32, i32) {
    %c0_i32 = arith.constant 0 : i32
    %c0_i32_0 = arith.constant 0 : i32
    %c0_i32_1 = arith.constant 0 : i32
    return %c0_i32, %c0_i32_0 : i32, i32
  }
  func.func @transform_2(%arg0: i32) -> (i32, i32) {
    %c0_i32 = arith.constant 0 : i32
    %c0_i32_0 = arith.constant 0 : i32
    %c0_i32_1 = arith.constant 0 : i32
    return %c0_i32, %c0_i32_0 : i32, i32
  }
  func.func @transform_3(%arg0: i32) -> (i32, i32) {
    %c0_i32 = arith.constant 0 : i32
    %c0_i32_0 = arith.constant 0 : i32
    return %arg0, %c0_i32 : i32, i32
  }
}

</mosaic_0001>

<sc_bundles>
// kernel: kernel.11.cloned.1.call-start
scs
__scs_entry_jumppad:
0x0: {  	(pc) =	sbr.rel $0x88, $3  }
0x1: {  	(tag) =	ssettag $0x0;
	lr =	simm.s32 $0x1  }
0x2: {  	[smem:$0x3F99] =	sst lr;
	_ =	strace $0xD0000000  }
0x3: {  	_ = 	snop  }
0x4: {  	_ = 	snop  }
0x5: {  	_ = 	snop  }
0x6: {  	_ = 	snop  }
0x7: {  	_ = 	snop  }
__scs_overlays_trampoline_lowered:
0x8: {  	[smem:$0x3FA8] =	sst s0  }
0x9: {  	[smem:$0x3FA9] =	sst s1  }
0xa: {  	[smem:$0x3FAA] =	sst s2  }
0xb: {  	[smem:$0x3FAB] =	sst s3  }
0xc: {  	[smem:$0x3FAC] =	sst s4  }
0xd: {  	[smem:$0x3FAD] =	sst s5  }
0xe: {  	[smem:$0x3FAE] =	sst s6  }
0xf: {  	[smem:$0x3FAF] =	sst s7  }
0x10: {  	[smem:$0x3FB0] =	sst s8  }
0x11: {  	[smem:$0x3FB1] =	sst s9;
	s0 =	simm.s32 @!p0 $0x0  }
0x12: {  	s1 =	sld [smem:$0x3F97];
	s0 =	simm.s32 @p0 $0x1  }
0x13: {  	[smem:$0x3FB2] =	sst s0;
	s0 =	simm.s32 @!p1 $0x0  }
0x14: {  	s2 =	sld [smem:$0x3F96];
	s0 =	simm.s32 @p1 $0x1  }
0x15: {  	[smem:$0x3FB3] =	sst s0;
	s0 =	simm.s32 @!p2 $0x0  }
0x16: {  	s3 =	sld [smem:$0x3FDB];
	s0 =	simm.s32 @p2 $0x1  }
0x17: {  	s4 =	simm.s32 $0x1BF5;
	[smem:$0x3FB5] =	sst s0  }
0x18: {  	s0 =	sld [smem:$0x3F98];
	_ =	swait.ge [sflag:s4], $0x0  }
0x19: {  	s7 =	sld [smem:$0x3F99]  }
0x1a: {  	s8 =	sadd.s32 $0xFFFFE003, lr  }
0x1b: {  	s9 =	sadd.s32 $0xFFFFFEF7, lr;
	s5 =	simm.s32 $0xFFFFFFFF;
	p2 =	slt.u32 s8, $0xFFFFF086  }
0x1c: {  	p1 =	slt.u32 s9, $0xF7A;
	s5 =	simm.s32 @!p2 $0x0  }
0x1d: {  	s5 =	simm.s32 @p1 $0x1;
	p0 =	seq.s32 s7, s2  }
0x1e: {  	s7 =	smul.u32 @!p0 $0xF7A, s2;
	p2 =	seq.s32 @!p0 s5, $0x0  }
0x1f: {  	s9 =	smul.u32 $0xF7A, s1;
	s8 =	simm.s32 @!p0 $0x1BF5;
	p2 =	por !p2, p0  }
0x20: {  	[sflag:s8] =	ssyncset.s32 @!p0 $0xFFFFF086;
	s6 =	sadd.s32 @!p0 s3, s7;
	s7 =	simm.s32 @!p0 $0x108  }
0x21: {  	s3 =	sadd.s32 s3, s9;
	s6 =	sadd.s32 @!p0 $0x88, s6;
	s7 =	simm.s32 @p2 $0x1082  }
0x22: {  	[simem:s7], [sflag:s8] =	dma.local @!p0 [hbm:s6], $0xF7A  }
0x23: {  	s9 =	sor.u32 $0xD0000000, s2;
	s6 =	simm.s32 $0x108;
	_ =	swait.ge @!p0 [sflag:s8], $0x0  }
0x24: {  	s3 =	sadd.s32 $0x88, s3;
	s6 =	simm.s32 @!p1 $0x1082;
	[sflag:s4] =	ssyncset.s32 $0xFFFFF086  }
0x25: {  	[simem:s6], [sflag:s4] =	dma.local [hbm:s3], $0xF7A  }
0x26: {  	[smem:$0x3F99] =	sst s1;
	(tag) =	ssettag s2;
	_ =	strace s9  }
0x27: {  	s1 =	sld [smem:$0x3FA9]  }
0x28: {  	s2 =	sld [smem:$0x3FAA]  }
0x29: {  	s4 =	sld [smem:$0x3FAC]  }
0x2a: {  	p0 =	seq.s32 s5, $0x0;
	s5 =	sld [smem:$0x3FAD]  }
0x2b: {  	s6 =	sld [smem:$0x3FAE]  }
0x2c: {  	s7 =	sld [smem:$0x3FAF]  }
0x2d: {  	s3 =	simm.s32 $0x108;
	s8 =	sld [smem:$0x3FB0]  }
0x2e: {  	s3 =	simm.s32 @!p0 $0x1082;
	s9 =	sld [smem:$0x3FB1]  }
0x2f: {  	lr =	sadd.s32 s0, s3;
	s0 =	sld [smem:$0x3FA8]  }
0x30: {  	s3 =	sld [smem:$0x3FAB]  }
0x31: {  	[smem:$0x3FB4] =	sst s10  }
0x32: {  	s10 =	sld [smem:$0x3FB2];
	_ =	sdelay $0x3  }
0x33: {  	p0 =	seq.s32 s10, $0x1;
	s10 =	sld [smem:$0x3FB4];
	_ =	sdelay $0x3  }
0x34: {  	[smem:$0x3FB4] =	sst s10  }
0x35: {  	s10 =	sld [smem:$0x3FB3];
	_ =	sdelay $0x3  }
0x36: {  	p1 =	seq.s32 s10, $0x1;
	s10 =	sld [smem:$0x3FB4];
	_ =	sdelay $0x3  }
0x37: {  	[smem:$0x3FB4] =	sst s10  }
0x38: {  	s10 =	sld [smem:$0x3FB5]  }
0x39: {  	_ = 	snop;
	(pc) =	sbr.ind lr, $3  }
0x3a: {  	_ = 	snop  }
0x3b: {  	_ = 	snop  }
0x3c: {  	p2 =	seq.s32 s10, $0x1;
	s10 =	sld [smem:$0x3FB4]  }
0x3d: {  	_ =	shalt  }
0x3e: {  	_ =	shalt  }
0x3f: {  	_ =	shalt  }
0x40: {  	_ =	shalt  }
0x41: {  	_ =	shalt  }
0x42: {  	_ =	shalt  }
0x43: {  	_ =	shalt  }
0x44: {  	_ =	shalt  }
0x45: {  	_ =	shalt  }
0x46: {  	_ =	shalt  }
0x47: {  	_ =	shalt  }
0x48: {  	_ =	shalt  }
0x49: {  	_ =	shalt  }
0x4a: {  	_ =	shalt  }
0x4b: {  	_ =	shalt  }
0x4c: {  	_ =	shalt  }
0x4d: {  	_ =	shalt  }
0x4e: {  	_ =	shalt  }
0x4f: {  	_ =	shalt  }
0x50: {  	_ =	shalt  }
0x51: {  	_ =	shalt  }
0x52: {  	_ =	shalt  }
0x53: {  	_ =	shalt  }
0x54: {  	_ =	shalt  }
0x55: {  	_ =	shalt  }
0x56: {  	_ =	shalt  }
0x57: {  	_ =	shalt  }
0x58: {  	_ =	shalt  }
0x59: {  	_ =	shalt  }
0x5a: {  	_ =	shalt  }
0x5b: {  	_ =	shalt  }
0x5c: {  	_ =	shalt  }
0x5d: {  	_ =	shalt  }
0x5e: {  	_ =	shalt  }
0x5f: {  	_ =	shalt  }
0x60: {  	_ =	shalt  }
0x61: {  	_ =	shalt  }
0x62: {  	_ =	shalt  }
0x63: {  	_ =	shalt  }
0x64: {  	_ =	shalt  }
0x65: {  	_ =	shalt  }
0x66: {  	_ =	shalt  }
0x67: {  	_ =	shalt  }
0x68: {  	_ =	shalt  }
0x69: {  	_ =	shalt  }
0x6a: {  	_ =	shalt  }
0x6b: {  	_ =	shalt  }
0x6c: {  	_ =	shalt  }
0x6d: {  	_ =	shalt  }
0x6e: {  	_ =	shalt  }
0x6f: {  	_ =	shalt  }
0x70: {  	_ =	shalt  }
0x71: {  	_ =	shalt  }
0x72: {  	_ =	shalt  }
0x73: {  	_ =	shalt  }
0x74: {  	_ =	shalt  }
0x75: {  	_ =	shalt  }
0x76: {  	_ =	shalt  }
0x77: {  	_ =	shalt  }
0x78: {  	_ =	shalt  }
0x79: {  	_ =	shalt  }
0x7a: {  	_ =	shalt  }
0x7b: {  	_ =	shalt  }
0x7c: {  	_ =	shalt  }
0x7d: {  	_ =	shalt  }
0x7e: {  	_ =	shalt  }
0x7f: {  	_ =	shalt  }
0x80: {  	_ =	shalt  }
0x81: {  	_ =	shalt  }
0x82: {  	_ =	shalt  }
0x83: {  	_ =	shalt  }
0x84: {  	_ =	shalt  }
0x85: {  	_ =	shalt  }
0x86: {  	_ =	shalt  }
0x87: {  	_ =	shalt  }
.Lfunc_end0:
.L_simem_size_0:
called_computation.1_lowered:
.L_overlay_start_0:
0x88: {  	s2 =	sld [smem:$0x3FD9]  }
0x89: {  	s3 =	sld [smem:$0x3FFE];
	_ =	sdelay $0x1  }
0x8a: {  	s1 =	srdreg.scid  }
0x8b: {  	s0 =	sand.u32 $0x1, s1  }
0x8c: {  	s16 =	sshll.u32 s0, $0xA;
	s2 =	sadd.s32 s3, s2  }
0x8d: {  	s2 =	sadd.s32 s2, s16  }
0x8e: {  	[smem:$0x3FC0] =	sst s2  }
0x8f: {  	_ = 	snop  }
0x90: {  	(tm) =	ssettm $0x1  }
0x91: {  	s17 =	sld [smem:$0x3FFB];
	_ =	sdelay $0x3  }
0x92: {  	_ =	strace s17  }
0x93: {  	s2 =	sld [smem:$0x3FFC];
	_ =	sdelay $0x3  }
0x94: {  	_ =	strace s2  }
0x95: {  	s2 =	sld [smem:$0x3FFD];
	_ =	sdelay $0x3  }
0x96: {  	_ =	strace s2  }
0x97: {  	_ =	strace $0x8FFFFFFF  }
0x98: {  	s18 =	sld [smem:$0x3FDB];
	_ =	sdelay $0x1  }
0x99: {  	s19 =	simm.s32 $_scs_section_size  }
0x9a: {  	s4 =	simm.s32 $_size__tile_overlayer_lowered;
	s5 =	simm.s32 $_tile_overlayer_lowered  }
0x9b: {  	s22 =	simm.s32 $0x1BFF;
	s21 =	sshll.u32 s5, $0x1;
	s2 =	sadd.s32 s19, s18  }
0x9c: {  	s6 =	simm.s32 $0x0;
	s20 =	sshll.u32 s4, $0x1;
	s4 =	sadd.s32 s21, s2  }
0x9d: {  	[timem:s6], [sflag:s22] =	dma.local [hbm:s4], s20  }
0x9e: {  	_ =	swait.ge [sflag:s22], s20  }
0x9f: {  	s3 =	ssub.s32 $0x0, s20;
	[sflag:s22] =	ssyncset.done $0x0  }
0xa0: {  	[sflag:s22] =	ssyncadd.s32 s3;
	_ =	sdelay $0x1  }
0xa1: {  	s23 =	simm.s32 $0x1B8B  }
0xa2: {  	_ =	swait.ge [sflag:s23], $0x1  }
0xa3: {  	[sflag:s23] =	ssyncset.done $0x0  }
0xa4: {  	s25 =	simm.s32 $0x1B8E;
	s24 =	sld [smem:$0x3FFE];
	[sflag:s23] =	ssyncadd.s32 $0xFFFFFFFF  }
0xa5: {  	s26 =	simm.s32 $execute0_lowered;
	[smem:$0x3FD2] =	sst s25  }
0xa6: {  	s4 =	sshll.u32 s26, $0x1;
	_ =	strace $0x80000049;
	[dreg:$0x1] =	wrdreg $0xFFFFFFFF  }
0xa7: {  	s28 =	simm.s32 $_size_execute0_lowered;
	s2 =	sadd.s32 s2, s4;
	[dreg:$0x0] =	wrdreg $0x0  }
0xa8: {  	s4 =	sshll.u32 s28, $0x1;
	[dreg:$0x2] =	wrdreg s2  }
0xa9: {  	[dreg:$0x3] =	wrdreg s4  }
0xaa: {  	[dreg:$0x4] =	wrdreg $0xC0  }
0xab: {  	_ =	task [dreg:s6], $0x5FFFF  }
0xac: {  	[dreg:$0x1] =	wrdreg $0xFFFFFFFF  }
0xad: {  	[dreg:$0x0] =	wrdreg $0x60  }
0xae: {  	[dreg:$0x2] =	wrdreg s24  }
0xaf: {  	[dreg:$0x3] =	wrdreg $0xC3000  }
0xb0: {  	[dreg:$0x4] =	wrdreg $0x9  }
0xb1: {  	_ =	task.clear_ibuf [dreg:s6], $0x5FFFF;
	_ =	strace $0x90000049  }
0xb2: {  	s29 =	simm.s32 $0x9;
	_ =	strace $0x8000004B  }
0xb3: {  	_ =	swait.ge [sflag:s29], $0x1  }
0xb4: {  	[sflag:s29] =	ssyncadd.s32 $0xFFFFFFFF  }
0xb5: {  	_ =	strace $0x9000004B  }
0xb6: {  	_ =	sfence  }
0xb7: {  	s30 =	sld [smem:$0x0];
	_ =	sdelay $0x2  }
0xb8: {  	s31 =	sshll.u32 s1, $0xD;
	s1 =	sshrl.u32 s1, $0x2  }
0xb9: {  	s3 =	sand.u32 $0x4000, s31;
	s1 =	sadd.s32 s1, s30  }
0xba: {  	s0 =	sor.u32 s3, s0;
	s1 =	sshll.u32 s1, $0x11  }
0xbb: {  	s0 =	sor.u32 s1, s0  }
0xbc: {  	s0 =	sadd.s32 $0x8F2B, s0  }
0xbd: {  	[sflag:s0] =	ssyncadd.remote.s32 $0x1  }
0xbe: {  	_ =	sfence.sel $0xFFFF  }
0xbf: {  	[dreg:$0x0] =	wrdreg $0xFFFFFFFF;
	(pc) =	sbr.abs _section_cstart, $3  }
0xc0: {  	[dreg:$0x1] =	wrdreg $0xFFFFFFFF  }
0xc1: {  	_ =	task.clear_ibuf [dreg:s6], $0x2FFFF;
	_ =	strace $0x9FFFFFFF  }
0xc2: {  	(tm) =	ssettm $0x7FFFFFFF  }
0xc3: {  	_ =	shalt  }
tec
execute0_lowered:
.L_overlay_start_1:
0x0: {  	(tag) =	ssettag $0x1  }
0x1: {  	s0 =	rddreg [dreg:$0x0]  }
0x2: {  	s1 =	rddreg [dreg:$0x1]  }
0x3: {  	s2 =	simm.s32 $0x0;
	s6 =	srdreg.scid;
	s13 =	stileid.u32  }
0x4: {  	s28 =	simm.s32 $0x2;
	s29 =	simm.s32 $0x4300;
	s30 =	simm.s32 $0x3  }
0x5: {  	s31 =	simm.s32 $0x8300;
	[smem:$0x7FF] =	sst s2;
	s3 =	sadd.s32 $0x1A00, s0  }
0x6: {  	s4 =	sadd.s32 $0x28C00, s0;
	s5 =	sadd.s32 $0x33000, s0;
	s8 =	smul.u32 $0x4E000, s13  }
0x7: {  	s14 =	sadd.s32 $0x3D400, s0;
	s6 =	sand.u32 $0x1, s6;
	s10 =	smul.u32 $0x2700, s13  }
0x8: {  	s0 =	sadd.s32 $0x64600, s0;
	s23 =	sadd.s32 $0x138000, s1;
	s16 =	smul.u32 $0x13800, s13  }
0x9: {  	p1 =	seq.s32 s13, $0xF;
	p2 =	sne.s32 s13, $0xF;
	_ =	strace $0x8000004A  }
0xa: {  	s7 =	sshll.u32 s6, $0x4;
	[dreg:$0x5] =	wrdreg s14;
	s26 =	smul.u32 $0x138800, s6  }
0xb: {  	s9 =	ssub.s32 $0x2, s6;
	[dreg:$0x8] =	wrdreg s23;
	s21 =	smul.u32 $0x5100, s6  }
0xc: {  	s23 =	smul.u32 $0x510, s13;
	p0 =	sne.s32 s6, $0x0;
	s6 =	simm.s32 $0x6  }
0xd: {  	s7 =	sor.u32 s13, s7;
	s11 =	sshrl.u32 s9, $0x1;
	s8 =	sshrl.u32 s8, $0x2  }
0xe: {  	s22 =	sadd.s32 s14, s10;
	s24 =	sadd.s32 s3, s10;
	s10 =	simm.s32 $0xA  }
0xf: {  	s13 =	simm.s32 $0x0;
	s12 =	smul.u32 $0x510, s7;
	s9 =	ssub.s32 s9, s11  }
0x10: {  	s8 =	sadd.s32 s8, s1;
	s7 =	smul.u32 $0x2880, s7;
	[dreg:$0x7] =	wrdreg s22  }
0x11: {  	[dreg:$0x9] =	wrdreg s24;
	s20 =	sadd.s32 s16, s26;
	s24 =	sshrl.u32 s26, $0x3  }
0x12: {  	s11 =	simm.s32 $0xB;
	[dreg:$0x6] =	wrdreg s8;
	s22 =	sshrl.u32 s20, $0x3  }
0x13: {  	s26 =	smax.u32 s9, $0x1;
	s20 =	simm.s32 $0x180;
	s9 =	simm.s32 $0x8  }
0x14: {  	s25 =	sadd.s32 s4, s12;
	s7 =	sshrl.u32 s7, $0x3;
	[dreg:$0x12] =	wrdreg s26  }
0x15: {  	s14 =	sadd.s32 s5, s12;
	[dreg:$0xa] =	wrdreg s25;
	s15 =	sadd.s32 $0x10, s7  }
0x16: {  	s26 =	simm.s32 $0x300;
	[dreg:$0xb] =	wrdreg s14;
	s17 =	sadd.s32 s4, s15  }
0x17: {  	s7 =	sadd.s32 $0x20, s7;
	s18 =	sadd.s32 s5, s15;
	[dreg:$0xc] =	wrdreg s17  }
0x18: {  	s12 =	simm.s32 $0xC;
	s19 =	sadd.s32 s4, s7;
	[dreg:$0xd] =	wrdreg s18  }
0x19: {  	s7 =	sadd.s32 s5, s7;
	s4 =	sadd.s32 s21, s4;
	[dreg:$0xe] =	wrdreg s19  }
0x1a: {  	s5 =	sadd.s32 s21, s5;
	s21 =	simm.s32 $0x80;
	[dreg:$0xf] =	wrdreg s7  }
0x1b: {  	s7 =	sadd.s32 s0, s22;
	s0 =	sadd.s32 s0, s24;
	s4 =	sadd.s32 s23, s4  }
0x1c: {  	s25 =	sadd.s32 s23, s5;
	s19 =	simm.s32 $0xD;
	s22 =	simm.s32 $0x200  }
0x1d: {  	s23 =	simm.s32 $0x100;
	s24 =	simm.s32 $0x280;
	[dreg:$0x10] =	wrdreg s7  }
0x1e: {  	s5 =	simm.s32 $0x5;
	s0 =	sadd.s32 $0x27000, s0;
	[dreg:$0x3] =	wrdreg s4  }
0x1f: {  	[dreg:$0x4] =	wrdreg s25;
	s25 =	simm.s32 $0x1;
	s7 =	simm.s32 $0x4  }
0x20: {  	s4 =	simm.s32 $0x9;
	[dreg:$0x11] =	wrdreg s0;
	s0 =	simm.s32 $0x7  }
.LBB2_1:
.Ltmp0:
0x21: {  	(pc) =	sbr.rel @p0 .LBB2_3-.Ltmp0, $4  }
0x22: {  	_ = 	snop  }
0x23: {  	s8 =	stileid.u32  }
0x24: {  	s18 =	rddreg [dreg:$0x6];
	s14 =	sshll.u32 s8, $0x6  }
0x25: {  	s15 =	sshrl.u32 s18, $0x3;
	s16 =	sor.u32 $0x1C0D, s14  }
0x26: {  	s16 =	sor.u32 $0x1C0D, s14;
	s8 =	rddreg [dreg:$0x9]  }
0x27: {  	[spmem:s15], [sflag:s16] =	dma.local [hbm:s8], $0x2700  }
.Ltmp1:
0x28: {  	_ = 	snop;
	(pc) =	sbr.rel @p1 .LBB2_4-.Ltmp1, $4  }
.Ltmp2:
0x29: {  	_ = 	snop;
	(pc) =	sbr.rel @!p1 .LBB2_5-.Ltmp2, $4  }
0x2a: {  	_ =	swait.ge [sflag:s19], $0x2700  }
0x2b: {  	[sflag:s19] =	ssyncset.done $0x0  }
0x2c: {  	s17 =	smov.u32 s3;
	[sflag:s19] =	ssyncadd.s32 $0xFFFFD900  }
0x2d: {  	_ = 	snop  }
.LBB2_3:
.Ltmp3:
0x2e: {  	s8 =	rddreg [dreg:$0x7];
	(pc) =	sbr.rel @p2 .LBB2_5-.Ltmp3, $4  }
0x2f: {  	[spmem:s15], [sflag:s16] =	dma.local [hbm:s8], $0x2700  }
0x30: {  	_ =	swait.ge [sflag:s19], $0x2700  }
0x31: {  	[sflag:s19] =	ssyncset.done $0x0  }
0x32: {  	s17 =	rddreg [dreg:$0x5];
	[sflag:s19] =	ssyncadd.s32 $0xFFFFD900  }
.LBB2_4:
0x33: {  	s8 =	rddreg [dreg:$0x8]  }
0x34: {  	s17 =	sadd.s32 $0x27000, s17;
	s18 =	sshrl.u32 s8, $0x3  }
0x35: {  	[spmem:s18], [sflag:s16] =	dma.local [hbm:s17], $0x100  }
0x36: {  	_ =	swait.ge [sflag:s19], $0x100  }
0x37: {  	[sflag:s19] =	ssyncset.done $0x0  }
0x38: {  	[sflag:s19] =	ssyncadd.s32 $0xFFFFFF00  }
.LBB2_5:
0x39: {  	[bflag:$0x0] =	sbarrier.arrive $0xFFFF  }
0x3a: {  	s16 =	simm.s32 $0x0;
	s8 =	rddreg [dreg:$0xa]  }
0x3b: {  	[tilespmem:s16], [sflag:$0x1] =	stream.linear.gather [hbm4b:s8+s16], $0x80, $0x38;
	[tilespmem:$0x1FB80] =	vst v63  }
0x3c: {  	s17 =	rddreg [dreg:$0xb]  }
0x3d: {  	[tilespmem:s20], [sflag:$0x4] =	stream.linear.gather [hbm4b:s17+s16], $0x80, $0x38;
	[tilespmem:$0x1FB80] =	vst v63  }
0x3e: {  	s18 =	rddreg [dreg:$0xc]  }
0x3f: {  	[tilespmem:s21], [sflag:$0x2] =	stream.linear.gather [hbm4b:s18+s16], $0x80, $0x38;
	[tilespmem:$0x1FB80] =	vst v63  }
0x40: {  	s17 =	rddreg [dreg:$0xd]  }
0x41: {  	[tilespmem:s22], [sflag:$0x5] =	stream.linear.gather [hbm4b:s17+s16], $0x80, $0x38;
	[tilespmem:$0x1FB80] =	vst v63  }
0x42: {  	s18 =	rddreg [dreg:$0xe]  }
0x43: {  	[tilespmem:s23], [sflag:$0x3] =	stream.linear.gather [hbm4b:s18+s16], $0x80, $0x38;
	[tilespmem:$0x1FB80] =	vst v63  }
0x44: {  	s17 =	rddreg [dreg:$0xf]  }
0x45: {  	[tilespmem:s24], [sflag:$0x6] =	stream.linear.gather [hbm4b:s17+s16], $0x80, $0x38;
	[tilespmem:$0x1FB80] =	vst v63  }
0x46: {  	_ =	swait.ge [sflag:s25], $0x80  }
0x47: {  	[sflag:s25] =	ssyncset.done $0x0  }
0x48: {  	[sflag:s25] =	ssyncadd.s32 $0xFFFFFF80  }
0x49: {  	[tilespmem:s26], [sflag:$0x7] =	stream.indirect.gather [hbm4b:s3+s21], $0x80, s16, s21, $0xb8;
	[tilespmem:$0x1FB80] =	vst v63  }
0x4a: {  	_ =	swait.ge [sflag:s28], $0x80  }
0x4b: {  	[sflag:s28] =	ssyncset.done $0x0  }
0x4c: {  	[sflag:s28] =	ssyncadd.s32 $0xFFFFFF80  }
0x4d: {  	[tilespmem:s29], [sflag:$0x8] =	stream.indirect.gather [hbm4b:s3+s21], $0x80, s21, s21, $0xb8;
	[tilespmem:$0x1FB80] =	vst v63  }
0x4e: {  	_ =	swait.ge [sflag:s30], $0x80  }
0x4f: {  	[sflag:s30] =	ssyncset.done $0x0  }
0x50: {  	[sflag:s30] =	ssyncadd.s32 $0xFFFFFF80  }
0x51: {  	[tilespmem:s31], [sflag:$0x9] =	stream.indirect.gather [hbm4b:s3+s21], $0x80, s23, s21, $0xb8;
	[tilespmem:$0x1FB80] =	vst v63  }
0x52: {  	_ =	swait.ge [sflag:s0], $0x4000  }
0x53: {  	[sflag:s0] =	ssyncset.done $0x0  }
0x54: {  	[sflag:s0] =	ssyncadd.s32 $0xFFFFC000  }
0x55: {  	_ =	swait.ge [sflag:s7], $0x80  }
0x56: {  	[sflag:s7] =	ssyncset.done $0x0;
	s18 =	rddreg [dreg:$0x3]  }
0x57: {  	[sflag:s7] =	ssyncadd.s32 $0xFFFFFF80;
	s16 =	sadd.s32 $0x0, s18  }
0x58: {  	[spmem:s1] =	stream.indirect.scatter.add.f32 [tilespmem:s26], [sflag:$0xA], $0x80, s20, s21, $0xb8;
	[tilespmem:$0x1FB80] =	vst v63  }
0x59: {  	s17 =	sadd.s32 $0x30, s16  }
0x5a: {  	[tilespmem:s2], [sflag:$0x1] =	stream.linear.gather [hbm4b:s17+s2], $0x80, $0x38;
	[tilespmem:$0x1FB80] =	vst v63  }
0x5b: {  	_ =	swait.ge [sflag:s9], $0x4000  }
0x5c: {  	[sflag:s9] =	ssyncset.done $0x0  }
0x5d: {  	[sflag:s9] =	ssyncadd.s32 $0xFFFFC000  }
0x5e: {  	_ =	swait.ge [sflag:s5], $0x80  }
0x5f: {  	[sflag:s5] =	ssyncset.done $0x0  }
0x60: {  	[sflag:s5] =	ssyncadd.s32 $0xFFFFFF80  }
0x61: {  	[spmem:s1] =	stream.indirect.scatter.add.f32 [tilespmem:s29], [sflag:$0xB], $0x80, s22, s21, $0xb8;
	[tilespmem:$0x1FB80] =	vst v63  }
0x62: {  	s8 =	sadd.s32 $0x40, s16  }
0x63: {  	[tilespmem:s21], [sflag:$0x2] =	stream.linear.gather [hbm4b:s8+s2], $0x80, $0x38;
	[tilespmem:$0x1FB80] =	vst v63  }
0x64: {  	_ =	swait.ge [sflag:s4], $0x4000  }
0x65: {  	[sflag:s4] =	ssyncset.done $0x0  }
0x66: {  	[sflag:s4] =	ssyncadd.s32 $0xFFFFC000  }
0x67: {  	_ =	swait.ge [sflag:s6], $0x80  }
0x68: {  	[sflag:s6] =	ssyncset.done $0x0  }
0x69: {  	[sflag:s6] =	ssyncadd.s32 $0xFFFFFF80  }
0x6a: {  	[spmem:s1] =	stream.indirect.scatter.add.f32 [tilespmem:s31], [sflag:$0xC], $0x80, s24, s21, $0xb8;
	[tilespmem:$0x1FB80] =	vst v63  }
0x6b: {  	s16 =	sadd.s32 $0x50, s16  }
0x6c: {  	[tilespmem:s23], [sflag:$0x3] =	stream.linear.gather [hbm4b:s16+s2], $0x80, $0x38;
	[tilespmem:$0x1FB80] =	vst v63  }
0x6d: {  	_ =	swait.ge [sflag:s10], $0x4000  }
0x6e: {  	s18 =	rddreg [dreg:$0x4]  }
0x6f: {  	[sflag:s10] =	ssyncset.done $0x0;
	s16 =	sadd.s32 $0x0, s18  }
0x70: {  	[sflag:s10] =	ssyncadd.s32 $0xFFFFC000;
	s8 =	sadd.s32 $0x30, s16  }
0x71: {  	[tilespmem:s20], [sflag:$0x4] =	stream.linear.gather [hbm4b:s8+s2], $0x80, $0x38;
	[tilespmem:$0x1FB80] =	vst v63  }
0x72: {  	_ =	swait.ge [sflag:s25], $0x80  }
0x73: {  	[sflag:s25] =	ssyncset.done $0x0  }
0x74: {  	[sflag:s25] =	ssyncadd.s32 $0xFFFFFF80  }
0x75: {  	[tilespmem:s26], [sflag:$0x7] =	stream.indirect.gather [hbm4b:s3+s21], $0x80, s2, s21, $0xb8;
	[tilespmem:$0x1FB80] =	vst v63  }
0x76: {  	_ =	swait.ge [sflag:s11], $0x4000  }
0x77: {  	[sflag:s11] =	ssyncset.done $0x0  }
0x78: {  	s18 =	sadd.s32 $0x40, s16;
	[sflag:s11] =	ssyncadd.s32 $0xFFFFC000  }
0x79: {  	[tilespmem:s22], [sflag:$0x5] =	stream.linear.gather [hbm4b:s18+s2], $0x80, $0x38;
	[tilespmem:$0x1FB80] =	vst v63  }
0x7a: {  	_ =	swait.ge [sflag:s28], $0x80  }
0x7b: {  	[sflag:s28] =	ssyncset.done $0x0  }
0x7c: {  	[sflag:s28] =	ssyncadd.s32 $0xFFFFFF80  }
0x7d: {  	[tilespmem:s29], [sflag:$0x8] =	stream.indirect.gather [hbm4b:s3+s21], $0x80, s21, s21, $0xb8;
	[tilespmem:$0x1FB80] =	vst v63  }
0x7e: {  	_ =	swait.ge [sflag:s12], $0x4000  }
0x7f: {  	[sflag:s12] =	ssyncset.done $0x0  }
0x80: {  	s16 =	sadd.s32 $0x50, s16;
	[sflag:s12] =	ssyncadd.s32 $0xFFFFC000  }
0x81: {  	[tilespmem:s24], [sflag:$0x6] =	stream.linear.gather [hbm4b:s16+s2], $0x80, $0x38;
	[tilespmem:$0x1FB80] =	vst v63  }
0x82: {  	_ =	swait.ge [sflag:s30], $0x80  }
0x83: {  	s16 =	simm.s32 $0x30;
	[sflag:s30] =	ssyncset.done $0x0  }
.LBB2_6:
0x84: {  	[sflag:s30] =	ssyncadd.s32 $0xFFFFFF80  }
0x85: {  	[tilespmem:s31], [sflag:$0x9] =	stream.indirect.gather [hbm4b:s3+s21], $0x80, s23, s21, $0xb8;
	[tilespmem:$0x1FB80] =	vst v63  }
0x86: {  	_ =	swait.ge [sflag:s0], $0x4000  }
0x87: {  	[sflag:s0] =	ssyncset.done $0x0  }
0x88: {  	[sflag:s0] =	ssyncadd.s32 $0xFFFFC000  }
0x89: {  	_ =	swait.ge [sflag:s7], $0x80  }
0x8a: {  	s17 =	smov.u32 s16;
	[sflag:s7] =	ssyncset.done $0x0;
	s18 =	rddreg [dreg:$0x3]  }
0x8b: {  	[sflag:s7] =	ssyncadd.s32 $0xFFFFFF80;
	s18 =	sadd.s32 s17, s18  }
0x8c: {  	[spmem:s1] =	stream.indirect.scatter.add.f32 [tilespmem:s26], [sflag:$0xA], $0x80, s20, s21, $0xb8;
	[tilespmem:$0x1FB80] =	vst v63  }
0x8d: {  	s8 =	sadd.s32 $0x30, s18  }
0x8e: {  	[tilespmem:s2], [sflag:$0x1] =	stream.linear.gather [hbm4b:s8+s2], $0x80, $0x38;
	[tilespmem:$0x1FB80] =	vst v63  }
0x8f: {  	_ =	swait.ge [sflag:s9], $0x4000  }
0x90: {  	[sflag:s9] =	ssyncset.done $0x0  }
0x91: {  	[sflag:s9] =	ssyncadd.s32 $0xFFFFC000  }
0x92: {  	_ =	swait.ge [sflag:s5], $0x80  }
0x93: {  	[sflag:s5] =	ssyncset.done $0x0  }
0x94: {  	[sflag:s5] =	ssyncadd.s32 $0xFFFFFF80  }
0x95: {  	[spmem:s1] =	stream.indirect.scatter.add.f32 [tilespmem:s29], [sflag:$0xB], $0x80, s22, s21, $0xb8;
	[tilespmem:$0x1FB80] =	vst v63  }
0x96: {  	s8 =	sadd.s32 $0x40, s18  }
0x97: {  	[tilespmem:s21], [sflag:$0x2] =	stream.linear.gather [hbm4b:s8+s2], $0x80, $0x38;
	[tilespmem:$0x1FB80] =	vst v63  }
0x98: {  	_ =	swait.ge [sflag:s4], $0x4000  }
0x99: {  	[sflag:s4] =	ssyncset.done $0x0  }
0x9a: {  	[sflag:s4] =	ssyncadd.s32 $0xFFFFC000  }
0x9b: {  	_ =	swait.ge [sflag:s6], $0x80  }
0x9c: {  	[sflag:s6] =	ssyncset.done $0x0  }
0x9d: {  	[sflag:s6] =	ssyncadd.s32 $0xFFFFFF80  }
0x9e: {  	[spmem:s1] =	stream.indirect.scatter.add.f32 [tilespmem:s31], [sflag:$0xC], $0x80, s24, s21, $0xb8;
	[tilespmem:$0x1FB80] =	vst v63  }
0x9f: {  	s18 =	sadd.s32 $0x50, s18  }
0xa0: {  	[tilespmem:s23], [sflag:$0x3] =	stream.linear.gather [hbm4b:s18+s2], $0x80, $0x38;
	[tilespmem:$0x1FB80] =	vst v63  }
0xa1: {  	_ =	swait.ge [sflag:s10], $0x4000  }
0xa2: {  	s18 =	rddreg [dreg:$0x4]  }
0xa3: {  	[sflag:s10] =	ssyncset.done $0x0;
	s8 =	sadd.s32 s17, s18  }
0xa4: {  	[sflag:s10] =	ssyncadd.s32 $0xFFFFC000;
	s17 =	sadd.s32 $0x30, s8  }
0xa5: {  	[tilespmem:s20], [sflag:$0x4] =	stream.linear.gather [hbm4b:s17+s2], $0x80, $0x38;
	[tilespmem:$0x1FB80] =	vst v63  }
0xa6: {  	_ =	swait.ge [sflag:s25], $0x80  }
0xa7: {  	[sflag:s25] =	ssyncset.done $0x0  }
0xa8: {  	[sflag:s25] =	ssyncadd.s32 $0xFFFFFF80  }
0xa9: {  	[tilespmem:s26], [sflag:$0x7] =	stream.indirect.gather [hbm4b:s3+s21], $0x80, s2, s21, $0xb8;
	[tilespmem:$0x1FB80] =	vst v63  }
0xaa: {  	_ =	swait.ge [sflag:s11], $0x4000  }
0xab: {  	[sflag:s11] =	ssyncset.done $0x0  }
0xac: {  	s18 =	sadd.s32 $0x40, s8;
	[sflag:s11] =	ssyncadd.s32 $0xFFFFC000  }
0xad: {  	[tilespmem:s22], [sflag:$0x5] =	stream.linear.gather [hbm4b:s18+s2], $0x80, $0x38;
	[tilespmem:$0x1FB80] =	vst v63  }
0xae: {  	_ =	swait.ge [sflag:s28], $0x80  }
0xaf: {  	[sflag:s28] =	ssyncset.done $0x0  }
0xb0: {  	[sflag:s28] =	ssyncadd.s32 $0xFFFFFF80  }
0xb1: {  	[tilespmem:s29], [sflag:$0x8] =	stream.indirect.gather [hbm4b:s3+s21], $0x80, s21, s21, $0xb8;
	[tilespmem:$0x1FB80] =	vst v63  }
0xb2: {  	p3 =	sne.s32 s16, $0x4E0;
	_ =	swait.ge [sflag:s12], $0x4000  }
.Ltmp4:
0xb3: {  	[sflag:s12] =	ssyncset.done $0x0;
	(pc) =	sbr.rel @p3 .LBB2_6-.Ltmp4, $4  }
0xb4: {  	s8 =	sadd.s32 $0x50, s8;
	[sflag:s12] =	ssyncadd.s32 $0xFFFFC000  }
0xb5: {  	[tilespmem:s24], [sflag:$0x6] =	stream.linear.gather [hbm4b:s8+s2], $0x80, $0x38;
	[tilespmem:$0x1FB80] =	vst v63  }
0xb6: {  	_ =	swait.ge [sflag:s30], $0x80  }
0xb7: {  	s16 =	sadd.s32 $0x30, s16;
	[sflag:s30] =	ssyncset.done $0x0  }
0xb8: {  	[sflag:s30] =	ssyncadd.s32 $0xFFFFFF80  }
0xb9: {  	[tilespmem:s31], [sflag:$0x9] =	stream.indirect.gather [hbm4b:s3+s21], $0x80, s23, s21, $0xb8;
	[tilespmem:$0x1FB80] =	vst v63  }
0xba: {  	_ =	swait.ge [sflag:s0], $0x4000  }
0xbb: {  	[sflag:s0] =	ssyncset.done $0x0  }
0xbc: {  	[sflag:s0] =	ssyncadd.s32 $0xFFFFC000  }
0xbd: {  	_ =	swait.ge [sflag:s7], $0x80  }
0xbe: {  	[sflag:s7] =	ssyncset.done $0x0  }
0xbf: {  	[sflag:s7] =	ssyncadd.s32 $0xFFFFFF80  }
0xc0: {  	_ =	swait.ge [sflag:s9], $0x4000  }
0xc1: {  	[sflag:s9] =	ssyncset.done $0x0  }
0xc2: {  	[sflag:s9] =	ssyncadd.s32 $0xFFFFC000  }
0xc3: {  	_ =	swait.ge [sflag:s5], $0x80  }
0xc4: {  	[sflag:s5] =	ssyncset.done $0x0  }
0xc5: {  	[sflag:s5] =	ssyncadd.s32 $0xFFFFFF80  }
0xc6: {  	_ =	swait.ge [sflag:s4], $0x4000  }
0xc7: {  	[sflag:s4] =	ssyncset.done $0x0  }
0xc8: {  	[sflag:s4] =	ssyncadd.s32 $0xFFFFC000  }
0xc9: {  	_ =	swait.ge [sflag:s6], $0x80  }
0xca: {  	[sflag:s6] =	ssyncset.done $0x0  }
0xcb: {  	[sflag:s6] =	ssyncadd.s32 $0xFFFFFF80  }
0xcc: {  	[bflag:$0x0] =	sbarrier.arrive $0xFFFF  }
0xcd: {  	s8 =	sor.u32 $0x1C0D, s14;
	s17 =	rddreg [dreg:$0x10]  }
0xce: {  	[hbm:s17], [sflag:s8] =	dma.local [spmem:s15], $0x2700  }
0xcf: {  	_ =	swait.ge [sflag:s19], $0x2700  }
0xd0: {  	[sflag:s19] =	ssyncset.done $0x0;
	s14 =	rddreg [dreg:$0x8]  }
0xd1: {  	s15 =	rddreg [dreg:$0x11];
	[sflag:s19] =	ssyncadd.s32 $0xFFFFD900;
	s14 =	sshrl.u32 @!p2 s14, $0x3  }
0xd2: {  	[hbm:s15], [sflag:s8] =	dma.local @!p2 [spmem:s14], $0x100  }
0xd3: {  	s8 =	simm.s32 @!p2 $0xD  }
0xd4: {  	_ =	swait.ge @!p2 [sflag:s8], $0x100  }
0xd5: {  	s13 =	sadd.s32 $0x1, s13;
	s18 =	rddreg [dreg:$0x12]  }
0xd6: {  	p3 =	sne.s32 s13, s18  }
.Ltmp5:
0xd7: {  	_ = 	snop;
	(pc) =	sbr.rel @p3 .LBB2_1-.Ltmp5, $3  }
0xd8: {  	_ =	sdelay $0x1  }
0xd9: {  	[sflag:s8] =	ssyncset.done @!p2 $0x0  }
0xda: {  	[sflag:s8] =	ssyncadd.s32 @!p2 $0xFFFFFF00  }
0xdb: {  	_ =	sfence.sel $0x180000  }
0xdc: {  	[bflag:$0x0] =	sbarrier.arrive $0xFFFF  }
0xdd: {  	_ =	strace $0x9000004A  }
0xde: {  	s0 =	stileid.u32;
	[bflag:$0x2] =	sbarrier.arrive $0xFFFF  }
0xdf: {  	p0 =	sne.s32 s0, $0x0;
	s0 =	rddreg [dreg:$0x2]  }
0xe0: {  	s0 =	sadd.s32 @!p0 $0x100000, s0  }
0xe1: {  	[sflag:s0] =	ssyncadd.tile.s32 @!p0 $0x1;
	_ =	shalt  }
.Lfunc_end2:
_tile_overlayer_lowered:
.L_overlay_start_2:
0xe2: {  	(tag) =	ssettag $0x2  }
0xe3: {  	s0 =	rddreg [dreg:$0x0];
	s2 =	stileid.u32  }
0xe4: {  	s1 =	rddreg [dreg:$0x1];
	p0 =	sne.s32 s2, $0x0  }
0xe5: {  	s3 =	rddreg [dreg:$0x2];
	[bflag:$0x3] =	sbarrier.arrive $0xFFFF;
	s2 =	simm.s32 @!p0 $0x1C0D  }
0xe6: {  	[timem:s3], [sflag:s2] =	dma.local @!p0 [hbm:s0], s1  }
0xe7: {  	s0 =	simm.s32 @!p0 $0xD  }
0xe8: {  	_ =	swait.ge @!p0 [sflag:s0], s1  }
0xe9: {  	s1 =	ssub.s32 @!p0 $0x0, s1;
	[sflag:s0] =	ssyncset.done @!p0 $0x0  }
0xea: {  	[sflag:s0] =	ssyncadd.s32 @!p0 s1  }
0xeb: {  	[bflag:$0x3] =	sbarrier.arrive $0xFFFF  }
0xec: {  	_ =	shalt  }

// kernel: kernel.14.cloned.1.call-start
scs
__scs_entry_jumppad:
0x0: {  	(pc) =	sbr.rel $0x88, $3  }
0x1: {  	(tag) =	ssettag $0x0;
	lr =	simm.s32 $0x1  }
0x2: {  	[smem:$0x3F99] =	sst lr;
	_ =	strace $0xD0000000  }
0x3: {  	_ = 	snop  }
0x4: {  	_ = 	snop  }
0x5: {  	_ = 	snop  }
0x6: {  	_ = 	snop  }
0x7: {  	_ = 	snop  }
__scs_overlays_trampoline_lowered:
0x8: {  	[smem:$0x3FA8] =	sst s0  }
0x9: {  	[smem:$0x3FA9] =	sst s1  }
0xa: {  	[smem:$0x3FAA] =	sst s2  }
0xb: {  	[smem:$0x3FAB] =	sst s3  }
0xc: {  	[smem:$0x3FAC] =	sst s4  }
0xd: {  	[smem:$0x3FAD] =	sst s5  }
0xe: {  	[smem:$0x3FAE] =	sst s6  }
0xf: {  	[smem:$0x3FAF] =	sst s7  }
0x10: {  	[smem:$0x3FB0] =	sst s8  }
0x11: {  	[smem:$0x3FB1] =	sst s9;
	s0 =	simm.s32 @!p0 $0x0  }
0x12: {  	s1 =	sld [smem:$0x3F97];
	s0 =	simm.s32 @p0 $0x1  }
0x13: {  	[smem:$0x3FB2] =	sst s0;
	s0 =	simm.s32 @!p1 $0x0  }
0x14: {  	s2 =	sld [smem:$0x3F96];
	s0 =	simm.s32 @p1 $0x1  }
0x15: {  	[smem:$0x3FB3] =	sst s0;
	s0 =	simm.s32 @!p2 $0x0  }
0x16: {  	s3 =	sld [smem:$0x3FDB];
	s0 =	simm.s32 @p2 $0x1  }
0x17: {  	s4 =	simm.s32 $0x1BF5;
	[smem:$0x3FB5] =	sst s0  }
0x18: {  	s0 =	sld [smem:$0x3F98];
	_ =	swait.ge [sflag:s4], $0x0  }
0x19: {  	s7 =	sld [smem:$0x3F99]  }
0x1a: {  	s8 =	sadd.s32 $0xFFFFE003, lr  }
0x1b: {  	s9 =	sadd.s32 $0xFFFFFEF7, lr;
	s5 =	simm.s32 $0xFFFFFFFF;
	p2 =	slt.u32 s8, $0xFFFFF086  }
0x1c: {  	p1 =	slt.u32 s9, $0xF7A;
	s5 =	simm.s32 @!p2 $0x0  }
0x1d: {  	s5 =	simm.s32 @p1 $0x1;
	p0 =	seq.s32 s7, s2  }
0x1e: {  	s7 =	smul.u32 @!p0 $0xF7A, s2;
	p2 =	seq.s32 @!p0 s5, $0x0  }
0x1f: {  	s9 =	smul.u32 $0xF7A, s1;
	s8 =	simm.s32 @!p0 $0x1BF5;
	p2 =	por !p2, p0  }
0x20: {  	[sflag:s8] =	ssyncset.s32 @!p0 $0xFFFFF086;
	s6 =	sadd.s32 @!p0 s3, s7;
	s7 =	simm.s32 @!p0 $0x108  }
0x21: {  	s3 =	sadd.s32 s3, s9;
	s6 =	sadd.s32 @!p0 $0x88, s6;
	s7 =	simm.s32 @p2 $0x1082  }
0x22: {  	[simem:s7], [sflag:s8] =	dma.local @!p0 [hbm:s6], $0xF7A  }
0x23: {  	s9 =	sor.u32 $0xD0000000, s2;
	s6 =	simm.s32 $0x108;
	_ =	swait.ge @!p0 [sflag:s8], $0x0  }
0x24: {  	s3 =	sadd.s32 $0x88, s3;
	s6 =	simm.s32 @!p1 $0x1082;
	[sflag:s4] =	ssyncset.s32 $0xFFFFF086  }
0x25: {  	[simem:s6], [sflag:s4] =	dma.local [hbm:s3], $0xF7A  }
0x26: {  	[smem:$0x3F99] =	sst s1;
	(tag) =	ssettag s2;
	_ =	strace s9  }
0x27: {  	s1 =	sld [smem:$0x3FA9]  }
0x28: {  	s2 =	sld [smem:$0x3FAA]  }
0x29: {  	s4 =	sld [smem:$0x3FAC]  }
0x2a: {  	p0 =	seq.s32 s5, $0x0;
	s5 =	sld [smem:$0x3FAD]  }
0x2b: {  	s6 =	sld [smem:$0x3FAE]  }
0x2c: {  	s7 =	sld [smem:$0x3FAF]  }
0x2d: {  	s3 =	simm.s32 $0x108;
	s8 =	sld [smem:$0x3FB0]  }
0x2e: {  	s3 =	simm.s32 @!p0 $0x1082;
	s9 =	sld [smem:$0x3FB1]  }
0x2f: {  	lr =	sadd.s32 s0, s3;
	s0 =	sld [smem:$0x3FA8]  }
0x30: {  	s3 =	sld [smem:$0x3FAB]  }
0x31: {  	[smem:$0x3FB4] =	sst s10  }
0x32: {  	s10 =	sld [smem:$0x3FB2];
	_ =	sdelay $0x3  }
0x33: {  	p0 =	seq.s32 s10, $0x1;
	s10 =	sld [smem:$0x3FB4];
	_ =	sdelay $0x3  }
0x34: {  	[smem:$0x3FB4] =	sst s10  }
0x35: {  	s10 =	sld [smem:$0x3FB3];
	_ =	sdelay $0x3  }
0x36: {  	p1 =	seq.s32 s10, $0x1;
	s10 =	sld [smem:$0x3FB4];
	_ =	sdelay $0x3  }
0x37: {  	[smem:$0x3FB4] =	sst s10  }
0x38: {  	s10 =	sld [smem:$0x3FB5]  }
0x39: {  	_ = 	snop;
	(pc) =	sbr.ind lr, $3  }
0x3a: {  	_ = 	snop  }
0x3b: {  	_ = 	snop  }
0x3c: {  	p2 =	seq.s32 s10, $0x1;
	s10 =	sld [smem:$0x3FB4]  }
0x3d: {  	_ =	shalt  }
0x3e: {  	_ =	shalt  }
0x3f: {  	_ =	shalt  }
0x40: {  	_ =	shalt  }
0x41: {  	_ =	shalt  }
0x42: {  	_ =	shalt  }
0x43: {  	_ =	shalt  }
0x44: {  	_ =	shalt  }
0x45: {  	_ =	shalt  }
0x46: {  	_ =	shalt  }
0x47: {  	_ =	shalt  }
0x48: {  	_ =	shalt  }
0x49: {  	_ =	shalt  }
0x4a: {  	_ =	shalt  }
0x4b: {  	_ =	shalt  }
0x4c: {  	_ =	shalt  }
0x4d: {  	_ =	shalt  }
0x4e: {  	_ =	shalt  }
0x4f: {  	_ =	shalt  }
0x50: {  	_ =	shalt  }
0x51: {  	_ =	shalt  }
0x52: {  	_ =	shalt  }
0x53: {  	_ =	shalt  }
0x54: {  	_ =	shalt  }
0x55: {  	_ =	shalt  }
0x56: {  	_ =	shalt  }
0x57: {  	_ =	shalt  }
0x58: {  	_ =	shalt  }
0x59: {  	_ =	shalt  }
0x5a: {  	_ =	shalt  }
0x5b: {  	_ =	shalt  }
0x5c: {  	_ =	shalt  }
0x5d: {  	_ =	shalt  }
0x5e: {  	_ =	shalt  }
0x5f: {  	_ =	shalt  }
0x60: {  	_ =	shalt  }
0x61: {  	_ =	shalt  }
0x62: {  	_ =	shalt  }
0x63: {  	_ =	shalt  }
0x64: {  	_ =	shalt  }
0x65: {  	_ =	shalt  }
0x66: {  	_ =	shalt  }
0x67: {  	_ =	shalt  }
0x68: {  	_ =	shalt  }
0x69: {  	_ =	shalt  }
0x6a: {  	_ =	shalt  }
0x6b: {  	_ =	shalt  }
0x6c: {  	_ =	shalt  }
0x6d: {  	_ =	shalt  }
0x6e: {  	_ =	shalt  }
0x6f: {  	_ =	shalt  }
0x70: {  	_ =	shalt  }
0x71: {  	_ =	shalt  }
0x72: {  	_ =	shalt  }
0x73: {  	_ =	shalt  }
0x74: {  	_ =	shalt  }
0x75: {  	_ =	shalt  }
0x76: {  	_ =	shalt  }
0x77: {  	_ =	shalt  }
0x78: {  	_ =	shalt  }
0x79: {  	_ =	shalt  }
0x7a: {  	_ =	shalt  }
0x7b: {  	_ =	shalt  }
0x7c: {  	_ =	shalt  }
0x7d: {  	_ =	shalt  }
0x7e: {  	_ =	shalt  }
0x7f: {  	_ =	shalt  }
0x80: {  	_ =	shalt  }
0x81: {  	_ =	shalt  }
0x82: {  	_ =	shalt  }
0x83: {  	_ =	shalt  }
0x84: {  	_ =	shalt  }
0x85: {  	_ =	shalt  }
0x86: {  	_ =	shalt  }
0x87: {  	_ =	shalt  }
.Lfunc_end0:
.L_simem_size_0:
called_computation.2_lowered:
.L_overlay_start_0:
0x88: {  	s2 =	sld [smem:$0x3FD9]  }
0x89: {  	s3 =	sld [smem:$0x3FFE];
	_ =	sdelay $0x1  }
0x8a: {  	s1 =	srdreg.scid  }
0x8b: {  	s0 =	sand.u32 $0x1, s1  }
0x8c: {  	s16 =	sshll.u32 s0, $0xA;
	s2 =	sadd.s32 s3, s2  }
0x8d: {  	s2 =	sadd.s32 s2, s16  }
0x8e: {  	[smem:$0x3FC0] =	sst s2  }
0x8f: {  	_ = 	snop  }
0x90: {  	(tm) =	ssettm $0x1  }
0x91: {  	s17 =	sld [smem:$0x3FFB];
	_ =	sdelay $0x3  }
0x92: {  	_ =	strace s17  }
0x93: {  	s2 =	sld [smem:$0x3FFC];
	_ =	sdelay $0x3  }
0x94: {  	_ =	strace s2  }
0x95: {  	s2 =	sld [smem:$0x3FFD];
	_ =	sdelay $0x3  }
0x96: {  	_ =	strace s2  }
0x97: {  	_ =	strace $0x8FFFFFFF  }
0x98: {  	s18 =	sld [smem:$0x3FDB];
	_ =	sdelay $0x1  }
0x99: {  	s19 =	simm.s32 $_scs_section_size  }
0x9a: {  	s4 =	simm.s32 $_size__tile_overlayer_lowered;
	s5 =	simm.s32 $_tile_overlayer_lowered  }
0x9b: {  	s22 =	simm.s32 $0x1BFF;
	s21 =	sshll.u32 s5, $0x1;
	s2 =	sadd.s32 s19, s18  }
0x9c: {  	s6 =	simm.s32 $0x0;
	s20 =	sshll.u32 s4, $0x1;
	s4 =	sadd.s32 s21, s2  }
0x9d: {  	[timem:s6], [sflag:s22] =	dma.local [hbm:s4], s20  }
0x9e: {  	_ =	swait.ge [sflag:s22], s20  }
0x9f: {  	s3 =	ssub.s32 $0x0, s20;
	[sflag:s22] =	ssyncset.done $0x0  }
0xa0: {  	[sflag:s22] =	ssyncadd.s32 s3;
	_ =	sdelay $0x1  }
0xa1: {  	s23 =	simm.s32 $0x1B8B  }
0xa2: {  	_ =	swait.ge [sflag:s23], $0x1  }
0xa3: {  	[sflag:s23] =	ssyncset.done $0x0  }
0xa4: {  	s25 =	simm.s32 $0x1B8E;
	s24 =	sld [smem:$0x3FFE];
	[sflag:s23] =	ssyncadd.s32 $0xFFFFFFFF  }
0xa5: {  	s26 =	simm.s32 $execute0_lowered;
	[smem:$0x3FD2] =	sst s25  }
0xa6: {  	s4 =	sshll.u32 s26, $0x1;
	_ =	strace $0x8000004C;
	[dreg:$0x1] =	wrdreg $0xFFFFFFFF  }
0xa7: {  	s28 =	simm.s32 $_size_execute0_lowered;
	s2 =	sadd.s32 s2, s4;
	[dreg:$0x0] =	wrdreg $0x0  }
0xa8: {  	s4 =	sshll.u32 s28, $0x1;
	[dreg:$0x2] =	wrdreg s2  }
0xa9: {  	[dreg:$0x3] =	wrdreg s4  }
0xaa: {  	[dreg:$0x4] =	wrdreg $0xC0  }
0xab: {  	_ =	task [dreg:s6], $0x5FFFF  }
0xac: {  	[dreg:$0x1] =	wrdreg $0xFFFFFFFF  }
0xad: {  	[dreg:$0x0] =	wrdreg $0x60  }
0xae: {  	[dreg:$0x2] =	wrdreg s24  }
0xaf: {  	[dreg:$0x3] =	wrdreg $0xC3000  }
0xb0: {  	[dreg:$0x4] =	wrdreg $0x9  }
0xb1: {  	_ =	task.clear_ibuf [dreg:s6], $0x5FFFF;
	_ =	strace $0x9000004C  }
0xb2: {  	s29 =	simm.s32 $0x9;
	_ =	strace $0x8000004E  }
0xb3: {  	_ =	swait.ge [sflag:s29], $0x1  }
0xb4: {  	[sflag:s29] =	ssyncadd.s32 $0xFFFFFFFF  }
0xb5: {  	_ =	strace $0x9000004E  }
0xb6: {  	_ =	sfence  }
0xb7: {  	s30 =	sld [smem:$0x0];
	_ =	sdelay $0x2  }
0xb8: {  	s31 =	sshll.u32 s1, $0xD;
	s1 =	sshrl.u32 s1, $0x2  }
0xb9: {  	s3 =	sand.u32 $0x4000, s31;
	s1 =	sadd.s32 s1, s30  }
0xba: {  	s0 =	sor.u32 s3, s0;
	s1 =	sshll.u32 s1, $0x11  }
0xbb: {  	s0 =	sor.u32 s1, s0  }
0xbc: {  	s0 =	sadd.s32 $0x8F2B, s0  }
0xbd: {  	[sflag:s0] =	ssyncadd.remote.s32 $0x1  }
0xbe: {  	_ =	sfence.sel $0xFFFF  }
0xbf: {  	[dreg:$0x0] =	wrdreg $0xFFFFFFFF;
	(pc) =	sbr.abs _section_cstart, $3  }
0xc0: {  	[dreg:$0x1] =	wrdreg $0xFFFFFFFF  }
0xc1: {  	_ =	task.clear_ibuf [dreg:s6], $0x2FFFF;
	_ =	strace $0x9FFFFFFF  }
0xc2: {  	(tm) =	ssettm $0x7FFFFFFF  }
0xc3: {  	_ =	shalt  }
tec
execute0_lowered:
.L_overlay_start_1:
0x0: {  	(tag) =	ssettag $0x1  }
0x1: {  	s0 =	rddreg [dreg:$0x0]  }
0x2: {  	s1 =	rddreg [dreg:$0x1]  }
0x3: {  	s2 =	simm.s32 $0x0;
	s6 =	srdreg.scid;
	s13 =	stileid.u32  }
0x4: {  	s28 =	simm.s32 $0x2;
	s29 =	simm.s32 $0x4300;
	s30 =	simm.s32 $0x3  }
0x5: {  	s31 =	simm.s32 $0x8300;
	[smem:$0x7FF] =	sst s2;
	s3 =	sadd.s32 $0x1A00, s0  }
0x6: {  	s4 =	sadd.s32 $0x28C00, s0;
	s5 =	sadd.s32 $0x33000, s0;
	s8 =	smul.u32 $0x4E000, s13  }
0x7: {  	s14 =	sadd.s32 $0x3D400, s0;
	s6 =	sand.u32 $0x1, s6;
	s10 =	smul.u32 $0x2700, s13  }
0x8: {  	s0 =	sadd.s32 $0x64600, s0;
	s23 =	sadd.s32 $0x138000, s1;
	s16 =	smul.u32 $0x13800, s13  }
0x9: {  	p1 =	seq.s32 s13, $0xF;
	p2 =	sne.s32 s13, $0xF;
	_ =	strace $0x8000004D  }
0xa: {  	s7 =	sshll.u32 s6, $0x4;
	[dreg:$0x5] =	wrdreg s14;
	s26 =	smul.u32 $0x138800, s6  }
0xb: {  	s9 =	ssub.s32 $0x2, s6;
	[dreg:$0x8] =	wrdreg s23;
	s21 =	smul.u32 $0x5100, s6  }
0xc: {  	s23 =	smul.u32 $0x510, s13;
	p0 =	sne.s32 s6, $0x0;
	s6 =	simm.s32 $0x6  }
0xd: {  	s7 =	sor.u32 s13, s7;
	s11 =	sshrl.u32 s9, $0x1;
	s8 =	sshrl.u32 s8, $0x2  }
0xe: {  	s22 =	sadd.s32 s14, s10;
	s24 =	sadd.s32 s3, s10;
	s10 =	simm.s32 $0xA  }
0xf: {  	s13 =	simm.s32 $0x0;
	s12 =	smul.u32 $0x510, s7;
	s9 =	ssub.s32 s9, s11  }
0x10: {  	s8 =	sadd.s32 s8, s1;
	s7 =	smul.u32 $0x2880, s7;
	[dreg:$0x7] =	wrdreg s22  }
0x11: {  	[dreg:$0x9] =	wrdreg s24;
	s20 =	sadd.s32 s16, s26;
	s24 =	sshrl.u32 s26, $0x3  }
0x12: {  	s11 =	simm.s32 $0xB;
	[dreg:$0x6] =	wrdreg s8;
	s22 =	sshrl.u32 s20, $0x3  }
0x13: {  	s26 =	smax.u32 s9, $0x1;
	s20 =	simm.s32 $0x180;
	s9 =	simm.s32 $0x8  }
0x14: {  	s25 =	sadd.s32 s4, s12;
	s7 =	sshrl.u32 s7, $0x3;
	[dreg:$0x12] =	wrdreg s26  }
0x15: {  	s14 =	sadd.s32 s5, s12;
	[dreg:$0xa] =	wrdreg s25;
	s15 =	sadd.s32 $0x10, s7  }
0x16: {  	s26 =	simm.s32 $0x300;
	[dreg:$0xb] =	wrdreg s14;
	s17 =	sadd.s32 s4, s15  }
0x17: {  	s7 =	sadd.s32 $0x20, s7;
	s18 =	sadd.s32 s5, s15;
	[dreg:$0xc] =	wrdreg s17  }
0x18: {  	s12 =	simm.s32 $0xC;
	s19 =	sadd.s32 s4, s7;
	[dreg:$0xd] =	wrdreg s18  }
0x19: {  	s7 =	sadd.s32 s5, s7;
	s4 =	sadd.s32 s21, s4;
	[dreg:$0xe] =	wrdreg s19  }
0x1a: {  	s5 =	sadd.s32 s21, s5;
	s21 =	simm.s32 $0x80;
	[dreg:$0xf] =	wrdreg s7  }
0x1b: {  	s7 =	sadd.s32 s0, s22;
	s0 =	sadd.s32 s0, s24;
	s4 =	sadd.s32 s23, s4  }
0x1c: {  	s25 =	sadd.s32 s23, s5;
	s19 =	simm.s32 $0xD;
	s22 =	simm.s32 $0x200  }
0x1d: {  	s23 =	simm.s32 $0x100;
	s24 =	simm.s32 $0x280;
	[dreg:$0x10] =	wrdreg s7  }
0x1e: {  	s5 =	simm.s32 $0x5;
	s0 =	sadd.s32 $0x27000, s0;
	[dreg:$0x3] =	wrdreg s4  }
0x1f: {  	[dreg:$0x4] =	wrdreg s25;
	s25 =	simm.s32 $0x1;
	s7 =	simm.s32 $0x4  }
0x20: {  	s4 =	simm.s32 $0x9;
	[dreg:$0x11] =	wrdreg s0;
	s0 =	simm.s32 $0x7  }
.LBB2_1:
.Ltmp0:
0x21: {  	(pc) =	sbr.rel @p0 .LBB2_3-.Ltmp0, $4  }
0x22: {  	_ = 	snop  }
0x23: {  	s8 =	stileid.u32  }
0x24: {  	s18 =	rddreg [dreg:$0x6];
	s14 =	sshll.u32 s8, $0x6  }
0x25: {  	s15 =	sshrl.u32 s18, $0x3;
	s16 =	sor.u32 $0x1C0D, s14  }
0x26: {  	s16 =	sor.u32 $0x1C0D, s14;
	s8 =	rddreg [dreg:$0x9]  }
0x27: {  	[spmem:s15], [sflag:s16] =	dma.local [hbm:s8], $0x2700  }
.Ltmp1:
0x28: {  	_ = 	snop;
	(pc) =	sbr.rel @p1 .LBB2_4-.Ltmp1, $4  }
.Ltmp2:
0x29: {  	_ = 	snop;
	(pc) =	sbr.rel @!p1 .LBB2_5-.Ltmp2, $4  }
0x2a: {  	_ =	swait.ge [sflag:s19], $0x2700  }
0x2b: {  	[sflag:s19] =	ssyncset.done $0x0  }
0x2c: {  	s17 =	smov.u32 s3;
	[sflag:s19] =	ssyncadd.s32 $0xFFFFD900  }
0x2d: {  	_ = 	snop  }
.LBB2_3:
.Ltmp3:
0x2e: {  	s8 =	rddreg [dreg:$0x7];
	(pc) =	sbr.rel @p2 .LBB2_5-.Ltmp3, $4  }
0x2f: {  	[spmem:s15], [sflag:s16] =	dma.local [hbm:s8], $0x2700  }
0x30: {  	_ =	swait.ge [sflag:s19], $0x2700  }
0x31: {  	[sflag:s19] =	ssyncset.done $0x0  }
0x32: {  	s17 =	rddreg [dreg:$0x5];
	[sflag:s19] =	ssyncadd.s32 $0xFFFFD900  }
.LBB2_4:
0x33: {  	s8 =	rddreg [dreg:$0x8]  }
0x34: {  	s17 =	sadd.s32 $0x27000, s17;
	s18 =	sshrl.u32 s8, $0x3  }
0x35: {  	[spmem:s18], [sflag:s16] =	dma.local [hbm:s17], $0x100  }
0x36: {  	_ =	swait.ge [sflag:s19], $0x100  }
0x37: {  	[sflag:s19] =	ssyncset.done $0x0  }
0x38: {  	[sflag:s19] =	ssyncadd.s32 $0xFFFFFF00  }
.LBB2_5:
0x39: {  	[bflag:$0x0] =	sbarrier.arrive $0xFFFF  }
0x3a: {  	s16 =	simm.s32 $0x0;
	s8 =	rddreg [dreg:$0xa]  }
0x3b: {  	[tilespmem:s16], [sflag:$0x1] =	stream.linear.gather [hbm4b:s8+s16], $0x80, $0x38;
	[tilespmem:$0x1FB80] =	vst v63  }
0x3c: {  	s17 =	rddreg [dreg:$0xb]  }
0x3d: {  	[tilespmem:s20], [sflag:$0x4] =	stream.linear.gather [hbm4b:s17+s16], $0x80, $0x38;
	[tilespmem:$0x1FB80] =	vst v63  }
0x3e: {  	s18 =	rddreg [dreg:$0xc]  }
0x3f: {  	[tilespmem:s21], [sflag:$0x2] =	stream.linear.gather [hbm4b:s18+s16], $0x80, $0x38;
	[tilespmem:$0x1FB80] =	vst v63  }
0x40: {  	s17 =	rddreg [dreg:$0xd]  }
0x41: {  	[tilespmem:s22], [sflag:$0x5] =	stream.linear.gather [hbm4b:s17+s16], $0x80, $0x38;
	[tilespmem:$0x1FB80] =	vst v63  }
0x42: {  	s18 =	rddreg [dreg:$0xe]  }
0x43: {  	[tilespmem:s23], [sflag:$0x3] =	stream.linear.gather [hbm4b:s18+s16], $0x80, $0x38;
	[tilespmem:$0x1FB80] =	vst v63  }
0x44: {  	s17 =	rddreg [dreg:$0xf]  }
0x45: {  	[tilespmem:s24], [sflag:$0x6] =	stream.linear.gather [hbm4b:s17+s16], $0x80, $0x38;
	[tilespmem:$0x1FB80] =	vst v63  }
0x46: {  	_ =	swait.ge [sflag:s25], $0x80  }
0x47: {  	[sflag:s25] =	ssyncset.done $0x0  }
0x48: {  	[sflag:s25] =	ssyncadd.s32 $0xFFFFFF80  }
0x49: {  	[tilespmem:s26], [sflag:$0x7] =	stream.indirect.gather [hbm4b:s3+s21], $0x80, s16, s21, $0xb8;
	[tilespmem:$0x1FB80] =	vst v63  }
0x4a: {  	_ =	swait.ge [sflag:s28], $0x80  }
0x4b: {  	[sflag:s28] =	ssyncset.done $0x0  }
0x4c: {  	[sflag:s28] =	ssyncadd.s32 $0xFFFFFF80  }
0x4d: {  	[tilespmem:s29], [sflag:$0x8] =	stream.indirect.gather [hbm4b:s3+s21], $0x80, s21, s21, $0xb8;
	[tilespmem:$0x1FB80] =	vst v63  }
0x4e: {  	_ =	swait.ge [sflag:s30], $0x80  }
0x4f: {  	[sflag:s30] =	ssyncset.done $0x0  }
0x50: {  	[sflag:s30] =	ssyncadd.s32 $0xFFFFFF80  }
0x51: {  	[tilespmem:s31], [sflag:$0x9] =	stream.indirect.gather [hbm4b:s3+s21], $0x80, s23, s21, $0xb8;
	[tilespmem:$0x1FB80] =	vst v63  }
0x52: {  	_ =	swait.ge [sflag:s0], $0x4000  }
0x53: {  	[sflag:s0] =	ssyncset.done $0x0  }
0x54: {  	[sflag:s0] =	ssyncadd.s32 $0xFFFFC000  }
0x55: {  	_ =	swait.ge [sflag:s7], $0x80  }
0x56: {  	[sflag:s7] =	ssyncset.done $0x0;
	s18 =	rddreg [dreg:$0x3]  }
0x57: {  	[sflag:s7] =	ssyncadd.s32 $0xFFFFFF80;
	s16 =	sadd.s32 $0x0, s18  }
0x58: {  	[spmem:s1] =	stream.indirect.scatter.add.f32 [tilespmem:s26], [sflag:$0xA], $0x80, s20, s21, $0xb8;
	[tilespmem:$0x1FB80] =	vst v63  }
0x59: {  	s17 =	sadd.s32 $0x30, s16  }
0x5a: {  	[tilespmem:s2], [sflag:$0x1] =	stream.linear.gather [hbm4b:s17+s2], $0x80, $0x38;
	[tilespmem:$0x1FB80] =	vst v63  }
0x5b: {  	_ =	swait.ge [sflag:s9], $0x4000  }
0x5c: {  	[sflag:s9] =	ssyncset.done $0x0  }
0x5d: {  	[sflag:s9] =	ssyncadd.s32 $0xFFFFC000  }
0x5e: {  	_ =	swait.ge [sflag:s5], $0x80  }
0x5f: {  	[sflag:s5] =	ssyncset.done $0x0  }
0x60: {  	[sflag:s5] =	ssyncadd.s32 $0xFFFFFF80  }
0x61: {  	[spmem:s1] =	stream.indirect.scatter.add.f32 [tilespmem:s29], [sflag:$0xB], $0x80, s22, s21, $0xb8;
	[tilespmem:$0x1FB80] =	vst v63  }
0x62: {  	s8 =	sadd.s32 $0x40, s16  }
0x63: {  	[tilespmem:s21], [sflag:$0x2] =	stream.linear.gather [hbm4b:s8+s2], $0x80, $0x38;
	[tilespmem:$0x1FB80] =	vst v63  }
0x64: {  	_ =	swait.ge [sflag:s4], $0x4000  }
0x65: {  	[sflag:s4] =	ssyncset.done $0x0  }
0x66: {  	[sflag:s4] =	ssyncadd.s32 $0xFFFFC000  }
0x67: {  	_ =	swait.ge [sflag:s6], $0x80  }
0x68: {  	[sflag:s6] =	ssyncset.done $0x0  }
0x69: {  	[sflag:s6] =	ssyncadd.s32 $0xFFFFFF80  }
0x6a: {  	[spmem:s1] =	stream.indirect.scatter.add.f32 [tilespmem:s31], [sflag:$0xC], $0x80, s24, s21, $0xb8;
	[tilespmem:$0x1FB80] =	vst v63  }
0x6b: {  	s16 =	sadd.s32 $0x50, s16  }
0x6c: {  	[tilespmem:s23], [sflag:$0x3] =	stream.linear.gather [hbm4b:s16+s2], $0x80, $0x38;
	[tilespmem:$0x1FB80] =	vst v63  }
0x6d: {  	_ =	swait.ge [sflag:s10], $0x4000  }
0x6e: {  	s18 =	rddreg [dreg:$0x4]  }
0x6f: {  	[sflag:s10] =	ssyncset.done $0x0;
	s16 =	sadd.s32 $0x0, s18  }
0x70: {  	[sflag:s10] =	ssyncadd.s32 $0xFFFFC000;
	s8 =	sadd.s32 $0x30, s16  }
0x71: {  	[tilespmem:s20], [sflag:$0x4] =	stream.linear.gather [hbm4b:s8+s2], $0x80, $0x38;
	[tilespmem:$0x1FB80] =	vst v63  }
0x72: {  	_ =	swait.ge [sflag:s25], $0x80  }
0x73: {  	[sflag:s25] =	ssyncset.done $0x0  }
0x74: {  	[sflag:s25] =	ssyncadd.s32 $0xFFFFFF80  }
0x75: {  	[tilespmem:s26], [sflag:$0x7] =	stream.indirect.gather [hbm4b:s3+s21], $0x80, s2, s21, $0xb8;
	[tilespmem:$0x1FB80] =	vst v63  }
0x76: {  	_ =	swait.ge [sflag:s11], $0x4000  }
0x77: {  	[sflag:s11] =	ssyncset.done $0x0  }
0x78: {  	s18 =	sadd.s32 $0x40, s16;
	[sflag:s11] =	ssyncadd.s32 $0xFFFFC000  }
0x79: {  	[tilespmem:s22], [sflag:$0x5] =	stream.linear.gather [hbm4b:s18+s2], $0x80, $0x38;
	[tilespmem:$0x1FB80] =	vst v63  }
0x7a: {  	_ =	swait.ge [sflag:s28], $0x80  }
0x7b: {  	[sflag:s28] =	ssyncset.done $0x0  }
0x7c: {  	[sflag:s28] =	ssyncadd.s32 $0xFFFFFF80  }
0x7d: {  	[tilespmem:s29], [sflag:$0x8] =	stream.indirect.gather [hbm4b:s3+s21], $0x80, s21, s21, $0xb8;
	[tilespmem:$0x1FB80] =	vst v63  }
0x7e: {  	_ =	swait.ge [sflag:s12], $0x4000  }
0x7f: {  	[sflag:s12] =	ssyncset.done $0x0  }
0x80: {  	s16 =	sadd.s32 $0x50, s16;
	[sflag:s12] =	ssyncadd.s32 $0xFFFFC000  }
0x81: {  	[tilespmem:s24], [sflag:$0x6] =	stream.linear.gather [hbm4b:s16+s2], $0x80, $0x38;
	[tilespmem:$0x1FB80] =	vst v63  }
0x82: {  	_ =	swait.ge [sflag:s30], $0x80  }
0x83: {  	s16 =	simm.s32 $0x30;
	[sflag:s30] =	ssyncset.done $0x0  }
.LBB2_6:
0x84: {  	[sflag:s30] =	ssyncadd.s32 $0xFFFFFF80  }
0x85: {  	[tilespmem:s31], [sflag:$0x9] =	stream.indirect.gather [hbm4b:s3+s21], $0x80, s23, s21, $0xb8;
	[tilespmem:$0x1FB80] =	vst v63  }
0x86: {  	_ =	swait.ge [sflag:s0], $0x4000  }
0x87: {  	[sflag:s0] =	ssyncset.done $0x0  }
0x88: {  	[sflag:s0] =	ssyncadd.s32 $0xFFFFC000  }
0x89: {  	_ =	swait.ge [sflag:s7], $0x80  }
0x8a: {  	s17 =	smov.u32 s16;
	[sflag:s7] =	ssyncset.done $0x0;
	s18 =	rddreg [dreg:$0x3]  }
0x8b: {  	[sflag:s7] =	ssyncadd.s32 $0xFFFFFF80;
	s18 =	sadd.s32 s17, s18  }
0x8c: {  	[spmem:s1] =	stream.indirect.scatter.add.f32 [tilespmem:s26], [sflag:$0xA], $0x80, s20, s21, $0xb8;
	[tilespmem:$0x1FB80] =	vst v63  }
0x8d: {  	s8 =	sadd.s32 $0x30, s18  }
0x8e: {  	[tilespmem:s2], [sflag:$0x1] =	stream.linear.gather [hbm4b:s8+s2], $0x80, $0x38;
	[tilespmem:$0x1FB80] =	vst v63  }
0x8f: {  	_ =	swait.ge [sflag:s9], $0x4000  }
0x90: {  	[sflag:s9] =	ssyncset.done $0x0  }
0x91: {  	[sflag:s9] =	ssyncadd.s32 $0xFFFFC000  }
0x92: {  	_ =	swait.ge [sflag:s5], $0x80  }
0x93: {  	[sflag:s5] =	ssyncset.done $0x0  }
0x94: {  	[sflag:s5] =	ssyncadd.s32 $0xFFFFFF80  }
0x95: {  	[spmem:s1] =	stream.indirect.scatter.add.f32 [tilespmem:s29], [sflag:$0xB], $0x80, s22, s21, $0xb8;
	[tilespmem:$0x1FB80] =	vst v63  }
0x96: {  	s8 =	sadd.s32 $0x40, s18  }
0x97: {  	[tilespmem:s21], [sflag:$0x2] =	stream.linear.gather [hbm4b:s8+s2], $0x80, $0x38;
	[tilespmem:$0x1FB80] =	vst v63  }
0x98: {  	_ =	swait.ge [sflag:s4], $0x4000  }
0x99: {  	[sflag:s4] =	ssyncset.done $0x0  }
0x9a: {  	[sflag:s4] =	ssyncadd.s32 $0xFFFFC000  }
0x9b: {  	_ =	swait.ge [sflag:s6], $0x80  }
0x9c: {  	[sflag:s6] =	ssyncset.done $0x0  }
0x9d: {  	[sflag:s6] =	ssyncadd.s32 $0xFFFFFF80  }
0x9e: {  	[spmem:s1] =	stream.indirect.scatter.add.f32 [tilespmem:s31], [sflag:$0xC], $0x80, s24, s21, $0xb8;
	[tilespmem:$0x1FB80] =	vst v63  }
0x9f: {  	s18 =	sadd.s32 $0x50, s18  }
0xa0: {  	[tilespmem:s23], [sflag:$0x3] =	stream.linear.gather [hbm4b:s18+s2], $0x80, $0x38;
	[tilespmem:$0x1FB80] =	vst v63  }
0xa1: {  	_ =	swait.ge [sflag:s10], $0x4000  }
0xa2: {  	s18 =	rddreg [dreg:$0x4]  }
0xa3: {  	[sflag:s10] =	ssyncset.done $0x0;
	s8 =	sadd.s32 s17, s18  }
0xa4: {  	[sflag:s10] =	ssyncadd.s32 $0xFFFFC000;
	s17 =	sadd.s32 $0x30, s8  }
0xa5: {  	[tilespmem:s20], [sflag:$0x4] =	stream.linear.gather [hbm4b:s17+s2], $0x80, $0x38;
	[tilespmem:$0x1FB80] =	vst v63  }
0xa6: {  	_ =	swait.ge [sflag:s25], $0x80  }
0xa7: {  	[sflag:s25] =	ssyncset.done $0x0  }
0xa8: {  	[sflag:s25] =	ssyncadd.s32 $0xFFFFFF80  }
0xa9: {  	[tilespmem:s26], [sflag:$0x7] =	stream.indirect.gather [hbm4b:s3+s21], $0x80, s2, s21, $0xb8;
	[tilespmem:$0x1FB80] =	vst v63  }
0xaa: {  	_ =	swait.ge [sflag:s11], $0x4000  }
0xab: {  	[sflag:s11] =	ssyncset.done $0x0  }
0xac: {  	s18 =	sadd.s32 $0x40, s8;
	[sflag:s11] =	ssyncadd.s32 $0xFFFFC000  }
0xad: {  	[tilespmem:s22], [sflag:$0x5] =	stream.linear.gather [hbm4b:s18+s2], $0x80, $0x38;
	[tilespmem:$0x1FB80] =	vst v63  }
0xae: {  	_ =	swait.ge [sflag:s28], $0x80  }
0xaf: {  	[sflag:s28] =	ssyncset.done $0x0  }
0xb0: {  	[sflag:s28] =	ssyncadd.s32 $0xFFFFFF80  }
0xb1: {  	[tilespmem:s29], [sflag:$0x8] =	stream.indirect.gather [hbm4b:s3+s21], $0x80, s21, s21, $0xb8;
	[tilespmem:$0x1FB80] =	vst v63  }
0xb2: {  	p3 =	sne.s32 s16, $0x4E0;
	_ =	swait.ge [sflag:s12], $0x4000  }
.Ltmp4:
0xb3: {  	[sflag:s12] =	ssyncset.done $0x0;
	(pc) =	sbr.rel @p3 .LBB2_6-.Ltmp4, $4  }
0xb4: {  	s8 =	sadd.s32 $0x50, s8;
	[sflag:s12] =	ssyncadd.s32 $0xFFFFC000  }
0xb5: {  	[tilespmem:s24], [sflag:$0x6] =	stream.linear.gather [hbm4b:s8+s2], $0x80, $0x38;
	[tilespmem:$0x1FB80] =	vst v63  }
0xb6: {  	_ =	swait.ge [sflag:s30], $0x80  }
0xb7: {  	s16 =	sadd.s32 $0x30, s16;
	[sflag:s30] =	ssyncset.done $0x0  }
0xb8: {  	[sflag:s30] =	ssyncadd.s32 $0xFFFFFF80  }
0xb9: {  	[tilespmem:s31], [sflag:$0x9] =	stream.indirect.gather [hbm4b:s3+s21], $0x80, s23, s21, $0xb8;
	[tilespmem:$0x1FB80] =	vst v63  }
0xba: {  	_ =	swait.ge [sflag:s0], $0x4000  }
0xbb: {  	[sflag:s0] =	ssyncset.done $0x0  }
0xbc: {  	[sflag:s0] =	ssyncadd.s32 $0xFFFFC000  }
0xbd: {  	_ =	swait.ge [sflag:s7], $0x80  }
0xbe: {  	[sflag:s7] =	ssyncset.done $0x0  }
0xbf: {  	[sflag:s7] =	ssyncadd.s32 $0xFFFFFF80  }
0xc0: {  	_ =	swait.ge [sflag:s9], $0x4000  }
0xc1: {  	[sflag:s9] =	ssyncset.done $0x0  }
0xc2: {  	[sflag:s9] =	ssyncadd.s32 $0xFFFFC000  }
0xc3: {  	_ =	swait.ge [sflag:s5], $0x80  }
0xc4: {  	[sflag:s5] =	ssyncset.done $0x0  }
0xc5: {  	[sflag:s5] =	ssyncadd.s32 $0xFFFFFF80  }
0xc6: {  	_ =	swait.ge [sflag:s4], $0x4000  }
0xc7: {  	[sflag:s4] =	ssyncset.done $0x0  }
0xc8: {  	[sflag:s4] =	ssyncadd.s32 $0xFFFFC000  }
0xc9: {  	_ =	swait.ge [sflag:s6], $0x80  }
0xca: {  	[sflag:s6] =	ssyncset.done $0x0  }
0xcb: {  	[sflag:s6] =	ssyncadd.s32 $0xFFFFFF80  }
0xcc: {  	[bflag:$0x0] =	sbarrier.arrive $0xFFFF  }
0xcd: {  	s8 =	sor.u32 $0x1C0D, s14;
	s17 =	rddreg [dreg:$0x10]  }
0xce: {  	[hbm:s17], [sflag:s8] =	dma.local [spmem:s15], $0x2700  }
0xcf: {  	_ =	swait.ge [sflag:s19], $0x2700  }
0xd0: {  	[sflag:s19] =	ssyncset.done $0x0;
	s14 =	rddreg [dreg:$0x8]  }
0xd1: {  	s15 =	rddreg [dreg:$0x11];
	[sflag:s19] =	ssyncadd.s32 $0xFFFFD900;
	s14 =	sshrl.u32 @!p2 s14, $0x3  }
0xd2: {  	[hbm:s15], [sflag:s8] =	dma.local @!p2 [spmem:s14], $0x100  }
0xd3: {  	s8 =	simm.s32 @!p2 $0xD  }
0xd4: {  	_ =	swait.ge @!p2 [sflag:s8], $0x100  }
0xd5: {  	s13 =	sadd.s32 $0x1, s13;
	s18 =	rddreg [dreg:$0x12]  }
0xd6: {  	p3 =	sne.s32 s13, s18  }
.Ltmp5:
0xd7: {  	_ = 	snop;
	(pc) =	sbr.rel @p3 .LBB2_1-.Ltmp5, $3  }
0xd8: {  	_ =	sdelay $0x1  }
0xd9: {  	[sflag:s8] =	ssyncset.done @!p2 $0x0  }
0xda: {  	[sflag:s8] =	ssyncadd.s32 @!p2 $0xFFFFFF00  }
0xdb: {  	_ =	sfence.sel $0x180000  }
0xdc: {  	[bflag:$0x0] =	sbarrier.arrive $0xFFFF  }
0xdd: {  	_ =	strace $0x9000004D  }
0xde: {  	s0 =	stileid.u32;
	[bflag:$0x2] =	sbarrier.arrive $0xFFFF  }
0xdf: {  	p0 =	sne.s32 s0, $0x0;
	s0 =	rddreg [dreg:$0x2]  }
0xe0: {  	s0 =	sadd.s32 @!p0 $0x100000, s0  }
0xe1: {  	[sflag:s0] =	ssyncadd.tile.s32 @!p0 $0x1;
	_ =	shalt  }
.Lfunc_end2:
_tile_overlayer_lowered:
.L_overlay_start_2:
0xe2: {  	(tag) =	ssettag $0x2  }
0xe3: {  	s0 =	rddreg [dreg:$0x0];
	s2 =	stileid.u32  }
0xe4: {  	s1 =	rddreg [dreg:$0x1];
	p0 =	sne.s32 s2, $0x0  }
0xe5: {  	s3 =	rddreg [dreg:$0x2];
	[bflag:$0x3] =	sbarrier.arrive $0xFFFF;
	s2 =	simm.s32 @!p0 $0x1C0D  }
0xe6: {  	[timem:s3], [sflag:s2] =	dma.local @!p0 [hbm:s0], s1  }
0xe7: {  	s0 =	simm.s32 @!p0 $0xD  }
0xe8: {  	_ =	swait.ge @!p0 [sflag:s0], s1  }
0xe9: {  	s1 =	ssub.s32 @!p0 $0x0, s1;
	[sflag:s0] =	ssyncset.done @!p0 $0x0  }
0xea: {  	[sflag:s0] =	ssyncadd.s32 @!p0 s1  }
0xeb: {  	[bflag:$0x3] =	sbarrier.arrive $0xFFFF  }
0xec: {  	_ =	shalt  }

// kernel: kernel.8.cloned.1.call-start
scs
__scs_entry_jumppad:
0x0: {  	(pc) =	sbr.rel $0x88, $3  }
0x1: {  	(tag) =	ssettag $0x0;
	lr =	simm.s32 $0x1  }
0x2: {  	[smem:$0x3F99] =	sst lr;
	_ =	strace $0xD0000000  }
0x3: {  	_ = 	snop  }
0x4: {  	_ = 	snop  }
0x5: {  	_ = 	snop  }
0x6: {  	_ = 	snop  }
0x7: {  	_ = 	snop  }
__scs_overlays_trampoline_lowered:
0x8: {  	[smem:$0x3FA8] =	sst s0  }
0x9: {  	[smem:$0x3FA9] =	sst s1  }
0xa: {  	[smem:$0x3FAA] =	sst s2  }
0xb: {  	[smem:$0x3FAB] =	sst s3  }
0xc: {  	[smem:$0x3FAC] =	sst s4  }
0xd: {  	[smem:$0x3FAD] =	sst s5  }
0xe: {  	[smem:$0x3FAE] =	sst s6  }
0xf: {  	[smem:$0x3FAF] =	sst s7  }
0x10: {  	[smem:$0x3FB0] =	sst s8  }
0x11: {  	[smem:$0x3FB1] =	sst s9;
	s0 =	simm.s32 @!p0 $0x0  }
0x12: {  	s1 =	sld [smem:$0x3F97];
	s0 =	simm.s32 @p0 $0x1  }
0x13: {  	[smem:$0x3FB2] =	sst s0;
	s0 =	simm.s32 @!p1 $0x0  }
0x14: {  	s2 =	sld [smem:$0x3F96];
	s0 =	simm.s32 @p1 $0x1  }
0x15: {  	[smem:$0x3FB3] =	sst s0;
	s0 =	simm.s32 @!p2 $0x0  }
0x16: {  	s3 =	sld [smem:$0x3FDB];
	s0 =	simm.s32 @p2 $0x1  }
0x17: {  	s4 =	simm.s32 $0x1BF5;
	[smem:$0x3FB5] =	sst s0  }
0x18: {  	s0 =	sld [smem:$0x3F98];
	_ =	swait.ge [sflag:s4], $0x0  }
0x19: {  	s7 =	sld [smem:$0x3F99]  }
0x1a: {  	s8 =	sadd.s32 $0xFFFFE003, lr  }
0x1b: {  	s9 =	sadd.s32 $0xFFFFFEF7, lr;
	s5 =	simm.s32 $0xFFFFFFFF;
	p2 =	slt.u32 s8, $0xFFFFF086  }
0x1c: {  	p1 =	slt.u32 s9, $0xF7A;
	s5 =	simm.s32 @!p2 $0x0  }
0x1d: {  	s5 =	simm.s32 @p1 $0x1;
	p0 =	seq.s32 s7, s2  }
0x1e: {  	s7 =	smul.u32 @!p0 $0xF7A, s2;
	p2 =	seq.s32 @!p0 s5, $0x0  }
0x1f: {  	s9 =	smul.u32 $0xF7A, s1;
	s8 =	simm.s32 @!p0 $0x1BF5;
	p2 =	por !p2, p0  }
0x20: {  	[sflag:s8] =	ssyncset.s32 @!p0 $0xFFFFF086;
	s6 =	sadd.s32 @!p0 s3, s7;
	s7 =	simm.s32 @!p0 $0x108  }
0x21: {  	s3 =	sadd.s32 s3, s9;
	s6 =	sadd.s32 @!p0 $0x88, s6;
	s7 =	simm.s32 @p2 $0x1082  }
0x22: {  	[simem:s7], [sflag:s8] =	dma.local @!p0 [hbm:s6], $0xF7A  }
0x23: {  	s9 =	sor.u32 $0xD0000000, s2;
	s6 =	simm.s32 $0x108;
	_ =	swait.ge @!p0 [sflag:s8], $0x0  }
0x24: {  	s3 =	sadd.s32 $0x88, s3;
	s6 =	simm.s32 @!p1 $0x1082;
	[sflag:s4] =	ssyncset.s32 $0xFFFFF086  }
0x25: {  	[simem:s6], [sflag:s4] =	dma.local [hbm:s3], $0xF7A  }
0x26: {  	[smem:$0x3F99] =	sst s1;
	(tag) =	ssettag s2;
	_ =	strace s9  }
0x27: {  	s1 =	sld [smem:$0x3FA9]  }
0x28: {  	s2 =	sld [smem:$0x3FAA]  }
0x29: {  	s4 =	sld [smem:$0x3FAC]  }
0x2a: {  	p0 =	seq.s32 s5, $0x0;
	s5 =	sld [smem:$0x3FAD]  }
0x2b: {  	s6 =	sld [smem:$0x3FAE]  }
0x2c: {  	s7 =	sld [smem:$0x3FAF]  }
0x2d: {  	s3 =	simm.s32 $0x108;
	s8 =	sld [smem:$0x3FB0]  }
0x2e: {  	s3 =	simm.s32 @!p0 $0x1082;
	s9 =	sld [smem:$0x3FB1]  }
0x2f: {  	lr =	sadd.s32 s0, s3;
	s0 =	sld [smem:$0x3FA8]  }
0x30: {  	s3 =	sld [smem:$0x3FAB]  }
0x31: {  	[smem:$0x3FB4] =	sst s10  }
0x32: {  	s10 =	sld [smem:$0x3FB2];
	_ =	sdelay $0x3  }
0x33: {  	p0 =	seq.s32 s10, $0x1;
	s10 =	sld [smem:$0x3FB4];
	_ =	sdelay $0x3  }
0x34: {  	[smem:$0x3FB4] =	sst s10  }
0x35: {  	s10 =	sld [smem:$0x3FB3];
	_ =	sdelay $0x3  }
0x36: {  	p1 =	seq.s32 s10, $0x1;
	s10 =	sld [smem:$0x3FB4];
	_ =	sdelay $0x3  }
0x37: {  	[smem:$0x3FB4] =	sst s10  }
0x38: {  	s10 =	sld [smem:$0x3FB5]  }
0x39: {  	_ = 	snop;
	(pc) =	sbr.ind lr, $3  }
0x3a: {  	_ = 	snop  }
0x3b: {  	_ = 	snop  }
0x3c: {  	p2 =	seq.s32 s10, $0x1;
	s10 =	sld [smem:$0x3FB4]  }
0x3d: {  	_ =	shalt  }
0x3e: {  	_ =	shalt  }
0x3f: {  	_ =	shalt  }
0x40: {  	_ =	shalt  }
0x41: {  	_ =	shalt  }
0x42: {  	_ =	shalt  }
0x43: {  	_ =	shalt  }
0x44: {  	_ =	shalt  }
0x45: {  	_ =	shalt  }
0x46: {  	_ =	shalt  }
0x47: {  	_ =	shalt  }
0x48: {  	_ =	shalt  }
0x49: {  	_ =	shalt  }
0x4a: {  	_ =	shalt  }
0x4b: {  	_ =	shalt  }
0x4c: {  	_ =	shalt  }
0x4d: {  	_ =	shalt  }
0x4e: {  	_ =	shalt  }
0x4f: {  	_ =	shalt  }
0x50: {  	_ =	shalt  }
0x51: {  	_ =	shalt  }
0x52: {  	_ =	shalt  }
0x53: {  	_ =	shalt  }
0x54: {  	_ =	shalt  }
0x55: {  	_ =	shalt  }
0x56: {  	_ =	shalt  }
0x57: {  	_ =	shalt  }
0x58: {  	_ =	shalt  }
0x59: {  	_ =	shalt  }
0x5a: {  	_ =	shalt  }
0x5b: {  	_ =	shalt  }
0x5c: {  	_ =	shalt  }
0x5d: {  	_ =	shalt  }
0x5e: {  	_ =	shalt  }
0x5f: {  	_ =	shalt  }
0x60: {  	_ =	shalt  }
0x61: {  	_ =	shalt  }
0x62: {  	_ =	shalt  }
0x63: {  	_ =	shalt  }
0x64: {  	_ =	shalt  }
0x65: {  	_ =	shalt  }
0x66: {  	_ =	shalt  }
0x67: {  	_ =	shalt  }
0x68: {  	_ =	shalt  }
0x69: {  	_ =	shalt  }
0x6a: {  	_ =	shalt  }
0x6b: {  	_ =	shalt  }
0x6c: {  	_ =	shalt  }
0x6d: {  	_ =	shalt  }
0x6e: {  	_ =	shalt  }
0x6f: {  	_ =	shalt  }
0x70: {  	_ =	shalt  }
0x71: {  	_ =	shalt  }
0x72: {  	_ =	shalt  }
0x73: {  	_ =	shalt  }
0x74: {  	_ =	shalt  }
0x75: {  	_ =	shalt  }
0x76: {  	_ =	shalt  }
0x77: {  	_ =	shalt  }
0x78: {  	_ =	shalt  }
0x79: {  	_ =	shalt  }
0x7a: {  	_ =	shalt  }
0x7b: {  	_ =	shalt  }
0x7c: {  	_ =	shalt  }
0x7d: {  	_ =	shalt  }
0x7e: {  	_ =	shalt  }
0x7f: {  	_ =	shalt  }
0x80: {  	_ =	shalt  }
0x81: {  	_ =	shalt  }
0x82: {  	_ =	shalt  }
0x83: {  	_ =	shalt  }
0x84: {  	_ =	shalt  }
0x85: {  	_ =	shalt  }
0x86: {  	_ =	shalt  }
0x87: {  	_ =	shalt  }
.Lfunc_end0:
.L_simem_size_0:
called_computation_lowered:
.L_overlay_start_0:
0x88: {  	s2 =	sld [smem:$0x3FD9]  }
0x89: {  	s3 =	sld [smem:$0x3FFE];
	_ =	sdelay $0x1  }
0x8a: {  	s1 =	srdreg.scid  }
0x8b: {  	s0 =	sand.u32 $0x1, s1  }
0x8c: {  	s16 =	sshll.u32 s0, $0xA;
	s2 =	sadd.s32 s3, s2  }
0x8d: {  	s2 =	sadd.s32 s2, s16  }
0x8e: {  	[smem:$0x3FC0] =	sst s2  }
0x8f: {  	_ = 	snop  }
0x90: {  	(tm) =	ssettm $0x1  }
0x91: {  	s17 =	sld [smem:$0x3FFB];
	_ =	sdelay $0x3  }
0x92: {  	_ =	strace s17  }
0x93: {  	s2 =	sld [smem:$0x3FFC];
	_ =	sdelay $0x3  }
0x94: {  	_ =	strace s2  }
0x95: {  	s2 =	sld [smem:$0x3FFD];
	_ =	sdelay $0x3  }
0x96: {  	_ =	strace s2  }
0x97: {  	_ =	strace $0x8FFFFFFF  }
0x98: {  	s18 =	sld [smem:$0x3FDB];
	_ =	sdelay $0x1  }
0x99: {  	s19 =	simm.s32 $_scs_section_size  }
0x9a: {  	s4 =	simm.s32 $_size__tile_overlayer_lowered;
	s5 =	simm.s32 $_tile_overlayer_lowered  }
0x9b: {  	s22 =	simm.s32 $0x1BFF;
	s21 =	sshll.u32 s5, $0x1;
	s2 =	sadd.s32 s19, s18  }
0x9c: {  	s6 =	simm.s32 $0x0;
	s20 =	sshll.u32 s4, $0x1;
	s4 =	sadd.s32 s21, s2  }
0x9d: {  	[timem:s6], [sflag:s22] =	dma.local [hbm:s4], s20  }
0x9e: {  	_ =	swait.ge [sflag:s22], s20  }
0x9f: {  	s3 =	ssub.s32 $0x0, s20;
	[sflag:s22] =	ssyncset.done $0x0  }
0xa0: {  	[sflag:s22] =	ssyncadd.s32 s3;
	_ =	sdelay $0x1  }
0xa1: {  	s23 =	simm.s32 $0x1B8B  }
0xa2: {  	_ =	swait.ge [sflag:s23], $0x1  }
0xa3: {  	[sflag:s23] =	ssyncset.done $0x0  }
0xa4: {  	s25 =	simm.s32 $0x1B8E;
	s24 =	sld [smem:$0x3FFE];
	[sflag:s23] =	ssyncadd.s32 $0xFFFFFFFF  }
0xa5: {  	s26 =	simm.s32 $execute0_lowered;
	[smem:$0x3FD2] =	sst s25  }
0xa6: {  	s4 =	sshll.u32 s26, $0x1;
	_ =	strace $0x80000046;
	[dreg:$0x1] =	wrdreg $0xFFFFFFFF  }
0xa7: {  	s28 =	simm.s32 $_size_execute0_lowered;
	s2 =	sadd.s32 s2, s4;
	[dreg:$0x0] =	wrdreg $0x0  }
0xa8: {  	s4 =	sshll.u32 s28, $0x1;
	[dreg:$0x2] =	wrdreg s2  }
0xa9: {  	[dreg:$0x3] =	wrdreg s4  }
0xaa: {  	[dreg:$0x4] =	wrdreg $0xC0  }
0xab: {  	_ =	task [dreg:s6], $0x5FFFF  }
0xac: {  	[dreg:$0x1] =	wrdreg $0xFFFFFFFF  }
0xad: {  	[dreg:$0x0] =	wrdreg $0x60  }
0xae: {  	[dreg:$0x2] =	wrdreg s24  }
0xaf: {  	[dreg:$0x3] =	wrdreg $0xC3000  }
0xb0: {  	[dreg:$0x4] =	wrdreg $0x9  }
0xb1: {  	_ =	task.clear_ibuf [dreg:s6], $0x5FFFF;
	_ =	strace $0x90000046  }
0xb2: {  	s29 =	simm.s32 $0x9;
	_ =	strace $0x80000048  }
0xb3: {  	_ =	swait.ge [sflag:s29], $0x1  }
0xb4: {  	[sflag:s29] =	ssyncadd.s32 $0xFFFFFFFF  }
0xb5: {  	_ =	strace $0x90000048  }
0xb6: {  	_ =	sfence  }
0xb7: {  	s30 =	sld [smem:$0x0];
	_ =	sdelay $0x2  }
0xb8: {  	s31 =	sshll.u32 s1, $0xD;
	s1 =	sshrl.u32 s1, $0x2  }
0xb9: {  	s3 =	sand.u32 $0x4000, s31;
	s1 =	sadd.s32 s1, s30  }
0xba: {  	s0 =	sor.u32 s3, s0;
	s1 =	sshll.u32 s1, $0x11  }
0xbb: {  	s0 =	sor.u32 s1, s0  }
0xbc: {  	s0 =	sadd.s32 $0x8F2B, s0  }
0xbd: {  	[sflag:s0] =	ssyncadd.remote.s32 $0x1  }
0xbe: {  	_ =	sfence.sel $0xFFFF  }
0xbf: {  	[dreg:$0x0] =	wrdreg $0xFFFFFFFF;
	(pc) =	sbr.abs _section_cstart, $3  }
0xc0: {  	[dreg:$0x1] =	wrdreg $0xFFFFFFFF  }
0xc1: {  	_ =	task.clear_ibuf [dreg:s6], $0x2FFFF;
	_ =	strace $0x9FFFFFFF  }
0xc2: {  	(tm) =	ssettm $0x7FFFFFFF  }
0xc3: {  	_ =	shalt  }
tec
execute0_lowered:
.L_overlay_start_1:
0x0: {  	(tag) =	ssettag $0x1  }
0x1: {  	s0 =	rddreg [dreg:$0x0]  }
0x2: {  	s1 =	rddreg [dreg:$0x1]  }
0x3: {  	s2 =	simm.s32 $0x0;
	s6 =	srdreg.scid;
	s13 =	stileid.u32  }
0x4: {  	s28 =	simm.s32 $0x2;
	s29 =	simm.s32 $0x4300;
	s30 =	simm.s32 $0x3  }
0x5: {  	s31 =	simm.s32 $0x8300;
	[smem:$0x7FF] =	sst s2;
	s3 =	sadd.s32 $0x1A00, s0  }
0x6: {  	s4 =	sadd.s32 $0x28C00, s0;
	s5 =	sadd.s32 $0x33000, s0;
	s8 =	smul.u32 $0x4E000, s13  }
0x7: {  	s14 =	sadd.s32 $0x3D400, s0;
	s6 =	sand.u32 $0x1, s6;
	s10 =	smul.u32 $0x2700, s13  }
0x8: {  	s0 =	sadd.s32 $0x64600, s0;
	s23 =	sadd.s32 $0x138000, s1;
	s16 =	smul.u32 $0x13800, s13  }
0x9: {  	p1 =	seq.s32 s13, $0xF;
	p2 =	sne.s32 s13, $0xF;
	_ =	strace $0x80000047  }
0xa: {  	s7 =	sshll.u32 s6, $0x4;
	[dreg:$0x5] =	wrdreg s14;
	s26 =	smul.u32 $0x138800, s6  }
0xb: {  	s9 =	ssub.s32 $0x2, s6;
	[dreg:$0x8] =	wrdreg s23;
	s21 =	smul.u32 $0x5100, s6  }
0xc: {  	s23 =	smul.u32 $0x510, s13;
	p0 =	sne.s32 s6, $0x0;
	s6 =	simm.s32 $0x6  }
0xd: {  	s7 =	sor.u32 s13, s7;
	s11 =	sshrl.u32 s9, $0x1;
	s8 =	sshrl.u32 s8, $0x2  }
0xe: {  	s22 =	sadd.s32 s14, s10;
	s24 =	sadd.s32 s3, s10;
	s10 =	simm.s32 $0xA  }
0xf: {  	s13 =	simm.s32 $0x0;
	s12 =	smul.u32 $0x510, s7;
	s9 =	ssub.s32 s9, s11  }
0x10: {  	s8 =	sadd.s32 s8, s1;
	s7 =	smul.u32 $0x2880, s7;
	[dreg:$0x7] =	wrdreg s22  }
0x11: {  	[dreg:$0x9] =	wrdreg s24;
	s20 =	sadd.s32 s16, s26;
	s24 =	sshrl.u32 s26, $0x3  }
0x12: {  	s11 =	simm.s32 $0xB;
	[dreg:$0x6] =	wrdreg s8;
	s22 =	sshrl.u32 s20, $0x3  }
0x13: {  	s26 =	smax.u32 s9, $0x1;
	s20 =	simm.s32 $0x180;
	s9 =	simm.s32 $0x8  }
0x14: {  	s25 =	sadd.s32 s4, s12;
	s7 =	sshrl.u32 s7, $0x3;
	[dreg:$0x12] =	wrdreg s26  }
0x15: {  	s14 =	sadd.s32 s5, s12;
	[dreg:$0xa] =	wrdreg s25;
	s15 =	sadd.s32 $0x10, s7  }
0x16: {  	s26 =	simm.s32 $0x300;
	[dreg:$0xb] =	wrdreg s14;
	s17 =	sadd.s32 s4, s15  }
0x17: {  	s7 =	sadd.s32 $0x20, s7;
	s18 =	sadd.s32 s5, s15;
	[dreg:$0xc] =	wrdreg s17  }
0x18: {  	s12 =	simm.s32 $0xC;
	s19 =	sadd.s32 s4, s7;
	[dreg:$0xd] =	wrdreg s18  }
0x19: {  	s7 =	sadd.s32 s5, s7;
	s4 =	sadd.s32 s21, s4;
	[dreg:$0xe] =	wrdreg s19  }
0x1a: {  	s5 =	sadd.s32 s21, s5;
	s21 =	simm.s32 $0x80;
	[dreg:$0xf] =	wrdreg s7  }
0x1b: {  	s7 =	sadd.s32 s0, s22;
	s0 =	sadd.s32 s0, s24;
	s4 =	sadd.s32 s23, s4  }
0x1c: {  	s25 =	sadd.s32 s23, s5;
	s19 =	simm.s32 $0xD;
	s22 =	simm.s32 $0x200  }
0x1d: {  	s23 =	simm.s32 $0x100;
	s24 =	simm.s32 $0x280;
	[dreg:$0x10] =	wrdreg s7  }
0x1e: {  	s5 =	simm.s32 $0x5;
	s0 =	sadd.s32 $0x27000, s0;
	[dreg:$0x3] =	wrdreg s4  }
0x1f: {  	[dreg:$0x4] =	wrdreg s25;
	s25 =	simm.s32 $0x1;
	s7 =	simm.s32 $0x4  }
0x20: {  	s4 =	simm.s32 $0x9;
	[dreg:$0x11] =	wrdreg s0;
	s0 =	simm.s32 $0x7  }
.LBB2_1:
.Ltmp0:
0x21: {  	(pc) =	sbr.rel @p0 .LBB2_3-.Ltmp0, $4  }
0x22: {  	_ = 	snop  }
0x23: {  	s8 =	stileid.u32  }
0x24: {  	s18 =	rddreg [dreg:$0x6];
	s14 =	sshll.u32 s8, $0x6  }
0x25: {  	s15 =	sshrl.u32 s18, $0x3;
	s16 =	sor.u32 $0x1C0D, s14  }
0x26: {  	s16 =	sor.u32 $0x1C0D, s14;
	s8 =	rddreg [dreg:$0x9]  }
0x27: {  	[spmem:s15], [sflag:s16] =	dma.local [hbm:s8], $0x2700  }
.Ltmp1:
0x28: {  	_ = 	snop;
	(pc) =	sbr.rel @p1 .LBB2_4-.Ltmp1, $4  }
.Ltmp2:
0x29: {  	_ = 	snop;
	(pc) =	sbr.rel @!p1 .LBB2_5-.Ltmp2, $4  }
0x2a: {  	_ =	swait.ge [sflag:s19], $0x2700  }
0x2b: {  	[sflag:s19] =	ssyncset.done $0x0  }
0x2c: {  	s17 =	smov.u32 s3;
	[sflag:s19] =	ssyncadd.s32 $0xFFFFD900  }
0x2d: {  	_ = 	snop  }
.LBB2_3:
.Ltmp3:
0x2e: {  	s8 =	rddreg [dreg:$0x7];
	(pc) =	sbr.rel @p2 .LBB2_5-.Ltmp3, $4  }
0x2f: {  	[spmem:s15], [sflag:s16] =	dma.local [hbm:s8], $0x2700  }
0x30: {  	_ =	swait.ge [sflag:s19], $0x2700  }
0x31: {  	[sflag:s19] =	ssyncset.done $0x0  }
0x32: {  	s17 =	rddreg [dreg:$0x5];
	[sflag:s19] =	ssyncadd.s32 $0xFFFFD900  }
.LBB2_4:
0x33: {  	s8 =	rddreg [dreg:$0x8]  }
0x34: {  	s17 =	sadd.s32 $0x27000, s17;
	s18 =	sshrl.u32 s8, $0x3  }
0x35: {  	[spmem:s18], [sflag:s16] =	dma.local [hbm:s17], $0x100  }
0x36: {  	_ =	swait.ge [sflag:s19], $0x100  }
0x37: {  	[sflag:s19] =	ssyncset.done $0x0  }
0x38: {  	[sflag:s19] =	ssyncadd.s32 $0xFFFFFF00  }
.LBB2_5:
0x39: {  	[bflag:$0x0] =	sbarrier.arrive $0xFFFF  }
0x3a: {  	s16 =	simm.s32 $0x0;
	s8 =	rddreg [dreg:$0xa]  }
0x3b: {  	[tilespmem:s16], [sflag:$0x1] =	stream.linear.gather [hbm4b:s8+s16], $0x80, $0x38;
	[tilespmem:$0x1FB80] =	vst v63  }
0x3c: {  	s17 =	rddreg [dreg:$0xb]  }
0x3d: {  	[tilespmem:s20], [sflag:$0x4] =	stream.linear.gather [hbm4b:s17+s16], $0x80, $0x38;
	[tilespmem:$0x1FB80] =	vst v63  }
0x3e: {  	s18 =	rddreg [dreg:$0xc]  }
0x3f: {  	[tilespmem:s21], [sflag:$0x2] =	stream.linear.gather [hbm4b:s18+s16], $0x80, $0x38;
	[tilespmem:$0x1FB80] =	vst v63  }
0x40: {  	s17 =	rddreg [dreg:$0xd]  }
0x41: {  	[tilespmem:s22], [sflag:$0x5] =	stream.linear.gather [hbm4b:s17+s16], $0x80, $0x38;
	[tilespmem:$0x1FB80] =	vst v63  }
0x42: {  	s18 =	rddreg [dreg:$0xe]  }
0x43: {  	[tilespmem:s23], [sflag:$0x3] =	stream.linear.gather [hbm4b:s18+s16], $0x80, $0x38;
	[tilespmem:$0x1FB80] =	vst v63  }
0x44: {  	s17 =	rddreg [dreg:$0xf]  }
0x45: {  	[tilespmem:s24], [sflag:$0x6] =	stream.linear.gather [hbm4b:s17+s16], $0x80, $0x38;
	[tilespmem:$0x1FB80] =	vst v63  }
0x46: {  	_ =	swait.ge [sflag:s25], $0x80  }
0x47: {  	[sflag:s25] =	ssyncset.done $0x0  }
0x48: {  	[sflag:s25] =	ssyncadd.s32 $0xFFFFFF80  }
0x49: {  	[tilespmem:s26], [sflag:$0x7] =	stream.indirect.gather [hbm4b:s3+s21], $0x80, s16, s21, $0xb8;
	[tilespmem:$0x1FB80] =	vst v63  }
0x4a: {  	_ =	swait.ge [sflag:s28], $0x80  }
0x4b: {  	[sflag:s28] =	ssyncset.done $0x0  }
0x4c: {  	[sflag:s28] =	ssyncadd.s32 $0xFFFFFF80  }
0x4d: {  	[tilespmem:s29], [sflag:$0x8] =	stream.indirect.gather [hbm4b:s3+s21], $0x80, s21, s21, $0xb8;
	[tilespmem:$0x1FB80] =	vst v63  }
0x4e: {  	_ =	swait.ge [sflag:s30], $0x80  }
0x4f: {  	[sflag:s30] =	ssyncset.done $0x0  }
0x50: {  	[sflag:s30] =	ssyncadd.s32 $0xFFFFFF80  }
0x51: {  	[tilespmem:s31], [sflag:$0x9] =	stream.indirect.gather [hbm4b:s3+s21], $0x80, s23, s21, $0xb8;
	[tilespmem:$0x1FB80] =	vst v63  }
0x52: {  	_ =	swait.ge [sflag:s0], $0x4000  }
0x53: {  	[sflag:s0] =	ssyncset.done $0x0  }
0x54: {  	[sflag:s0] =	ssyncadd.s32 $0xFFFFC000  }
0x55: {  	_ =	swait.ge [sflag:s7], $0x80  }
0x56: {  	[sflag:s7] =	ssyncset.done $0x0;
	s18 =	rddreg [dreg:$0x3]  }
0x57: {  	[sflag:s7] =	ssyncadd.s32 $0xFFFFFF80;
	s16 =	sadd.s32 $0x0, s18  }
0x58: {  	[spmem:s1] =	stream.indirect.scatter.add.f32 [tilespmem:s26], [sflag:$0xA], $0x80, s20, s21, $0xb8;
	[tilespmem:$0x1FB80] =	vst v63  }
0x59: {  	s17 =	sadd.s32 $0x30, s16  }
0x5a: {  	[tilespmem:s2], [sflag:$0x1] =	stream.linear.gather [hbm4b:s17+s2], $0x80, $0x38;
	[tilespmem:$0x1FB80] =	vst v63  }
0x5b: {  	_ =	swait.ge [sflag:s9], $0x4000  }
0x5c: {  	[sflag:s9] =	ssyncset.done $0x0  }
0x5d: {  	[sflag:s9] =	ssyncadd.s32 $0xFFFFC000  }
0x5e: {  	_ =	swait.ge [sflag:s5], $0x80  }
0x5f: {  	[sflag:s5] =	ssyncset.done $0x0  }
0x60: {  	[sflag:s5] =	ssyncadd.s32 $0xFFFFFF80  }
0x61: {  	[spmem:s1] =	stream.indirect.scatter.add.f32 [tilespmem:s29], [sflag:$0xB], $0x80, s22, s21, $0xb8;
	[tilespmem:$0x1FB80] =	vst v63  }
0x62: {  	s8 =	sadd.s32 $0x40, s16  }
0x63: {  	[tilespmem:s21], [sflag:$0x2] =	stream.linear.gather [hbm4b:s8+s2], $0x80, $0x38;
	[tilespmem:$0x1FB80] =	vst v63  }
0x64: {  	_ =	swait.ge [sflag:s4], $0x4000  }
0x65: {  	[sflag:s4] =	ssyncset.done $0x0  }
0x66: {  	[sflag:s4] =	ssyncadd.s32 $0xFFFFC000  }
0x67: {  	_ =	swait.ge [sflag:s6], $0x80  }
0x68: {  	[sflag:s6] =	ssyncset.done $0x0  }
0x69: {  	[sflag:s6] =	ssyncadd.s32 $0xFFFFFF80  }
0x6a: {  	[spmem:s1] =	stream.indirect.scatter.add.f32 [tilespmem:s31], [sflag:$0xC], $0x80, s24, s21, $0xb8;
	[tilespmem:$0x1FB80] =	vst v63  }
0x6b: {  	s16 =	sadd.s32 $0x50, s16  }
0x6c: {  	[tilespmem:s23], [sflag:$0x3] =	stream.linear.gather [hbm4b:s16+s2], $0x80, $0x38;
	[tilespmem:$0x1FB80] =	vst v63  }
0x6d: {  	_ =	swait.ge [sflag:s10], $0x4000  }
0x6e: {  	s18 =	rddreg [dreg:$0x4]  }
0x6f: {  	[sflag:s10] =	ssyncset.done $0x0;
	s16 =	sadd.s32 $0x0, s18  }
0x70: {  	[sflag:s10] =	ssyncadd.s32 $0xFFFFC000;
	s8 =	sadd.s32 $0x30, s16  }
0x71: {  	[tilespmem:s20], [sflag:$0x4] =	stream.linear.gather [hbm4b:s8+s2], $0x80, $0x38;
	[tilespmem:$0x1FB80] =	vst v63  }
0x72: {  	_ =	swait.ge [sflag:s25], $0x80  }
0x73: {  	[sflag:s25] =	ssyncset.done $0x0  }
0x74: {  	[sflag:s25] =	ssyncadd.s32 $0xFFFFFF80  }
0x75: {  	[tilespmem:s26], [sflag:$0x7] =	stream.indirect.gather [hbm4b:s3+s21], $0x80, s2, s21, $0xb8;
	[tilespmem:$0x1FB80] =	vst v63  }
0x76: {  	_ =	swait.ge [sflag:s11], $0x4000  }
0x77: {  	[sflag:s11] =	ssyncset.done $0x0  }
0x78: {  	s18 =	sadd.s32 $0x40, s16;
	[sflag:s11] =	ssyncadd.s32 $0xFFFFC000  }
0x79: {  	[tilespmem:s22], [sflag:$0x5] =	stream.linear.gather [hbm4b:s18+s2], $0x80, $0x38;
	[tilespmem:$0x1FB80] =	vst v63  }
0x7a: {  	_ =	swait.ge [sflag:s28], $0x80  }
0x7b: {  	[sflag:s28] =	ssyncset.done $0x0  }
0x7c: {  	[sflag:s28] =	ssyncadd.s32 $0xFFFFFF80  }
0x7d: {  	[tilespmem:s29], [sflag:$0x8] =	stream.indirect.gather [hbm4b:s3+s21], $0x80, s21, s21, $0xb8;
	[tilespmem:$0x1FB80] =	vst v63  }
0x7e: {  	_ =	swait.ge [sflag:s12], $0x4000  }
0x7f: {  	[sflag:s12] =	ssyncset.done $0x0  }
0x80: {  	s16 =	sadd.s32 $0x50, s16;
	[sflag:s12] =	ssyncadd.s32 $0xFFFFC000  }
0x81: {  	[tilespmem:s24], [sflag:$0x6] =	stream.linear.gather [hbm4b:s16+s2], $0x80, $0x38;
	[tilespmem:$0x1FB80] =	vst v63  }
0x82: {  	_ =	swait.ge [sflag:s30], $0x80  }
0x83: {  	s16 =	simm.s32 $0x30;
	[sflag:s30] =	ssyncset.done $0x0  }
.LBB2_6:
0x84: {  	[sflag:s30] =	ssyncadd.s32 $0xFFFFFF80  }
0x85: {  	[tilespmem:s31], [sflag:$0x9] =	stream.indirect.gather [hbm4b:s3+s21], $0x80, s23, s21, $0xb8;
	[tilespmem:$0x1FB80] =	vst v63  }
0x86: {  	_ =	swait.ge [sflag:s0], $0x4000  }
0x87: {  	[sflag:s0] =	ssyncset.done $0x0  }
0x88: {  	[sflag:s0] =	ssyncadd.s32 $0xFFFFC000  }
0x89: {  	_ =	swait.ge [sflag:s7], $0x80  }
0x8a: {  	s17 =	smov.u32 s16;
	[sflag:s7] =	ssyncset.done $0x0;
	s18 =	rddreg [dreg:$0x3]  }
0x8b: {  	[sflag:s7] =	ssyncadd.s32 $0xFFFFFF80;
	s18 =	sadd.s32 s17, s18  }
0x8c: {  	[spmem:s1] =	stream.indirect.scatter.add.f32 [tilespmem:s26], [sflag:$0xA], $0x80, s20, s21, $0xb8;
	[tilespmem:$0x1FB80] =	vst v63  }
0x8d: {  	s8 =	sadd.s32 $0x30, s18  }
0x8e: {  	[tilespmem:s2], [sflag:$0x1] =	stream.linear.gather [hbm4b:s8+s2], $0x80, $0x38;
	[tilespmem:$0x1FB80] =	vst v63  }
0x8f: {  	_ =	swait.ge [sflag:s9], $0x4000  }
0x90: {  	[sflag:s9] =	ssyncset.done $0x0  }
0x91: {  	[sflag:s9] =	ssyncadd.s32 $0xFFFFC000  }
0x92: {  	_ =	swait.ge [sflag:s5], $0x80  }
0x93: {  	[sflag:s5] =	ssyncset.done $0x0  }
0x94: {  	[sflag:s5] =	ssyncadd.s32 $0xFFFFFF80  }
0x95: {  	[spmem:s1] =	stream.indirect.scatter.add.f32 [tilespmem:s29], [sflag:$0xB], $0x80, s22, s21, $0xb8;
	[tilespmem:$0x1FB80] =	vst v63  }
0x96: {  	s8 =	sadd.s32 $0x40, s18  }
0x97: {  	[tilespmem:s21], [sflag:$0x2] =	stream.linear.gather [hbm4b:s8+s2], $0x80, $0x38;
	[tilespmem:$0x1FB80] =	vst v63  }
0x98: {  	_ =	swait.ge [sflag:s4], $0x4000  }
0x99: {  	[sflag:s4] =	ssyncset.done $0x0  }
0x9a: {  	[sflag:s4] =	ssyncadd.s32 $0xFFFFC000  }
0x9b: {  	_ =	swait.ge [sflag:s6], $0x80  }
0x9c: {  	[sflag:s6] =	ssyncset.done $0x0  }
0x9d: {  	[sflag:s6] =	ssyncadd.s32 $0xFFFFFF80  }
0x9e: {  	[spmem:s1] =	stream.indirect.scatter.add.f32 [tilespmem:s31], [sflag:$0xC], $0x80, s24, s21, $0xb8;
	[tilespmem:$0x1FB80] =	vst v63  }
0x9f: {  	s18 =	sadd.s32 $0x50, s18  }
0xa0: {  	[tilespmem:s23], [sflag:$0x3] =	stream.linear.gather [hbm4b:s18+s2], $0x80, $0x38;
	[tilespmem:$0x1FB80] =	vst v63  }
0xa1: {  	_ =	swait.ge [sflag:s10], $0x4000  }
0xa2: {  	s18 =	rddreg [dreg:$0x4]  }
0xa3: {  	[sflag:s10] =	ssyncset.done $0x0;
	s8 =	sadd.s32 s17, s18  }
0xa4: {  	[sflag:s10] =	ssyncadd.s32 $0xFFFFC000;
	s17 =	sadd.s32 $0x30, s8  }
0xa5: {  	[tilespmem:s20], [sflag:$0x4] =	stream.linear.gather [hbm4b:s17+s2], $0x80, $0x38;
	[tilespmem:$0x1FB80] =	vst v63  }
0xa6: {  	_ =	swait.ge [sflag:s25], $0x80  }
0xa7: {  	[sflag:s25] =	ssyncset.done $0x0  }
0xa8: {  	[sflag:s25] =	ssyncadd.s32 $0xFFFFFF80  }
0xa9: {  	[tilespmem:s26], [sflag:$0x7] =	stream.indirect.gather [hbm4b:s3+s21], $0x80, s2, s21, $0xb8;
	[tilespmem:$0x1FB80] =	vst v63  }
0xaa: {  	_ =	swait.ge [sflag:s11], $0x4000  }
0xab: {  	[sflag:s11] =	ssyncset.done $0x0  }
0xac: {  	s18 =	sadd.s32 $0x40, s8;
	[sflag:s11] =	ssyncadd.s32 $0xFFFFC000  }
0xad: {  	[tilespmem:s22], [sflag:$0x5] =	stream.linear.gather [hbm4b:s18+s2], $0x80, $0x38;
	[tilespmem:$0x1FB80] =	vst v63  }
0xae: {  	_ =	swait.ge [sflag:s28], $0x80  }
0xaf: {  	[sflag:s28] =	ssyncset.done $0x0  }
0xb0: {  	[sflag:s28] =	ssyncadd.s32 $0xFFFFFF80  }
0xb1: {  	[tilespmem:s29], [sflag:$0x8] =	stream.indirect.gather [hbm4b:s3+s21], $0x80, s21, s21, $0xb8;
	[tilespmem:$0x1FB80] =	vst v63  }
0xb2: {  	p3 =	sne.s32 s16, $0x4E0;
	_ =	swait.ge [sflag:s12], $0x4000  }
.Ltmp4:
0xb3: {  	[sflag:s12] =	ssyncset.done $0x0;
	(pc) =	sbr.rel @p3 .LBB2_6-.Ltmp4, $4  }
0xb4: {  	s8 =	sadd.s32 $0x50, s8;
	[sflag:s12] =	ssyncadd.s32 $0xFFFFC000  }
0xb5: {  	[tilespmem:s24], [sflag:$0x6] =	stream.linear.gather [hbm4b:s8+s2], $0x80, $0x38;
	[tilespmem:$0x1FB80] =	vst v63  }
0xb6: {  	_ =	swait.ge [sflag:s30], $0x80  }
0xb7: {  	s16 =	sadd.s32 $0x30, s16;
	[sflag:s30] =	ssyncset.done $0x0  }
0xb8: {  	[sflag:s30] =	ssyncadd.s32 $0xFFFFFF80  }
0xb9: {  	[tilespmem:s31], [sflag:$0x9] =	stream.indirect.gather [hbm4b:s3+s21], $0x80, s23, s21, $0xb8;
	[tilespmem:$0x1FB80] =	vst v63  }
0xba: {  	_ =	swait.ge [sflag:s0], $0x4000  }
0xbb: {  	[sflag:s0] =	ssyncset.done $0x0  }
0xbc: {  	[sflag:s0] =	ssyncadd.s32 $0xFFFFC000  }
0xbd: {  	_ =	swait.ge [sflag:s7], $0x80  }
0xbe: {  	[sflag:s7] =	ssyncset.done $0x0  }
0xbf: {  	[sflag:s7] =	ssyncadd.s32 $0xFFFFFF80  }
0xc0: {  	_ =	swait.ge [sflag:s9], $0x4000  }
0xc1: {  	[sflag:s9] =	ssyncset.done $0x0  }
0xc2: {  	[sflag:s9] =	ssyncadd.s32 $0xFFFFC000  }
0xc3: {  	_ =	swait.ge [sflag:s5], $0x80  }
0xc4: {  	[sflag:s5] =	ssyncset.done $0x0  }
0xc5: {  	[sflag:s5] =	ssyncadd.s32 $0xFFFFFF80  }
0xc6: {  	_ =	swait.ge [sflag:s4], $0x4000  }
0xc7: {  	[sflag:s4] =	ssyncset.done $0x0  }
0xc8: {  	[sflag:s4] =	ssyncadd.s32 $0xFFFFC000  }
0xc9: {  	_ =	swait.ge [sflag:s6], $0x80  }
0xca: {  	[sflag:s6] =	ssyncset.done $0x0  }
0xcb: {  	[sflag:s6] =	ssyncadd.s32 $0xFFFFFF80  }
0xcc: {  	[bflag:$0x0] =	sbarrier.arrive $0xFFFF  }
0xcd: {  	s8 =	sor.u32 $0x1C0D, s14;
	s17 =	rddreg [dreg:$0x10]  }
0xce: {  	[hbm:s17], [sflag:s8] =	dma.local [spmem:s15], $0x2700  }
0xcf: {  	_ =	swait.ge [sflag:s19], $0x2700  }
0xd0: {  	[sflag:s19] =	ssyncset.done $0x0;
	s14 =	rddreg [dreg:$0x8]  }
0xd1: {  	s15 =	rddreg [dreg:$0x11];
	[sflag:s19] =	ssyncadd.s32 $0xFFFFD900;
	s14 =	sshrl.u32 @!p2 s14, $0x3  }
0xd2: {  	[hbm:s15], [sflag:s8] =	dma.local @!p2 [spmem:s14], $0x100  }
0xd3: {  	s8 =	simm.s32 @!p2 $0xD  }
0xd4: {  	_ =	swait.ge @!p2 [sflag:s8], $0x100  }
0xd5: {  	s13 =	sadd.s32 $0x1, s13;
	s18 =	rddreg [dreg:$0x12]  }
0xd6: {  	p3 =	sne.s32 s13, s18  }
.Ltmp5:
0xd7: {  	_ = 	snop;
	(pc) =	sbr.rel @p3 .LBB2_1-.Ltmp5, $3  }
0xd8: {  	_ =	sdelay $0x1  }
0xd9: {  	[sflag:s8] =	ssyncset.done @!p2 $0x0  }
0xda: {  	[sflag:s8] =	ssyncadd.s32 @!p2 $0xFFFFFF00  }
0xdb: {  	_ =	sfence.sel $0x180000  }
0xdc: {  	[bflag:$0x0] =	sbarrier.arrive $0xFFFF  }
0xdd: {  	_ =	strace $0x90000047  }
0xde: {  	s0 =	stileid.u32;
	[bflag:$0x2] =	sbarrier.arrive $0xFFFF  }
0xdf: {  	p0 =	sne.s32 s0, $0x0;
	s0 =	rddreg [dreg:$0x2]  }
0xe0: {  	s0 =	sadd.s32 @!p0 $0x100000, s0  }
0xe1: {  	[sflag:s0] =	ssyncadd.tile.s32 @!p0 $0x1;
	_ =	shalt  }
.Lfunc_end2:
_tile_overlayer_lowered:
.L_overlay_start_2:
0xe2: {  	(tag) =	ssettag $0x2  }
0xe3: {  	s0 =	rddreg [dreg:$0x0];
	s2 =	stileid.u32  }
0xe4: {  	s1 =	rddreg [dreg:$0x1];
	p0 =	sne.s32 s2, $0x0  }
0xe5: {  	s3 =	rddreg [dreg:$0x2];
	[bflag:$0x3] =	sbarrier.arrive $0xFFFF;
	s2 =	simm.s32 @!p0 $0x1C0D  }
0xe6: {  	[timem:s3], [sflag:s2] =	dma.local @!p0 [hbm:s0], s1  }
0xe7: {  	s0 =	simm.s32 @!p0 $0xD  }
0xe8: {  	_ =	swait.ge @!p0 [sflag:s0], s1  }
0xe9: {  	s1 =	ssub.s32 @!p0 $0x0, s1;
	[sflag:s0] =	ssyncset.done @!p0 $0x0  }
0xea: {  	[sflag:s0] =	ssyncadd.s32 @!p0 s1  }
0xeb: {  	[bflag:$0x3] =	sbarrier.arrive $0xFFFF  }
0xec: {  	_ =	shalt  }

</sc_bundles>
